<compile_context>
chip_gen: v7x
topology: tpu7x:2x2x1
jax: 0.10.2.dev20260603
libtpu: 0.0.44.dev20260713+nightly
codegen_flags: <defaults>
</compile_context>

<pallas_src>
import functools

import jax
import jax.numpy as jnp
from jax import lax
from jax.experimental import pallas as pl
from jax.experimental.pallas import tpu as pltpu
from jax.experimental.pallas import tpu_sc as plsc

NC = 2
NS = 16

_MESH = plsc.VectorSubcoreMesh(
    core_axis_name="c", subcore_axis_name="s", num_cores=NC, num_subcores=NS)


def _fill_f32(ref, n, value):
    vec = jnp.full((16,), value, jnp.float32)

    def body(j, carry):
        ref[pl.ds(j * 16, 16)] = vec
        return carry

    lax.fori_loop(0, n // 16, body, 0)
    if n % 16:
        ref[pl.ds(n - 16, 16)] = vec


def _degree(dst, n, e):
    ew = e // (NC * NS)
    c = 5000
    zc = 1000
    assert ew % c == 0 and n % zc == 0

    @functools.partial(
        pl.kernel,
        out_type=jax.ShapeDtypeStruct((NC, n), jnp.float32),
        mesh=_MESH,
        compiler_params=pltpu.CompilerParams(use_tc_tiling_on_sc=False),
        scratch_types=[
            pltpu.VMEM_SHARED((n,), jnp.float32),
            pltpu.VMEM((c,), jnp.int32),
            pltpu.VMEM((c,), jnp.float32),
            pltpu.VMEM((zc,), jnp.float32),
            pltpu.SemaphoreType.DMA,
        ],
    )
    def k(dst_hbm, out_hbm, deg_sh, idx_v, ones_v, zeros_v, sem):
        core = lax.axis_index("c")
        sid = lax.axis_index("s")
        wid = core * NS + sid
        _fill_f32(ones_v, c, 1.0)
        _fill_f32(zeros_v, zc, 0.0)

        @pl.when(sid == 0)
        def _():
            def zbody(i, carry):
                pltpu.sync_copy(zeros_v, deg_sh.at[pl.ds(i * zc, zc)])
                return carry
            lax.fori_loop(0, n // zc, zbody, 0)

        plsc.subcore_barrier()

        def ebody(i, carry):
            base = wid * ew + i * c
            pltpu.sync_copy(dst_hbm.at[pl.ds(base, c)], idx_v)
            pltpu.sync_copy(ones_v, deg_sh.at[idx_v], add=True)
            return carry

        lax.fori_loop(0, ew // c, ebody, 0)
        plsc.subcore_barrier()

        @pl.when((sid == 0) & (core == 0))
        def _():
            pltpu.sync_copy(deg_sh, out_hbm.at[0])

        @pl.when((sid == 0) & (core == 1))
        def _():
            pltpu.sync_copy(deg_sh, out_hbm.at[1])

    return k(dst)


def _gcn_scatter(src, dst, ga, gb, n, e):
    h = ga.shape[1]
    et = e // NS
    c = 400
    assert et % c == 0

    nc = et // c

    @functools.partial(
        pl.kernel,
        out_type=jax.ShapeDtypeStruct((NC, n, h), jnp.float32),
        mesh=_MESH,
        compiler_params=pltpu.CompilerParams(use_tc_tiling_on_sc=False),
        scratch_types=[
            pltpu.VMEM_SHARED((n, h), jnp.float32),
            pltpu.VMEM((c,), jnp.int32),
            pltpu.VMEM((c,), jnp.int32),
            pltpu.VMEM((c,), jnp.int32),
            pltpu.VMEM((c,), jnp.int32),
            pltpu.VMEM((c, h), jnp.float32),
            pltpu.VMEM((c, h), jnp.float32),
            pltpu.SemaphoreType.DMA,
            pltpu.SemaphoreType.DMA,
        ],
    )
    def k(src_hbm, dst_hbm, ga_hbm, gb_hbm, out_hbm, s_sh, idxs0, idxs1,
          idxd0, idxd1, rows0, rows1, sem0, sem1):
        core = lax.axis_index("c")
        sid = lax.axis_index("s")
        idxs = (idxs0, idxs1)
        idxd = (idxd0, idxd1)
        rows = (rows0, rows1)
        sems = (sem0, sem1)

        @pl.when((sid == 0) & (core == 0))
        def _():
            pltpu.sync_copy(ga_hbm, s_sh)

        @pl.when((sid == 0) & (core == 1))
        def _():
            pltpu.sync_copy(gb_hbm, s_sh)

        plsc.subcore_barrier()

        def start(i, b):
            base = sid * et + i * c
            pltpu.sync_copy(src_hbm.at[pl.ds(base, c)], idxs[b])
            pltpu.sync_copy(dst_hbm.at[pl.ds(base, c)], idxd[b])

            @pl.when(core == 0)
            def _():
                pltpu.async_copy(ga_hbm.at[idxs[b]], rows[b], sems[b])

            @pl.when(core == 1)
            def _():
                pltpu.async_copy(gb_hbm.at[idxs[b]], rows[b], sems[b])

        def drain(b):
            pltpu.make_async_copy(ga_hbm.at[idxs[b]], rows[b], sems[b]).wait()
            pltpu.sync_copy(rows[b], s_sh.at[idxd[b]], add=True)

        start(0, 0)

        def ebody(j, carry):
            start(2 * j + 1, 1)
            drain(0)

            @pl.when(2 * j + 2 < nc)
            def _():
                start(2 * j + 2, 0)

            drain(1)
            return carry

        lax.fori_loop(0, nc // 2, ebody, 0)
        if nc % 2:
            drain(0)
        plsc.subcore_barrier()

        @pl.when((sid == 0) & (core == 0))
        def _():
            pltpu.sync_copy(s_sh, out_hbm.at[0])

        @pl.when((sid == 0) & (core == 1))
        def _():
            pltpu.sync_copy(s_sh, out_hbm.at[1])

    return k(src, dst, ga, gb)


def _edge_gather(src, dst, a, b, e):
    h = a.shape[1]
    ew = e // (NC * NS)
    c = 200
    assert ew % c == 0
    nc = ew // c

    @functools.partial(
        pl.kernel,
        out_type=(jax.ShapeDtypeStruct((e, h), jnp.float32),
                  jax.ShapeDtypeStruct((e, h), jnp.float32)),
        mesh=_MESH,
        compiler_params=pltpu.CompilerParams(use_tc_tiling_on_sc=False),
        scratch_types=[
            pltpu.VMEM((c,), jnp.int32),
            pltpu.VMEM((c,), jnp.int32),
            pltpu.VMEM((c,), jnp.int32),
            pltpu.VMEM((c,), jnp.int32),
            pltpu.VMEM((c, h), jnp.float32),
            pltpu.VMEM((c, h), jnp.float32),
            pltpu.VMEM((c, h), jnp.float32),
            pltpu.VMEM((c, h), jnp.float32),
            pltpu.SemaphoreType.DMA,
            pltpu.SemaphoreType.DMA,
            pltpu.SemaphoreType.DMA,
            pltpu.SemaphoreType.DMA,
        ],
    )
    def k(src_hbm, dst_hbm, a_hbm, b_hbm, asrc_hbm, bdst_hbm, idxs0, idxs1,
          idxd0, idxd1, rowsa0, rowsa1, rowsb0, rowsb1, sa0, sa1, sb0, sb1):
        core = lax.axis_index("c")
        sid = lax.axis_index("s")
        wid = core * NS + sid
        idxs = (idxs0, idxs1)
        idxd = (idxd0, idxd1)
        rowsa = (rowsa0, rowsa1)
        rowsb = (rowsb0, rowsb1)
        sa = (sa0, sa1)
        sb = (sb0, sb1)

        def start(i, b):
            base = wid * ew + i * c
            pltpu.sync_copy(src_hbm.at[pl.ds(base, c)], idxs[b])
            pltpu.sync_copy(dst_hbm.at[pl.ds(base, c)], idxd[b])
            pltpu.async_copy(a_hbm.at[idxs[b]], rowsa[b], sa[b])
            pltpu.async_copy(b_hbm.at[idxd[b]], rowsb[b], sb[b])

        def drain(i, b):
            base = wid * ew + i * c
            pltpu.make_async_copy(a_hbm.at[idxs[b]], rowsa[b], sa[b]).wait()
            pltpu.sync_copy(rowsa[b], asrc_hbm.at[pl.ds(base, c)])
            pltpu.make_async_copy(b_hbm.at[idxd[b]], rowsb[b], sb[b]).wait()
            pltpu.sync_copy(rowsb[b], bdst_hbm.at[pl.ds(base, c)])

        start(0, 0)

        def ebody(j, carry):
            start(2 * j + 1, 1)
            drain(2 * j, 0)

            @pl.when(2 * j + 2 < nc)
            def _():
                start(2 * j + 2, 0)

            drain(2 * j + 1, 1)
            return carry

        lax.fori_loop(0, nc // 2, ebody, 0)
        if nc % 2:
            drain(nc - 1, 0)

    return k(src, dst, a, b)


_BN = 1024


def _tc_layer1(x, degt, u, w1a, w1b):
    n = x.shape[0]

    def body(x_ref, deg_ref, u_ref, wa_ref, wb_ref, ga_ref, gb_ref):
        deg = deg_ref[:, 0:1] + deg_ref[:, 1:2] + 1.0
        dinv = lax.rsqrt(deg)
        hw = jnp.dot(x_ref[...], wa_ref[...], preferred_element_type=jnp.float32)
        hw = hw + jnp.dot(u_ref[...], wb_ref[...],
                          preferred_element_type=jnp.float32)
        g = hw * dinv
        ga_ref[...] = g[:, :32]
        gb_ref[...] = g[:, 32:]

    return pl.pallas_call(
        body,
        grid=(pl.cdiv(n, _BN),),
        in_specs=[
            pl.BlockSpec((_BN, x.shape[1]), lambda i: (i, 0)),
            pl.BlockSpec((_BN, 2), lambda i: (i, 0)),
            pl.BlockSpec(u.shape, lambda i: (0, 0)),
            pl.BlockSpec(w1a.shape, lambda i: (0, 0)),
            pl.BlockSpec(w1b.shape, lambda i: (0, 0)),
        ],
        out_specs=[pl.BlockSpec((_BN, 32), lambda i: (i, 0))] * 2,
        out_shape=[jax.ShapeDtypeStruct((n, 32), jnp.float32)] * 2,
    )(x, degt, u, w1a, w1b)


def _tc_layer2(s1, degt, b1, w2):
    n = degt.shape[0]

    def body(s_ref, deg_ref, b_ref, w_ref, ga_ref, gb_ref):
        deg = deg_ref[:, 0:1] + deg_ref[:, 1:2] + 1.0
        dinv = lax.rsqrt(deg)
        s = jnp.concatenate([s_ref[0], s_ref[1]], axis=1)
        h1 = jnp.maximum(s * dinv + b_ref[...], 0.0)
        g = jnp.dot(h1, w_ref[...], preferred_element_type=jnp.float32) * dinv
        ga_ref[...] = g[:, :32]
        gb_ref[...] = g[:, 32:]

    return pl.pallas_call(
        body,
        grid=(pl.cdiv(n, _BN),),
        in_specs=[
            pl.BlockSpec((2, _BN, 32), lambda i: (0, i, 0)),
            pl.BlockSpec((_BN, 2), lambda i: (i, 0)),
            pl.BlockSpec(b1.shape, lambda i: (0, 0)),
            pl.BlockSpec(w2.shape, lambda i: (0, 0)),
        ],
        out_specs=[pl.BlockSpec((_BN, 32), lambda i: (i, 0))] * 2,
        out_shape=[jax.ShapeDtypeStruct((n, 32), jnp.float32)] * 2,
    )(s1, degt, b1, w2)


def _tc_layer3(s2, degt, b2, wd1s, wd1d):
    n = degt.shape[0]

    def body(s_ref, deg_ref, b_ref, ws_ref, wd_ref, a_ref, bb_ref):
        deg = deg_ref[:, 0:1] + deg_ref[:, 1:2] + 1.0
        dinv = lax.rsqrt(deg)
        s = jnp.concatenate([s_ref[0], s_ref[1]], axis=1)
        h2 = jnp.maximum(s * dinv + b_ref[...], 0.0)
        a_ref[...] = jnp.dot(h2, ws_ref[...],
                             preferred_element_type=jnp.float32)
        bb_ref[...] = jnp.dot(h2, wd_ref[...],
                              preferred_element_type=jnp.float32)

    return pl.pallas_call(
        body,
        grid=(pl.cdiv(n, _BN),),
        in_specs=[
            pl.BlockSpec((2, _BN, 32), lambda i: (0, i, 0)),
            pl.BlockSpec((_BN, 2), lambda i: (i, 0)),
            pl.BlockSpec(b2.shape, lambda i: (0, 0)),
            pl.BlockSpec(wd1s.shape, lambda i: (0, 0)),
            pl.BlockSpec(wd1d.shape, lambda i: (0, 0)),
        ],
        out_specs=[pl.BlockSpec((_BN, 64), lambda i: (i, 0))] * 2,
        out_shape=[jax.ShapeDtypeStruct((n, 64), jnp.float32)] * 2,
    )(s2, degt, b2, wd1s, wd1d)


def _tc_decoder(asrc_p, bdst_p, ea_p, w1e_p, bd1_p, w2_p, bd2_p, w3_p, bd3_p):
    e2 = asrc_p.shape[0]
    be = 2000

    def body(a_ref, b_ref, e_ref, w1_ref, b1_ref, w2_ref, b2_ref, w3_ref,
             b3_ref, o_ref):
        z = a_ref[...] + b_ref[...] + b1_ref[...]
        z = z + jnp.dot(e_ref[...], w1_ref[...],
                        preferred_element_type=jnp.float32)
        z = jnp.maximum(z, 0.0)
        z = jnp.maximum(
            jnp.dot(z, w2_ref[...], preferred_element_type=jnp.float32)
            + b2_ref[...], 0.0)
        o_ref[...] = jnp.dot(z, w3_ref[...],
                             preferred_element_type=jnp.float32) + b3_ref[...]

    return pl.pallas_call(
        body,
        grid=(pl.cdiv(e2, be),),
        in_specs=[
            pl.BlockSpec((be, 128), lambda i: (i, 0)),
            pl.BlockSpec((be, 128), lambda i: (i, 0)),
            pl.BlockSpec((be, ea_p.shape[1]), lambda i: (i, 0)),
            pl.BlockSpec(w1e_p.shape, lambda i: (0, 0)),
            pl.BlockSpec(bd1_p.shape, lambda i: (0, 0)),
            pl.BlockSpec(w2_p.shape, lambda i: (0, 0)),
            pl.BlockSpec(bd2_p.shape, lambda i: (0, 0)),
            pl.BlockSpec(w3_p.shape, lambda i: (0, 0)),
            pl.BlockSpec(bd3_p.shape, lambda i: (0, 0)),
        ],
        out_specs=pl.BlockSpec((be, w3_p.shape[1]), lambda i: (i, 0)),
        out_shape=jax.ShapeDtypeStruct((e2, w3_p.shape[1]), jnp.float32),
    )(asrc_p, bdst_p, ea_p, w1e_p, bd1_p, w2_p, bd2_p, w3_p, bd3_p)


def _blockdiag2(w):
    k, m = w.shape
    z = jnp.zeros((k, m), w.dtype)
    return jnp.concatenate(
        [jnp.concatenate([w, z], axis=1), jnp.concatenate([z, w], axis=1)],
        axis=0)


def kernel(x, edge_index, edge_attr, u, W1, b1, W2, b2, Wd1, bd1, Wd2, bd2,
           Wd3, bd3):
    n = x.shape[0]
    e = edge_index.shape[1]
    nd = x.shape[1]
    hid = W2.shape[0]
    src = edge_index[0].astype(jnp.int32)
    dst = edge_index[1].astype(jnp.int32)

    deg2 = _degree(dst, n, e)
    degt = deg2.T

    ga1, gb1 = _tc_layer1(x, degt, u, W1[:nd], W1[nd:])
    s1 = _gcn_scatter(src, dst, ga1, gb1, n, e)
    ga2, gb2 = _tc_layer2(s1, degt, b1.reshape(1, -1), W2)
    s2 = _gcn_scatter(src, dst, ga2, gb2, n, e)
    a, b = _tc_layer3(s2, degt, b2.reshape(1, -1), Wd1[:hid], Wd1[hid:2 * hid])
    asrc, bdst = _edge_gather(src, dst, a, b, e)
    asrc_p = asrc.reshape(e // 2, 2 * hid)
    bdst_p = bdst.reshape(e // 2, 2 * hid)
    ea_p = edge_attr.reshape(e // 2, 2 * edge_attr.shape[1])
    out_p = _tc_decoder(
        asrc_p, bdst_p, ea_p,
        _blockdiag2(Wd1[2 * hid:]),
        jnp.tile(bd1, 2).reshape(1, -1),
        _blockdiag2(Wd2),
        jnp.tile(bd2, 2).reshape(1, -1),
        _blockdiag2(Wd3),
        jnp.tile(bd3, 2).reshape(1, -1))
    return out_p.reshape(e, Wd3.shape[1])

# --- scband reference (transcript-rebuilt; emitter-appended) ---
"""Pipeline reference for scband-gcnlatency-predictor-28123445854866 (READ-ONLY COPY).

The authoritative reference and input builder live on the scoring server;
editing this copy changes nothing except your own understanding.
"""

import jax, jax.numpy as jnp
import numpy as np

N = 50000
E = 800000
NODE_DIM = 12
EDGE_DIM = 5
GLOBAL_DIM = 11
HID = 64
NT = 4


def gcn_conv(x, W, b, src, dst, n):
    # PyG GCNConv: linear transform, add self-loops, symmetric normalization, scatter-add, bias
    h = x @ W
    loop = jnp.arange(n, dtype=src.dtype)
    s = jnp.concatenate([src, loop])
    d = jnp.concatenate([dst, loop])
    deg = jnp.zeros((n,), jnp.float32).at[d].add(1.0)
    dinv = jnp.where(deg > 0, jax.lax.rsqrt(deg), 0.0)
    norm = dinv[s] * dinv[d]
    msg = h[s] * norm[:, None]
    out = jnp.zeros((n, h.shape[1]), jnp.float32).at[d].add(msg)
    return out + b


def setup_inputs(seed: int = 0) -> dict:
    key = jax.random.key(seed)
    ks = jax.random.split(key, 20)
    x = jax.random.normal(ks[0], (N, NODE_DIM), jnp.float32)
    edge_index = jax.random.randint(ks[1], (2, E), 0, N)
    edge_attr = jax.random.normal(ks[2], (E, EDGE_DIM), jnp.float32)
    u = jax.random.normal(ks[3], (1, GLOBAL_DIM), jnp.float32)
    in_ch = NODE_DIM + GLOBAL_DIM
    dec_in = HID * 2 + EDGE_DIM
    W1 = jax.random.normal(ks[4], (in_ch, HID), jnp.float32) * (1.0 / np.sqrt(in_ch))
    b1 = jnp.zeros((HID,), jnp.float32)
    W2 = jax.random.normal(ks[5], (HID, HID), jnp.float32) * (1.0 / np.sqrt(HID))
    b2 = jnp.zeros((HID,), jnp.float32)
    Wd1 = jax.random.normal(ks[6], (dec_in, HID), jnp.float32) * (1.0 / np.sqrt(dec_in))
    bd1 = jnp.zeros((HID,), jnp.float32)
    Wd2 = jax.random.normal(ks[7], (HID, HID // 2), jnp.float32) * (1.0 / np.sqrt(HID))
    bd2 = jnp.zeros((HID // 2,), jnp.float32)
    Wd3 = jax.random.normal(ks[8], (HID // 2, NT), jnp.float32) * (1.0 / np.sqrt(HID // 2))
    bd3 = jnp.zeros((NT,), jnp.float32)
    return {"x": x, "edge_index": edge_index, "edge_attr": edge_attr, "u": u,
            "W1": W1, "b1": b1, "W2": W2, "b2": b2,
            "Wd1": Wd1, "bd1": bd1, "Wd2": Wd2, "bd2": bd2, "Wd3": Wd3, "bd3": bd3}


def reference(x, edge_index, edge_attr, u, W1, b1, W2, b2, Wd1, bd1, Wd2, bd2, Wd3, bd3):
    n = x.shape[0]
    src, dst = edge_index[0], edge_index[1]
    # batch=None path: expand u to every node
    u_node = jnp.broadcast_to(u, (n, u.shape[1]))
    h = jnp.concatenate([x, u_node], axis=-1)
    h = jax.nn.relu(gcn_conv(h, W1, b1, src, dst, n))
    # dropout inactive in eval
    h = jax.nn.relu(gcn_conv(h, W2, b2, src, dst, n))
    h_src = h[src]
    h_dst = h[dst]
    e_in = jnp.concatenate([h_src, h_dst, edge_attr], axis=-1)
    z = jax.nn.relu(e_in @ Wd1 + bd1)
    z = jax.nn.relu(z @ Wd2 + bd2)
    return z @ Wd3 + bd3

if __name__ == "__main__":
    import jax
    _d = setup_inputs()
    print(jax.jit(kernel)(*tuple(_d.values())))

</pallas_src>

<mosaic_0001>
#map = affine_map<(d0, d1) -> (0)>
#map1 = affine_map<(d0, d1) -> (0, 0)>
#map2 = affine_map<(d0, d1) -> (0, 0, 0)>
module attributes {stable_mosaic.version = 14 : i64} {
  func.func @k(%arg0: i32, %arg1: i32, %arg2: memref<800000xi32, #tpu.memory_space<hbm>>, %arg3: memref<800000xi32, #tpu.memory_space<hbm>>, %arg4: memref<50000x32xf32, #tpu.memory_space<hbm>>, %arg5: memref<50000x32xf32, #tpu.memory_space<hbm>>, %arg6: memref<2x50000x32xf32, #tpu.memory_space<hbm>>, %arg7: memref<50000x32xf32, #tpu.memory_space<vmem_shared>>, %arg8: memref<400xi32, #tpu.memory_space<vmem>>, %arg9: memref<400xi32, #tpu.memory_space<vmem>>, %arg10: memref<400xi32, #tpu.memory_space<vmem>>, %arg11: memref<400xi32, #tpu.memory_space<vmem>>, %arg12: memref<400x32xf32, #tpu.memory_space<vmem>>, %arg13: memref<400x32xf32, #tpu.memory_space<vmem>>, %arg14: memref<!tpu.dma_semaphore, #tpu.memory_space<semaphore_mem>>, %arg15: memref<!tpu.dma_semaphore, #tpu.memory_space<semaphore_mem>>) attributes {dimension_semantics = [#tpu.dimension_semantics<core_parallel>, #tpu.dimension_semantics<subcore_parallel>], iteration_bounds = array<i64: 2, 16>, scalar_prefetch = 0 : i64, scratch_operands = 9 : i64, tpu.core_type = #tpu.core_type<sc_vector_subcore>, window_params = [{transform_indices = #map}, {transform_indices = #map}, {transform_indices = #map1}, {transform_indices = #map1}, {transform_indices = #map2}]} {
    %eq3A = arith.constant 0 : i32
    %eq3A_0 = arith.cmpi eq, %arg1, %eq3A : i32
    %eq3A_1 = arith.constant 0 : i32
    %eq3A_2 = arith.cmpi eq, %arg0, %eq3A_1 : i32
    %and3A = arith.andi %eq3A_0, %eq3A_2 : i1
    %convert_element_type3A = arith.extui %and3A : i1 to i32
    %cond3A = arith.constant 0 : i32
    %cond3A_3 = arith.cmpi ne, %convert_element_type3A, %cond3A : i32
    scf.if %cond3A_3 {
      "tpu.region"() ({
        %run_scoped3A = tpu.sem_alloc : memref<!tpu.dma_semaphore, #tpu.memory_space<semaphore_mem>>
        tpu.enqueue_dma source(%arg4 : memref<50000x32xf32, #tpu.memory_space<hbm>>) target(%arg7 : memref<50000x32xf32, #tpu.memory_space<vmem_shared>>) target_semaphore(%run_scoped3A : memref<!tpu.dma_semaphore, #tpu.memory_space<semaphore_mem>>)
        tpu.wait_dma2 semaphore(%run_scoped3A : memref<!tpu.dma_semaphore, #tpu.memory_space<semaphore_mem>>) src(%arg4 : memref<50000x32xf32, #tpu.memory_space<hbm>>) dst(%arg7 : memref<50000x32xf32, #tpu.memory_space<vmem_shared>>)
        tpu.yield
      }) : () -> ()
    } else {
    }
    %eq3A_4 = arith.constant 0 : i32
    %eq3A_5 = arith.cmpi eq, %arg1, %eq3A_4 : i32
    %eq3A_6 = arith.constant 1 : i32
    %eq3A_7 = arith.cmpi eq, %arg0, %eq3A_6 : i32
    %and3A_8 = arith.andi %eq3A_5, %eq3A_7 : i1
    %convert_element_type3A_9 = arith.extui %and3A_8 : i1 to i32
    %cond3A_10 = arith.constant 0 : i32
    %cond3A_11 = arith.cmpi ne, %convert_element_type3A_9, %cond3A_10 : i32
    scf.if %cond3A_11 {
      "tpu.region"() ({
        %run_scoped3A = tpu.sem_alloc : memref<!tpu.dma_semaphore, #tpu.memory_space<semaphore_mem>>
        tpu.enqueue_dma source(%arg5 : memref<50000x32xf32, #tpu.memory_space<hbm>>) target(%arg7 : memref<50000x32xf32, #tpu.memory_space<vmem_shared>>) target_semaphore(%run_scoped3A : memref<!tpu.dma_semaphore, #tpu.memory_space<semaphore_mem>>)
        tpu.wait_dma2 semaphore(%run_scoped3A : memref<!tpu.dma_semaphore, #tpu.memory_space<semaphore_mem>>) src(%arg5 : memref<50000x32xf32, #tpu.memory_space<hbm>>) dst(%arg7 : memref<50000x32xf32, #tpu.memory_space<vmem_shared>>)
        tpu.yield
      }) : () -> ()
    } else {
    }
    %barrier3A = arith.constant 0 : index
    tpu.barrier barrier_id(%barrier3A)
    %mul3A = arith.constant 50000 : i32
    %mul3A_12 = arith.muli %arg1, %mul3A : i32
    %add3A = arith.constant 0 : i32
    %add3A_13 = arith.addi %mul3A_12, %add3A : i32
    "tpu.region"() ({
      %run_scoped3A = tpu.sem_alloc : memref<!tpu.dma_semaphore, #tpu.memory_space<semaphore_mem>>
      %dma_start3A = tpu.memref_slice %arg2[%add3A_13] : memref<800000xi32, #tpu.memory_space<hbm>> -> memref<400xi32, #tpu.memory_space<hbm>>
      %dma_start3A_48 = tpu.memref_slice %arg2[%add3A_13] : memref<800000xi32, #tpu.memory_space<hbm>> -> memref<400xi32, #tpu.memory_space<hbm>>
      tpu.enqueue_dma source(%dma_start3A_48 : memref<400xi32, #tpu.memory_space<hbm>>) target(%arg8 : memref<400xi32, #tpu.memory_space<vmem>>) target_semaphore(%run_scoped3A : memref<!tpu.dma_semaphore, #tpu.memory_space<semaphore_mem>>)
      %dma_wait3A_49 = tpu.memref_slice %arg2[%add3A_13] : memref<800000xi32, #tpu.memory_space<hbm>> -> memref<400xi32, #tpu.memory_space<hbm>>
      %dma_wait3A_50 = tpu.memref_slice %arg2[%add3A_13] : memref<800000xi32, #tpu.memory_space<hbm>> -> memref<400xi32, #tpu.memory_space<hbm>>
      tpu.wait_dma2 semaphore(%run_scoped3A : memref<!tpu.dma_semaphore, #tpu.memory_space<semaphore_mem>>) src(%dma_wait3A_50 : memref<400xi32, #tpu.memory_space<hbm>>) dst(%arg8 : memref<400xi32, #tpu.memory_space<vmem>>)
      tpu.yield
    }) : () -> ()
    "tpu.region"() ({
      %run_scoped3A = tpu.sem_alloc : memref<!tpu.dma_semaphore, #tpu.memory_space<semaphore_mem>>
      %dma_start3A = tpu.memref_slice %arg3[%add3A_13] : memref<800000xi32, #tpu.memory_space<hbm>> -> memref<400xi32, #tpu.memory_space<hbm>>
      %dma_start3A_48 = tpu.memref_slice %arg3[%add3A_13] : memref<800000xi32, #tpu.memory_space<hbm>> -> memref<400xi32, #tpu.memory_space<hbm>>
      tpu.enqueue_dma source(%dma_start3A_48 : memref<400xi32, #tpu.memory_space<hbm>>) target(%arg10 : memref<400xi32, #tpu.memory_space<vmem>>) target_semaphore(%run_scoped3A : memref<!tpu.dma_semaphore, #tpu.memory_space<semaphore_mem>>)
      %dma_wait3A_49 = tpu.memref_slice %arg3[%add3A_13] : memref<800000xi32, #tpu.memory_space<hbm>> -> memref<400xi32, #tpu.memory_space<hbm>>
      %dma_wait3A_50 = tpu.memref_slice %arg3[%add3A_13] : memref<800000xi32, #tpu.memory_space<hbm>> -> memref<400xi32, #tpu.memory_space<hbm>>
      tpu.wait_dma2 semaphore(%run_scoped3A : memref<!tpu.dma_semaphore, #tpu.memory_space<semaphore_mem>>) src(%dma_wait3A_50 : memref<400xi32, #tpu.memory_space<hbm>>) dst(%arg10 : memref<400xi32, #tpu.memory_space<vmem>>)
      tpu.yield
    }) : () -> ()
    %eq3A_14 = arith.constant 0 : i32
    %eq3A_15 = arith.cmpi eq, %arg0, %eq3A_14 : i32
    %convert_element_type3A_16 = arith.extui %eq3A_15 : i1 to i32
    %cond3A_17 = arith.constant 0 : i32
    %cond3A_18 = arith.cmpi ne, %convert_element_type3A_16, %cond3A_17 : i32
    scf.if %cond3A_18 {
      %dma_start3A = arith.constant 0 : i32
      %dma_start3A_48 = arith.constant 0 : i32
      %dma_start3A_49 = tpu.memref_slice %arg4[%dma_start3A, %dma_start3A_48] : memref<50000x32xf32, #tpu.memory_space<hbm>> -> memref<50000x32xf32, #tpu.memory_space<hbm>>
      tpu.enqueue_indirect_dma source(%dma_start3A_49 : memref<50000x32xf32, #tpu.memory_space<hbm>>) target(%arg12 : memref<400x32xf32, #tpu.memory_space<vmem>>) offsets(%arg8 : memref<400xi32, #tpu.memory_space<vmem>>) semaphore(%arg14 : memref<!tpu.dma_semaphore, #tpu.memory_space<semaphore_mem>>)
    } else {
    }
    %eq3A_19 = arith.constant 1 : i32
    %eq3A_20 = arith.cmpi eq, %arg0, %eq3A_19 : i32
    %convert_element_type3A_21 = arith.extui %eq3A_20 : i1 to i32
    %cond3A_22 = arith.constant 0 : i32
    %cond3A_23 = arith.cmpi ne, %convert_element_type3A_21, %cond3A_22 : i32
    scf.if %cond3A_23 {
      %dma_start3A = arith.constant 0 : i32
      %dma_start3A_48 = arith.constant 0 : i32
      %dma_start3A_49 = tpu.memref_slice %arg5[%dma_start3A, %dma_start3A_48] : memref<50000x32xf32, #tpu.memory_space<hbm>> -> memref<50000x32xf32, #tpu.memory_space<hbm>>
      tpu.enqueue_indirect_dma source(%dma_start3A_49 : memref<50000x32xf32, #tpu.memory_space<hbm>>) target(%arg12 : memref<400x32xf32, #tpu.memory_space<vmem>>) offsets(%arg8 : memref<400xi32, #tpu.memory_space<vmem>>) semaphore(%arg14 : memref<!tpu.dma_semaphore, #tpu.memory_space<semaphore_mem>>)
    } else {
    }
    %scan3A = arith.constant 0 : i32
    %scan3A_24 = arith.constant 0 : i32
    %scan3A_25 = arith.constant 62 : i32
    %scan3A_26 = arith.addi %scan3A_24, %scan3A_25 : i32
    %scan3A_27 = arith.constant 1 : i32
    scf.for %scan3A_48 = %scan3A_24 to %scan3A_26 step %scan3A_27  : i32 {
      %mul3A_49 = arith.constant 2 : i32
      %mul3A_50 = arith.muli %mul3A_49, %scan3A_48 : i32
      %add3A_51 = arith.constant 1 : i32
      %add3A_52 = arith.addi %mul3A_50, %add3A_51 : i32
      %mul3A_53 = arith.constant 50000 : i32
      %mul3A_54 = arith.muli %arg1, %mul3A_53 : i32
      %mul3A_55 = arith.constant 400 : i32
      %mul3A_56 = arith.muli %add3A_52, %mul3A_55 : i32
      %add3A_57 = arith.addi %mul3A_54, %mul3A_56 : i32
      "tpu.region"() ({
        %run_scoped3A = tpu.sem_alloc : memref<!tpu.dma_semaphore, #tpu.memory_space<semaphore_mem>>
        %dma_start3A = tpu.memref_slice %arg2[%add3A_57] : memref<800000xi32, #tpu.memory_space<hbm>> -> memref<400xi32, #tpu.memory_space<hbm>>
        %dma_start3A_82 = tpu.memref_slice %arg2[%add3A_57] : memref<800000xi32, #tpu.memory_space<hbm>> -> memref<400xi32, #tpu.memory_space<hbm>>
        tpu.enqueue_dma source(%dma_start3A_82 : memref<400xi32, #tpu.memory_space<hbm>>) target(%arg9 : memref<400xi32, #tpu.memory_space<vmem>>) target_semaphore(%run_scoped3A : memref<!tpu.dma_semaphore, #tpu.memory_space<semaphore_mem>>)
        %dma_wait3A_83 = tpu.memref_slice %arg2[%add3A_57] : memref<800000xi32, #tpu.memory_space<hbm>> -> memref<400xi32, #tpu.memory_space<hbm>>
        %dma_wait3A_84 = tpu.memref_slice %arg2[%add3A_57] : memref<800000xi32, #tpu.memory_space<hbm>> -> memref<400xi32, #tpu.memory_space<hbm>>
        tpu.wait_dma2 semaphore(%run_scoped3A : memref<!tpu.dma_semaphore, #tpu.memory_space<semaphore_mem>>) src(%dma_wait3A_84 : memref<400xi32, #tpu.memory_space<hbm>>) dst(%arg9 : memref<400xi32, #tpu.memory_space<vmem>>)
        tpu.yield
      }) : () -> ()
      "tpu.region"() ({
        %run_scoped3A = tpu.sem_alloc : memref<!tpu.dma_semaphore, #tpu.memory_space<semaphore_mem>>
        %dma_start3A = tpu.memref_slice %arg3[%add3A_57] : memref<800000xi32, #tpu.memory_space<hbm>> -> memref<400xi32, #tpu.memory_space<hbm>>
        %dma_start3A_82 = tpu.memref_slice %arg3[%add3A_57] : memref<800000xi32, #tpu.memory_space<hbm>> -> memref<400xi32, #tpu.memory_space<hbm>>
        tpu.enqueue_dma source(%dma_start3A_82 : memref<400xi32, #tpu.memory_space<hbm>>) target(%arg11 : memref<400xi32, #tpu.memory_space<vmem>>) target_semaphore(%run_scoped3A : memref<!tpu.dma_semaphore, #tpu.memory_space<semaphore_mem>>)
        %dma_wait3A_83 = tpu.memref_slice %arg3[%add3A_57] : memref<800000xi32, #tpu.memory_space<hbm>> -> memref<400xi32, #tpu.memory_space<hbm>>
        %dma_wait3A_84 = tpu.memref_slice %arg3[%add3A_57] : memref<800000xi32, #tpu.memory_space<hbm>> -> memref<400xi32, #tpu.memory_space<hbm>>
        tpu.wait_dma2 semaphore(%run_scoped3A : memref<!tpu.dma_semaphore, #tpu.memory_space<semaphore_mem>>) src(%dma_wait3A_84 : memref<400xi32, #tpu.memory_space<hbm>>) dst(%arg11 : memref<400xi32, #tpu.memory_space<vmem>>)
        tpu.yield
      }) : () -> ()
      %eq3A_58 = arith.constant 0 : i32
      %eq3A_59 = arith.cmpi eq, %arg0, %eq3A_58 : i32
      %convert_element_type3A_60 = arith.extui %eq3A_59 : i1 to i32
      %cond3A_61 = arith.constant 0 : i32
      %cond3A_62 = arith.cmpi ne, %convert_element_type3A_60, %cond3A_61 : i32
      scf.if %cond3A_62 {
        %dma_start3A = arith.constant 0 : i32
        %dma_start3A_82 = arith.constant 0 : i32
        %dma_start3A_83 = tpu.memref_slice %arg4[%dma_start3A, %dma_start3A_82] : memref<50000x32xf32, #tpu.memory_space<hbm>> -> memref<50000x32xf32, #tpu.memory_space<hbm>>
        tpu.enqueue_indirect_dma source(%dma_start3A_83 : memref<50000x32xf32, #tpu.memory_space<hbm>>) target(%arg13 : memref<400x32xf32, #tpu.memory_space<vmem>>) offsets(%arg9 : memref<400xi32, #tpu.memory_space<vmem>>) semaphore(%arg15 : memref<!tpu.dma_semaphore, #tpu.memory_space<semaphore_mem>>)
      } else {
      }
      %eq3A_63 = arith.constant 1 : i32
      %eq3A_64 = arith.cmpi eq, %arg0, %eq3A_63 : i32
      %convert_element_type3A_65 = arith.extui %eq3A_64 : i1 to i32
      %cond3A_66 = arith.constant 0 : i32
      %cond3A_67 = arith.cmpi ne, %convert_element_type3A_65, %cond3A_66 : i32
      scf.if %cond3A_67 {
        %dma_start3A = arith.constant 0 : i32
        %dma_start3A_82 = arith.constant 0 : i32
        %dma_start3A_83 = tpu.memref_slice %arg5[%dma_start3A, %dma_start3A_82] : memref<50000x32xf32, #tpu.memory_space<hbm>> -> memref<50000x32xf32, #tpu.memory_space<hbm>>
        tpu.enqueue_indirect_dma source(%dma_start3A_83 : memref<50000x32xf32, #tpu.memory_space<hbm>>) target(%arg13 : memref<400x32xf32, #tpu.memory_space<vmem>>) offsets(%arg9 : memref<400xi32, #tpu.memory_space<vmem>>) semaphore(%arg15 : memref<!tpu.dma_semaphore, #tpu.memory_space<semaphore_mem>>)
      } else {
      }
      %dma_wait3A_68 = arith.constant 0 : i32
      %dma_wait3A_69 = arith.constant 0 : i32
      %dma_wait3A_70 = tpu.memref_slice %arg4[%dma_wait3A_68, %dma_wait3A_69] : memref<50000x32xf32, #tpu.memory_space<hbm>> -> memref<50000x32xf32, #tpu.memory_space<hbm>>
      tpu.wait_indirect_dma semaphore(%arg14 : memref<!tpu.dma_semaphore, #tpu.memory_space<semaphore_mem>>) src(%dma_wait3A_70 : memref<50000x32xf32, #tpu.memory_space<hbm>>) dst(%arg12 : memref<400x32xf32, #tpu.memory_space<vmem>>)
      "tpu.region"() ({
        %run_scoped3A = tpu.sem_alloc : memref<!tpu.dma_semaphore, #tpu.memory_space<semaphore_mem>>
        %dma_start3A = arith.constant 0 : i32
        %dma_start3A_82 = arith.constant 0 : i32
        %dma_start3A_83 = tpu.memref_slice %arg7[%dma_start3A, %dma_start3A_82] : memref<50000x32xf32, #tpu.memory_space<vmem_shared>> -> memref<50000x32xf32, #tpu.memory_space<vmem_shared>>
        tpu.enqueue_indirect_dma source(%arg12 : memref<400x32xf32, #tpu.memory_space<vmem>>) target(%dma_start3A_83 : memref<50000x32xf32, #tpu.memory_space<vmem_shared>>) offsets(%arg10 : memref<400xi32, #tpu.memory_space<vmem>>) semaphore(%run_scoped3A : memref<!tpu.dma_semaphore, #tpu.memory_space<semaphore_mem>>) {add = true}
        %dma_wait3A_84 = arith.constant 0 : i32
        %dma_wait3A_85 = arith.constant 0 : i32
        %dma_wait3A_86 = tpu.memref_slice %arg7[%dma_wait3A_84, %dma_wait3A_85] : memref<50000x32xf32, #tpu.memory_space<vmem_shared>> -> memref<50000x32xf32, #tpu.memory_space<vmem_shared>>
        tpu.wait_indirect_dma semaphore(%run_scoped3A : memref<!tpu.dma_semaphore, #tpu.memory_space<semaphore_mem>>) src(%arg12 : memref<400x32xf32, #tpu.memory_space<vmem>>) dst(%dma_wait3A_86 : memref<50000x32xf32, #tpu.memory_space<vmem_shared>>)
        tpu.yield
      }) : () -> ()
      %mul3A_71 = arith.constant 2 : i32
      %mul3A_72 = arith.muli %mul3A_71, %scan3A_48 : i32
      %add3A_73 = arith.constant 2 : i32
      %add3A_74 = arith.addi %mul3A_72, %add3A_73 : i32
      %lt3A = arith.constant 125 : i32
      %lt3A_75 = arith.cmpi slt, %add3A_74, %lt3A : i32
      %convert_element_type3A_76 = arith.extui %lt3A_75 : i1 to i32
      %cond3A_77 = arith.constant 0 : i32
      %cond3A_78 = arith.cmpi ne, %convert_element_type3A_76, %cond3A_77 : i32
      scf.if %cond3A_78 {
        %mul3A_82 = arith.constant 2 : i32
        %mul3A_83 = arith.muli %mul3A_82, %scan3A_48 : i32
        %add3A_84 = arith.constant 2 : i32
        %add3A_85 = arith.addi %mul3A_83, %add3A_84 : i32
        %mul3A_86 = arith.constant 50000 : i32
        %mul3A_87 = arith.muli %arg1, %mul3A_86 : i32
        %mul3A_88 = arith.constant 400 : i32
        %mul3A_89 = arith.muli %add3A_85, %mul3A_88 : i32
        %add3A_90 = arith.addi %mul3A_87, %mul3A_89 : i32
        "tpu.region"() ({
          %run_scoped3A = tpu.sem_alloc : memref<!tpu.dma_semaphore, #tpu.memory_space<semaphore_mem>>
          %dma_start3A = tpu.memref_slice %arg2[%add3A_90] : memref<800000xi32, #tpu.memory_space<hbm>> -> memref<400xi32, #tpu.memory_space<hbm>>
          %dma_start3A_101 = tpu.memref_slice %arg2[%add3A_90] : memref<800000xi32, #tpu.memory_space<hbm>> -> memref<400xi32, #tpu.memory_space<hbm>>
          tpu.enqueue_dma source(%dma_start3A_101 : memref<400xi32, #tpu.memory_space<hbm>>) target(%arg8 : memref<400xi32, #tpu.memory_space<vmem>>) target_semaphore(%run_scoped3A : memref<!tpu.dma_semaphore, #tpu.memory_space<semaphore_mem>>)
          %dma_wait3A_102 = tpu.memref_slice %arg2[%add3A_90] : memref<800000xi32, #tpu.memory_space<hbm>> -> memref<400xi32, #tpu.memory_space<hbm>>
          %dma_wait3A_103 = tpu.memref_slice %arg2[%add3A_90] : memref<800000xi32, #tpu.memory_space<hbm>> -> memref<400xi32, #tpu.memory_space<hbm>>
          tpu.wait_dma2 semaphore(%run_scoped3A : memref<!tpu.dma_semaphore, #tpu.memory_space<semaphore_mem>>) src(%dma_wait3A_103 : memref<400xi32, #tpu.memory_space<hbm>>) dst(%arg8 : memref<400xi32, #tpu.memory_space<vmem>>)
          tpu.yield
        }) : () -> ()
        "tpu.region"() ({
          %run_scoped3A = tpu.sem_alloc : memref<!tpu.dma_semaphore, #tpu.memory_space<semaphore_mem>>
          %dma_start3A = tpu.memref_slice %arg3[%add3A_90] : memref<800000xi32, #tpu.memory_space<hbm>> -> memref<400xi32, #tpu.memory_space<hbm>>
          %dma_start3A_101 = tpu.memref_slice %arg3[%add3A_90] : memref<800000xi32, #tpu.memory_space<hbm>> -> memref<400xi32, #tpu.memory_space<hbm>>
          tpu.enqueue_dma source(%dma_start3A_101 : memref<400xi32, #tpu.memory_space<hbm>>) target(%arg10 : memref<400xi32, #tpu.memory_space<vmem>>) target_semaphore(%run_scoped3A : memref<!tpu.dma_semaphore, #tpu.memory_space<semaphore_mem>>)
          %dma_wait3A_102 = tpu.memref_slice %arg3[%add3A_90] : memref<800000xi32, #tpu.memory_space<hbm>> -> memref<400xi32, #tpu.memory_space<hbm>>
          %dma_wait3A_103 = tpu.memref_slice %arg3[%add3A_90] : memref<800000xi32, #tpu.memory_space<hbm>> -> memref<400xi32, #tpu.memory_space<hbm>>
          tpu.wait_dma2 semaphore(%run_scoped3A : memref<!tpu.dma_semaphore, #tpu.memory_space<semaphore_mem>>) src(%dma_wait3A_103 : memref<400xi32, #tpu.memory_space<hbm>>) dst(%arg10 : memref<400xi32, #tpu.memory_space<vmem>>)
          tpu.yield
        }) : () -> ()
        %eq3A_91 = arith.constant 0 : i32
        %eq3A_92 = arith.cmpi eq, %arg0, %eq3A_91 : i32
        %convert_element_type3A_93 = arith.extui %eq3A_92 : i1 to i32
        %cond3A_94 = arith.constant 0 : i32
        %cond3A_95 = arith.cmpi ne, %convert_element_type3A_93, %cond3A_94 : i32
        scf.if %cond3A_95 {
          %dma_start3A = arith.constant 0 : i32
          %dma_start3A_101 = arith.constant 0 : i32
          %dma_start3A_102 = tpu.memref_slice %arg4[%dma_start3A, %dma_start3A_101] : memref<50000x32xf32, #tpu.memory_space<hbm>> -> memref<50000x32xf32, #tpu.memory_space<hbm>>
          tpu.enqueue_indirect_dma source(%dma_start3A_102 : memref<50000x32xf32, #tpu.memory_space<hbm>>) target(%arg12 : memref<400x32xf32, #tpu.memory_space<vmem>>) offsets(%arg8 : memref<400xi32, #tpu.memory_space<vmem>>) semaphore(%arg14 : memref<!tpu.dma_semaphore, #tpu.memory_space<semaphore_mem>>)
        } else {
        }
        %eq3A_96 = arith.constant 1 : i32
        %eq3A_97 = arith.cmpi eq, %arg0, %eq3A_96 : i32
        %convert_element_type3A_98 = arith.extui %eq3A_97 : i1 to i32
        %cond3A_99 = arith.constant 0 : i32
        %cond3A_100 = arith.cmpi ne, %convert_element_type3A_98, %cond3A_99 : i32
        scf.if %cond3A_100 {
          %dma_start3A = arith.constant 0 : i32
          %dma_start3A_101 = arith.constant 0 : i32
          %dma_start3A_102 = tpu.memref_slice %arg5[%dma_start3A, %dma_start3A_101] : memref<50000x32xf32, #tpu.memory_space<hbm>> -> memref<50000x32xf32, #tpu.memory_space<hbm>>
          tpu.enqueue_indirect_dma source(%dma_start3A_102 : memref<50000x32xf32, #tpu.memory_space<hbm>>) target(%arg12 : memref<400x32xf32, #tpu.memory_space<vmem>>) offsets(%arg8 : memref<400xi32, #tpu.memory_space<vmem>>) semaphore(%arg14 : memref<!tpu.dma_semaphore, #tpu.memory_space<semaphore_mem>>)
        } else {
        }
      } else {
      }
      %dma_wait3A_79 = arith.constant 0 : i32
      %dma_wait3A_80 = arith.constant 0 : i32
      %dma_wait3A_81 = tpu.memref_slice %arg4[%dma_wait3A_79, %dma_wait3A_80] : memref<50000x32xf32, #tpu.memory_space<hbm>> -> memref<50000x32xf32, #tpu.memory_space<hbm>>
      tpu.wait_indirect_dma semaphore(%arg15 : memref<!tpu.dma_semaphore, #tpu.memory_space<semaphore_mem>>) src(%dma_wait3A_81 : memref<50000x32xf32, #tpu.memory_space<hbm>>) dst(%arg13 : memref<400x32xf32, #tpu.memory_space<vmem>>)
      "tpu.region"() ({
        %run_scoped3A = tpu.sem_alloc : memref<!tpu.dma_semaphore, #tpu.memory_space<semaphore_mem>>
        %dma_start3A = arith.constant 0 : i32
        %dma_start3A_82 = arith.constant 0 : i32
        %dma_start3A_83 = tpu.memref_slice %arg7[%dma_start3A, %dma_start3A_82] : memref<50000x32xf32, #tpu.memory_space<vmem_shared>> -> memref<50000x32xf32, #tpu.memory_space<vmem_shared>>
        tpu.enqueue_indirect_dma source(%arg13 : memref<400x32xf32, #tpu.memory_space<vmem>>) target(%dma_start3A_83 : memref<50000x32xf32, #tpu.memory_space<vmem_shared>>) offsets(%arg11 : memref<400xi32, #tpu.memory_space<vmem>>) semaphore(%run_scoped3A : memref<!tpu.dma_semaphore, #tpu.memory_space<semaphore_mem>>) {add = true}
        %dma_wait3A_84 = arith.constant 0 : i32
        %dma_wait3A_85 = arith.constant 0 : i32
        %dma_wait3A_86 = tpu.memref_slice %arg7[%dma_wait3A_84, %dma_wait3A_85] : memref<50000x32xf32, #tpu.memory_space<vmem_shared>> -> memref<50000x32xf32, #tpu.memory_space<vmem_shared>>
        tpu.wait_indirect_dma semaphore(%run_scoped3A : memref<!tpu.dma_semaphore, #tpu.memory_space<semaphore_mem>>) src(%arg13 : memref<400x32xf32, #tpu.memory_space<vmem>>) dst(%dma_wait3A_86 : memref<50000x32xf32, #tpu.memory_space<vmem_shared>>)
        tpu.yield
      }) : () -> ()
    }
    %scan3A_28 = arith.constant 62 : i32
    %dma_wait3A = arith.constant 0 : i32
    %dma_wait3A_29 = arith.constant 0 : i32
    %dma_wait3A_30 = tpu.memref_slice %arg4[%dma_wait3A, %dma_wait3A_29] : memref<50000x32xf32, #tpu.memory_space<hbm>> -> memref<50000x32xf32, #tpu.memory_space<hbm>>
    tpu.wait_indirect_dma semaphore(%arg14 : memref<!tpu.dma_semaphore, #tpu.memory_space<semaphore_mem>>) src(%dma_wait3A_30 : memref<50000x32xf32, #tpu.memory_space<hbm>>) dst(%arg12 : memref<400x32xf32, #tpu.memory_space<vmem>>)
    "tpu.region"() ({
      %run_scoped3A = tpu.sem_alloc : memref<!tpu.dma_semaphore, #tpu.memory_space<semaphore_mem>>
      %dma_start3A = arith.constant 0 : i32
      %dma_start3A_48 = arith.constant 0 : i32
      %dma_start3A_49 = tpu.memref_slice %arg7[%dma_start3A, %dma_start3A_48] : memref<50000x32xf32, #tpu.memory_space<vmem_shared>> -> memref<50000x32xf32, #tpu.memory_space<vmem_shared>>
      tpu.enqueue_indirect_dma source(%arg12 : memref<400x32xf32, #tpu.memory_space<vmem>>) target(%dma_start3A_49 : memref<50000x32xf32, #tpu.memory_space<vmem_shared>>) offsets(%arg10 : memref<400xi32, #tpu.memory_space<vmem>>) semaphore(%run_scoped3A : memref<!tpu.dma_semaphore, #tpu.memory_space<semaphore_mem>>) {add = true}
      %dma_wait3A_50 = arith.constant 0 : i32
      %dma_wait3A_51 = arith.constant 0 : i32
      %dma_wait3A_52 = tpu.memref_slice %arg7[%dma_wait3A_50, %dma_wait3A_51] : memref<50000x32xf32, #tpu.memory_space<vmem_shared>> -> memref<50000x32xf32, #tpu.memory_space<vmem_shared>>
      tpu.wait_indirect_dma semaphore(%run_scoped3A : memref<!tpu.dma_semaphore, #tpu.memory_space<semaphore_mem>>) src(%arg12 : memref<400x32xf32, #tpu.memory_space<vmem>>) dst(%dma_wait3A_52 : memref<50000x32xf32, #tpu.memory_space<vmem_shared>>)
      tpu.yield
    }) : () -> ()
    %barrier3A_31 = arith.constant 0 : index
    tpu.barrier barrier_id(%barrier3A_31)
    %eq3A_32 = arith.constant 0 : i32
    %eq3A_33 = arith.cmpi eq, %arg1, %eq3A_32 : i32
    %eq3A_34 = arith.constant 0 : i32
    %eq3A_35 = arith.cmpi eq, %arg0, %eq3A_34 : i32
    %and3A_36 = arith.andi %eq3A_33, %eq3A_35 : i1
    %convert_element_type3A_37 = arith.extui %and3A_36 : i1 to i32
    %cond3A_38 = arith.constant 0 : i32
    %cond3A_39 = arith.cmpi ne, %convert_element_type3A_37, %cond3A_38 : i32
    scf.if %cond3A_39 {
      %run_scoped3A = arith.constant 0 : i32
      "tpu.region"() ({
        %run_scoped3A_48 = tpu.sem_alloc : memref<!tpu.dma_semaphore, #tpu.memory_space<semaphore_mem>>
        %dma_start3A = arith.constant 0 : i32
        %dma_start3A_49 = arith.constant 0 : i32
        %dma_start3A_50 = tpu.memref_slice %arg6[%run_scoped3A, %dma_start3A, %dma_start3A_49] : memref<2x50000x32xf32, #tpu.memory_space<hbm>> -> memref<1x50000x32xf32, #tpu.memory_space<hbm>>
        %dma_start3A_51 = tpu.memref_squeeze %dma_start3A_50 : memref<1x50000x32xf32, #tpu.memory_space<hbm>> -> memref<50000x32xf32, #tpu.memory_space<hbm>>
        tpu.enqueue_dma source(%arg7 : memref<50000x32xf32, #tpu.memory_space<vmem_shared>>) target(%dma_start3A_51 : memref<50000x32xf32, #tpu.memory_space<hbm>>) target_semaphore(%run_scoped3A_48 : memref<!tpu.dma_semaphore, #tpu.memory_space<semaphore_mem>>)
        %dma_wait3A_52 = arith.constant 0 : i32
        %dma_wait3A_53 = arith.constant 0 : i32
        %dma_wait3A_54 = tpu.memref_slice %arg6[%run_scoped3A, %dma_wait3A_52, %dma_wait3A_53] : memref<2x50000x32xf32, #tpu.memory_space<hbm>> -> memref<1x50000x32xf32, #tpu.memory_space<hbm>>
        %dma_wait3A_55 = tpu.memref_squeeze %dma_wait3A_54 : memref<1x50000x32xf32, #tpu.memory_space<hbm>> -> memref<50000x32xf32, #tpu.memory_space<hbm>>
        tpu.wait_dma2 semaphore(%run_scoped3A_48 : memref<!tpu.dma_semaphore, #tpu.memory_space<semaphore_mem>>) src(%arg7 : memref<50000x32xf32, #tpu.memory_space<vmem_shared>>) dst(%dma_wait3A_55 : memref<50000x32xf32, #tpu.memory_space<hbm>>)
        tpu.yield
      }) : () -> ()
    } else {
    }
    %eq3A_40 = arith.constant 0 : i32
    %eq3A_41 = arith.cmpi eq, %arg1, %eq3A_40 : i32
    %eq3A_42 = arith.constant 1 : i32
    %eq3A_43 = arith.cmpi eq, %arg0, %eq3A_42 : i32
    %and3A_44 = arith.andi %eq3A_41, %eq3A_43 : i1
    %convert_element_type3A_45 = arith.extui %and3A_44 : i1 to i32
    %cond3A_46 = arith.constant 0 : i32
    %cond3A_47 = arith.cmpi ne, %convert_element_type3A_45, %cond3A_46 : i32
    scf.if %cond3A_47 {
      %run_scoped3A = arith.constant 1 : i32
      "tpu.region"() ({
        %run_scoped3A_48 = tpu.sem_alloc : memref<!tpu.dma_semaphore, #tpu.memory_space<semaphore_mem>>
        %dma_start3A = arith.constant 0 : i32
        %dma_start3A_49 = arith.constant 0 : i32
        %dma_start3A_50 = tpu.memref_slice %arg6[%run_scoped3A, %dma_start3A, %dma_start3A_49] : memref<2x50000x32xf32, #tpu.memory_space<hbm>> -> memref<1x50000x32xf32, #tpu.memory_space<hbm>>
        %dma_start3A_51 = tpu.memref_squeeze %dma_start3A_50 : memref<1x50000x32xf32, #tpu.memory_space<hbm>> -> memref<50000x32xf32, #tpu.memory_space<hbm>>
        tpu.enqueue_dma source(%arg7 : memref<50000x32xf32, #tpu.memory_space<vmem_shared>>) target(%dma_start3A_51 : memref<50000x32xf32, #tpu.memory_space<hbm>>) target_semaphore(%run_scoped3A_48 : memref<!tpu.dma_semaphore, #tpu.memory_space<semaphore_mem>>)
        %dma_wait3A_52 = arith.constant 0 : i32
        %dma_wait3A_53 = arith.constant 0 : i32
        %dma_wait3A_54 = tpu.memref_slice %arg6[%run_scoped3A, %dma_wait3A_52, %dma_wait3A_53] : memref<2x50000x32xf32, #tpu.memory_space<hbm>> -> memref<1x50000x32xf32, #tpu.memory_space<hbm>>
        %dma_wait3A_55 = tpu.memref_squeeze %dma_wait3A_54 : memref<1x50000x32xf32, #tpu.memory_space<hbm>> -> memref<50000x32xf32, #tpu.memory_space<hbm>>
        tpu.wait_dma2 semaphore(%run_scoped3A_48 : memref<!tpu.dma_semaphore, #tpu.memory_space<semaphore_mem>>) src(%arg7 : memref<50000x32xf32, #tpu.memory_space<vmem_shared>>) dst(%dma_wait3A_55 : memref<50000x32xf32, #tpu.memory_space<hbm>>)
        tpu.yield
      }) : () -> ()
    } else {
    }
    return
  }
}

#map = affine_map<(d0, d1) -> (0)>
#map1 = affine_map<(d0, d1) -> (0, 0)>
module attributes {stable_mosaic.version = 14 : i64} {
  func.func @k(%arg0: i32, %arg1: i32, %arg2: memref<800000xi32, #tpu.memory_space<hbm>>, %arg3: memref<2x50000xf32, #tpu.memory_space<hbm>>, %arg4: memref<50000xf32, #tpu.memory_space<vmem_shared>>, %arg5: memref<5000xi32, #tpu.memory_space<vmem>>, %arg6: memref<5000xf32, #tpu.memory_space<vmem>>, %arg7: memref<1000xf32, #tpu.memory_space<vmem>>, %arg8: memref<!tpu.dma_semaphore, #tpu.memory_space<semaphore_mem>>) attributes {dimension_semantics = [#tpu.dimension_semantics<core_parallel>, #tpu.dimension_semantics<subcore_parallel>], iteration_bounds = array<i64: 2, 16>, scalar_prefetch = 0 : i64, scratch_operands = 5 : i64, tpu.core_type = #tpu.core_type<sc_vector_subcore>, window_params = [{transform_indices = #map}, {transform_indices = #map1}]} {
    %mul3A = arith.constant 16 : i32
    %mul3A_0 = arith.muli %arg0, %mul3A : i32
    %add3A = arith.addi %mul3A_0, %arg1 : i32
    %broadcast_in_dim3A = arith.constant 1.000000e+00 : f32
    %broadcast_in_dim3A_1 = vector.broadcast %broadcast_in_dim3A : f32 to vector<16xf32>
    %scan3A = arith.constant 0 : i32
    %scan3A_2 = arith.constant 0 : i32
    %scan3A_3 = arith.constant 312 : i32
    %scan3A_4 = arith.addi %scan3A_2, %scan3A_3 : i32
    %scan3A_5 = arith.constant 1 : i32
    scf.for %scan3A_46 = %scan3A_2 to %scan3A_4 step %scan3A_5  : i32 {
      %mul3A_47 = arith.constant 16 : i32
      %mul3A_48 = arith.muli %scan3A_46, %mul3A_47 : i32
      %swap3A_49 = arith.index_cast %mul3A_48 : i32 to index
      %swap3A_50 = tpu.vector_load %arg6[%swap3A_49] {strides = array<i32>} : memref<5000xf32, #tpu.memory_space<vmem>>, vector<16xf32>,
      %swap3A_51 = vector.shape_cast %swap3A_50 : vector<16xf32> to vector<16xf32>
      %swap3A_52 = vector.shape_cast %broadcast_in_dim3A_1 : vector<16xf32> to vector<16xf32>
      tpu.vector_store %arg6[%swap3A_49], %swap3A_52 {strides = array<i32>} : memref<5000xf32, #tpu.memory_space<vmem>>, vector<16xf32>,
    }
    %scan3A_6 = arith.constant 312 : i32
    %swap3A = arith.constant 4984 : index
    %swap3A_7 = tpu.vector_load %arg6[%swap3A] {strides = array<i32>} : memref<5000xf32, #tpu.memory_space<vmem>>, vector<16xf32>,
    %swap3A_8 = vector.shape_cast %swap3A_7 : vector<16xf32> to vector<16xf32>
    %swap3A_9 = vector.shape_cast %broadcast_in_dim3A_1 : vector<16xf32> to vector<16xf32>
    tpu.vector_store %arg6[%swap3A], %swap3A_9 {strides = array<i32>} : memref<5000xf32, #tpu.memory_space<vmem>>, vector<16xf32>,
    %broadcast_in_dim3A_10 = arith.constant 0.000000e+00 : f32
    %broadcast_in_dim3A_11 = vector.broadcast %broadcast_in_dim3A_10 : f32 to vector<16xf32>
    %scan3A_12 = arith.constant 0 : i32
    %scan3A_13 = arith.constant 0 : i32
    %scan3A_14 = arith.constant 62 : i32
    %scan3A_15 = arith.addi %scan3A_13, %scan3A_14 : i32
    %scan3A_16 = arith.constant 1 : i32
    scf.for %scan3A_46 = %scan3A_13 to %scan3A_15 step %scan3A_16  : i32 {
      %mul3A_47 = arith.constant 16 : i32
      %mul3A_48 = arith.muli %scan3A_46, %mul3A_47 : i32
      %swap3A_49 = arith.index_cast %mul3A_48 : i32 to index
      %swap3A_50 = tpu.vector_load %arg7[%swap3A_49] {strides = array<i32>} : memref<1000xf32, #tpu.memory_space<vmem>>, vector<16xf32>,
      %swap3A_51 = vector.shape_cast %swap3A_50 : vector<16xf32> to vector<16xf32>
      %swap3A_52 = vector.shape_cast %broadcast_in_dim3A_11 : vector<16xf32> to vector<16xf32>
      tpu.vector_store %arg7[%swap3A_49], %swap3A_52 {strides = array<i32>} : memref<1000xf32, #tpu.memory_space<vmem>>, vector<16xf32>,
    }
    %scan3A_17 = arith.constant 62 : i32
    %swap3A_18 = arith.constant 984 : index
    %swap3A_19 = tpu.vector_load %arg7[%swap3A_18] {strides = array<i32>} : memref<1000xf32, #tpu.memory_space<vmem>>, vector<16xf32>,
    %swap3A_20 = vector.shape_cast %swap3A_19 : vector<16xf32> to vector<16xf32>
    %swap3A_21 = vector.shape_cast %broadcast_in_dim3A_11 : vector<16xf32> to vector<16xf32>
    tpu.vector_store %arg7[%swap3A_18], %swap3A_21 {strides = array<i32>} : memref<1000xf32, #tpu.memory_space<vmem>>, vector<16xf32>,
    %eq3A = arith.constant 0 : i32
    %eq3A_22 = arith.cmpi eq, %arg1, %eq3A : i32
    %convert_element_type3A = arith.extui %eq3A_22 : i1 to i32
    %cond3A = arith.constant 0 : i32
    %cond3A_23 = arith.cmpi ne, %convert_element_type3A, %cond3A : i32
    scf.if %cond3A_23 {
      %scan3A_46 = arith.constant 0 : i32
      %scan3A_47 = arith.constant 0 : i32
      %scan3A_48 = arith.constant 50 : i32
      %scan3A_49 = arith.addi %scan3A_47, %scan3A_48 : i32
      %scan3A_50 = arith.constant 1 : i32
      scf.for %scan3A_52 = %scan3A_47 to %scan3A_49 step %scan3A_50  : i32 {
        %mul3A_53 = arith.constant 1000 : i32
        %mul3A_54 = arith.muli %scan3A_52, %mul3A_53 : i32
        "tpu.region"() ({
          %run_scoped3A = tpu.sem_alloc : memref<!tpu.dma_semaphore, #tpu.memory_space<semaphore_mem>>
          %dma_start3A = tpu.memref_slice %arg4[%mul3A_54] : memref<50000xf32, #tpu.memory_space<vmem_shared>> -> memref<1000xf32, #tpu.memory_space<vmem_shared>>
          %dma_start3A_55 = tpu.memref_slice %arg4[%mul3A_54] : memref<50000xf32, #tpu.memory_space<vmem_shared>> -> memref<1000xf32, #tpu.memory_space<vmem_shared>>
          tpu.enqueue_dma source(%arg7 : memref<1000xf32, #tpu.memory_space<vmem>>) target(%dma_start3A_55 : memref<1000xf32, #tpu.memory_space<vmem_shared>>) target_semaphore(%run_scoped3A : memref<!tpu.dma_semaphore, #tpu.memory_space<semaphore_mem>>)
          %dma_wait3A = tpu.memref_slice %arg4[%mul3A_54] : memref<50000xf32, #tpu.memory_space<vmem_shared>> -> memref<1000xf32, #tpu.memory_space<vmem_shared>>
          %dma_wait3A_56 = tpu.memref_slice %arg4[%mul3A_54] : memref<50000xf32, #tpu.memory_space<vmem_shared>> -> memref<1000xf32, #tpu.memory_space<vmem_shared>>
          tpu.wait_dma2 semaphore(%run_scoped3A : memref<!tpu.dma_semaphore, #tpu.memory_space<semaphore_mem>>) src(%arg7 : memref<1000xf32, #tpu.memory_space<vmem>>) dst(%dma_wait3A_56 : memref<1000xf32, #tpu.memory_space<vmem_shared>>)
          tpu.yield
        }) : () -> ()
      }
      %scan3A_51 = arith.constant 50 : i32
    } else {
    }
    %barrier3A = arith.constant 0 : index
    tpu.barrier barrier_id(%barrier3A)
    %scan3A_24 = arith.constant 0 : i32
    %scan3A_25 = arith.constant 0 : i32
    %scan3A_26 = arith.constant 5 : i32
    %scan3A_27 = arith.addi %scan3A_25, %scan3A_26 : i32
    %scan3A_28 = arith.constant 1 : i32
    scf.for %scan3A_46 = %scan3A_25 to %scan3A_27 step %scan3A_28  : i32 {
      %mul3A_47 = arith.constant 25000 : i32
      %mul3A_48 = arith.muli %add3A, %mul3A_47 : i32
      %mul3A_49 = arith.constant 5000 : i32
      %mul3A_50 = arith.muli %scan3A_46, %mul3A_49 : i32
      %add3A_51 = arith.addi %mul3A_48, %mul3A_50 : i32
      "tpu.region"() ({
        %run_scoped3A = tpu.sem_alloc : memref<!tpu.dma_semaphore, #tpu.memory_space<semaphore_mem>>
        %dma_start3A = tpu.memref_slice %arg2[%add3A_51] : memref<800000xi32, #tpu.memory_space<hbm>> -> memref<5000xi32, #tpu.memory_space<hbm>>
        %dma_start3A_52 = tpu.memref_slice %arg2[%add3A_51] : memref<800000xi32, #tpu.memory_space<hbm>> -> memref<5000xi32, #tpu.memory_space<hbm>>
        tpu.enqueue_dma source(%dma_start3A_52 : memref<5000xi32, #tpu.memory_space<hbm>>) target(%arg5 : memref<5000xi32, #tpu.memory_space<vmem>>) target_semaphore(%run_scoped3A : memref<!tpu.dma_semaphore, #tpu.memory_space<semaphore_mem>>)
        %dma_wait3A = tpu.memref_slice %arg2[%add3A_51] : memref<800000xi32, #tpu.memory_space<hbm>> -> memref<5000xi32, #tpu.memory_space<hbm>>
        %dma_wait3A_53 = tpu.memref_slice %arg2[%add3A_51] : memref<800000xi32, #tpu.memory_space<hbm>> -> memref<5000xi32, #tpu.memory_space<hbm>>
        tpu.wait_dma2 semaphore(%run_scoped3A : memref<!tpu.dma_semaphore, #tpu.memory_space<semaphore_mem>>) src(%dma_wait3A_53 : memref<5000xi32, #tpu.memory_space<hbm>>) dst(%arg5 : memref<5000xi32, #tpu.memory_space<vmem>>)
        tpu.yield
      }) : () -> ()
      "tpu.region"() ({
        %run_scoped3A = tpu.sem_alloc : memref<!tpu.dma_semaphore, #tpu.memory_space<semaphore_mem>>
        %dma_start3A = arith.constant 0 : i32
        %dma_start3A_52 = tpu.memref_slice %arg4[%dma_start3A] : memref<50000xf32, #tpu.memory_space<vmem_shared>> -> memref<50000xf32, #tpu.memory_space<vmem_shared>>
        tpu.enqueue_indirect_dma source(%arg6 : memref<5000xf32, #tpu.memory_space<vmem>>) target(%dma_start3A_52 : memref<50000xf32, #tpu.memory_space<vmem_shared>>) offsets(%arg5 : memref<5000xi32, #tpu.memory_space<vmem>>) semaphore(%run_scoped3A : memref<!tpu.dma_semaphore, #tpu.memory_space<semaphore_mem>>) {add = true}
        %dma_wait3A = arith.constant 0 : i32
        %dma_wait3A_53 = tpu.memref_slice %arg4[%dma_wait3A] : memref<50000xf32, #tpu.memory_space<vmem_shared>> -> memref<50000xf32, #tpu.memory_space<vmem_shared>>
        tpu.wait_indirect_dma semaphore(%run_scoped3A : memref<!tpu.dma_semaphore, #tpu.memory_space<semaphore_mem>>) src(%arg6 : memref<5000xf32, #tpu.memory_space<vmem>>) dst(%dma_wait3A_53 : memref<50000xf32, #tpu.memory_space<vmem_shared>>)
        tpu.yield
      }) : () -> ()
    }
    %scan3A_29 = arith.constant 5 : i32
    %barrier3A_30 = arith.constant 0 : index
    tpu.barrier barrier_id(%barrier3A_30)
    %eq3A_31 = arith.constant 0 : i32
    %eq3A_32 = arith.cmpi eq, %arg1, %eq3A_31 : i32
    %eq3A_33 = arith.constant 0 : i32
    %eq3A_34 = arith.cmpi eq, %arg0, %eq3A_33 : i32
    %and3A = arith.andi %eq3A_32, %eq3A_34 : i1
    %convert_element_type3A_35 = arith.extui %and3A : i1 to i32
    %cond3A_36 = arith.constant 0 : i32
    %cond3A_37 = arith.cmpi ne, %convert_element_type3A_35, %cond3A_36 : i32
    scf.if %cond3A_37 {
      %run_scoped3A = arith.constant 0 : i32
      "tpu.region"() ({
        %run_scoped3A_46 = tpu.sem_alloc : memref<!tpu.dma_semaphore, #tpu.memory_space<semaphore_mem>>
        %dma_start3A = arith.constant 0 : i32
        %dma_start3A_47 = tpu.memref_slice %arg3[%run_scoped3A, %dma_start3A] : memref<2x50000xf32, #tpu.memory_space<hbm>> -> memref<1x50000xf32, #tpu.memory_space<hbm>>
        %dma_start3A_48 = tpu.memref_squeeze %dma_start3A_47 : memref<1x50000xf32, #tpu.memory_space<hbm>> -> memref<50000xf32, #tpu.memory_space<hbm>>
        tpu.enqueue_dma source(%arg4 : memref<50000xf32, #tpu.memory_space<vmem_shared>>) target(%dma_start3A_48 : memref<50000xf32, #tpu.memory_space<hbm>>) target_semaphore(%run_scoped3A_46 : memref<!tpu.dma_semaphore, #tpu.memory_space<semaphore_mem>>)
        %dma_wait3A = arith.constant 0 : i32
        %dma_wait3A_49 = tpu.memref_slice %arg3[%run_scoped3A, %dma_wait3A] : memref<2x50000xf32, #tpu.memory_space<hbm>> -> memref<1x50000xf32, #tpu.memory_space<hbm>>
        %dma_wait3A_50 = tpu.memref_squeeze %dma_wait3A_49 : memref<1x50000xf32, #tpu.memory_space<hbm>> -> memref<50000xf32, #tpu.memory_space<hbm>>
        tpu.wait_dma2 semaphore(%run_scoped3A_46 : memref<!tpu.dma_semaphore, #tpu.memory_space<semaphore_mem>>) src(%arg4 : memref<50000xf32, #tpu.memory_space<vmem_shared>>) dst(%dma_wait3A_50 : memref<50000xf32, #tpu.memory_space<hbm>>)
        tpu.yield
      }) : () -> ()
    } else {
    }
    %eq3A_38 = arith.constant 0 : i32
    %eq3A_39 = arith.cmpi eq, %arg1, %eq3A_38 : i32
    %eq3A_40 = arith.constant 1 : i32
    %eq3A_41 = arith.cmpi eq, %arg0, %eq3A_40 : i32
    %and3A_42 = arith.andi %eq3A_39, %eq3A_41 : i1
    %convert_element_type3A_43 = arith.extui %and3A_42 : i1 to i32
    %cond3A_44 = arith.constant 0 : i32
    %cond3A_45 = arith.cmpi ne, %convert_element_type3A_43, %cond3A_44 : i32
    scf.if %cond3A_45 {
      %run_scoped3A = arith.constant 1 : i32
      "tpu.region"() ({
        %run_scoped3A_46 = tpu.sem_alloc : memref<!tpu.dma_semaphore, #tpu.memory_space<semaphore_mem>>
        %dma_start3A = arith.constant 0 : i32
        %dma_start3A_47 = tpu.memref_slice %arg3[%run_scoped3A, %dma_start3A] : memref<2x50000xf32, #tpu.memory_space<hbm>> -> memref<1x50000xf32, #tpu.memory_space<hbm>>
        %dma_start3A_48 = tpu.memref_squeeze %dma_start3A_47 : memref<1x50000xf32, #tpu.memory_space<hbm>> -> memref<50000xf32, #tpu.memory_space<hbm>>
        tpu.enqueue_dma source(%arg4 : memref<50000xf32, #tpu.memory_space<vmem_shared>>) target(%dma_start3A_48 : memref<50000xf32, #tpu.memory_space<hbm>>) target_semaphore(%run_scoped3A_46 : memref<!tpu.dma_semaphore, #tpu.memory_space<semaphore_mem>>)
        %dma_wait3A = arith.constant 0 : i32
        %dma_wait3A_49 = tpu.memref_slice %arg3[%run_scoped3A, %dma_wait3A] : memref<2x50000xf32, #tpu.memory_space<hbm>> -> memref<1x50000xf32, #tpu.memory_space<hbm>>
        %dma_wait3A_50 = tpu.memref_squeeze %dma_wait3A_49 : memref<1x50000xf32, #tpu.memory_space<hbm>> -> memref<50000xf32, #tpu.memory_space<hbm>>
        tpu.wait_dma2 semaphore(%run_scoped3A_46 : memref<!tpu.dma_semaphore, #tpu.memory_space<semaphore_mem>>) src(%arg4 : memref<50000xf32, #tpu.memory_space<vmem_shared>>) dst(%dma_wait3A_50 : memref<50000xf32, #tpu.memory_space<hbm>>)
        tpu.yield
      }) : () -> ()
    } else {
    }
    return
  }
}

#map = affine_map<(d0, d1) -> (0)>
#map1 = affine_map<(d0, d1) -> (0, 0)>
#map2 = affine_map<(d0, d1) -> (0, 0, 0)>
module attributes {stable_mosaic.version = 14 : i64} {
  func.func @k(%arg0: i32, %arg1: i32, %arg2: memref<800000xi32, #tpu.memory_space<hbm>>, %arg3: memref<800000xi32, #tpu.memory_space<hbm>>, %arg4: memref<50000x32xf32, #tpu.memory_space<hbm>>, %arg5: memref<50000x32xf32, #tpu.memory_space<hbm>>, %arg6: memref<2x50000x32xf32, #tpu.memory_space<hbm>>, %arg7: memref<50000x32xf32, #tpu.memory_space<vmem_shared>>, %arg8: memref<400xi32, #tpu.memory_space<vmem>>, %arg9: memref<400xi32, #tpu.memory_space<vmem>>, %arg10: memref<400xi32, #tpu.memory_space<vmem>>, %arg11: memref<400xi32, #tpu.memory_space<vmem>>, %arg12: memref<400x32xf32, #tpu.memory_space<vmem>>, %arg13: memref<400x32xf32, #tpu.memory_space<vmem>>, %arg14: memref<!tpu.dma_semaphore, #tpu.memory_space<semaphore_mem>>, %arg15: memref<!tpu.dma_semaphore, #tpu.memory_space<semaphore_mem>>) attributes {dimension_semantics = [#tpu.dimension_semantics<core_parallel>, #tpu.dimension_semantics<subcore_parallel>], iteration_bounds = array<i64: 2, 16>, scalar_prefetch = 0 : i64, scratch_operands = 9 : i64, tpu.core_type = #tpu.core_type<sc_vector_subcore>, window_params = [{transform_indices = #map}, {transform_indices = #map}, {transform_indices = #map1}, {transform_indices = #map1}, {transform_indices = #map2}]} {
    %eq3A = arith.constant 0 : i32
    %eq3A_0 = arith.cmpi eq, %arg1, %eq3A : i32
    %eq3A_1 = arith.constant 0 : i32
    %eq3A_2 = arith.cmpi eq, %arg0, %eq3A_1 : i32
    %and3A = arith.andi %eq3A_0, %eq3A_2 : i1
    %convert_element_type3A = arith.extui %and3A : i1 to i32
    %cond3A = arith.constant 0 : i32
    %cond3A_3 = arith.cmpi ne, %convert_element_type3A, %cond3A : i32
    scf.if %cond3A_3 {
      "tpu.region"() ({
        %run_scoped3A = tpu.sem_alloc : memref<!tpu.dma_semaphore, #tpu.memory_space<semaphore_mem>>
        tpu.enqueue_dma source(%arg4 : memref<50000x32xf32, #tpu.memory_space<hbm>>) target(%arg7 : memref<50000x32xf32, #tpu.memory_space<vmem_shared>>) target_semaphore(%run_scoped3A : memref<!tpu.dma_semaphore, #tpu.memory_space<semaphore_mem>>)
        tpu.wait_dma2 semaphore(%run_scoped3A : memref<!tpu.dma_semaphore, #tpu.memory_space<semaphore_mem>>) src(%arg4 : memref<50000x32xf32, #tpu.memory_space<hbm>>) dst(%arg7 : memref<50000x32xf32, #tpu.memory_space<vmem_shared>>)
        tpu.yield
      }) : () -> ()
    } else {
    }
    %eq3A_4 = arith.constant 0 : i32
    %eq3A_5 = arith.cmpi eq, %arg1, %eq3A_4 : i32
    %eq3A_6 = arith.constant 1 : i32
    %eq3A_7 = arith.cmpi eq, %arg0, %eq3A_6 : i32
    %and3A_8 = arith.andi %eq3A_5, %eq3A_7 : i1
    %convert_element_type3A_9 = arith.extui %and3A_8 : i1 to i32
    %cond3A_10 = arith.constant 0 : i32
    %cond3A_11 = arith.cmpi ne, %convert_element_type3A_9, %cond3A_10 : i32
    scf.if %cond3A_11 {
      "tpu.region"() ({
        %run_scoped3A = tpu.sem_alloc : memref<!tpu.dma_semaphore, #tpu.memory_space<semaphore_mem>>
        tpu.enqueue_dma source(%arg5 : memref<50000x32xf32, #tpu.memory_space<hbm>>) target(%arg7 : memref<50000x32xf32, #tpu.memory_space<vmem_shared>>) target_semaphore(%run_scoped3A : memref<!tpu.dma_semaphore, #tpu.memory_space<semaphore_mem>>)
        tpu.wait_dma2 semaphore(%run_scoped3A : memref<!tpu.dma_semaphore, #tpu.memory_space<semaphore_mem>>) src(%arg5 : memref<50000x32xf32, #tpu.memory_space<hbm>>) dst(%arg7 : memref<50000x32xf32, #tpu.memory_space<vmem_shared>>)
        tpu.yield
      }) : () -> ()
    } else {
    }
    %barrier3A = arith.constant 0 : index
    tpu.barrier barrier_id(%barrier3A)
    %mul3A = arith.constant 50000 : i32
    %mul3A_12 = arith.muli %arg1, %mul3A : i32
    %add3A = arith.constant 0 : i32
    %add3A_13 = arith.addi %mul3A_12, %add3A : i32
    "tpu.region"() ({
      %run_scoped3A = tpu.sem_alloc : memref<!tpu.dma_semaphore, #tpu.memory_space<semaphore_mem>>
      %dma_start3A = tpu.memref_slice %arg2[%add3A_13] : memref<800000xi32, #tpu.memory_space<hbm>> -> memref<400xi32, #tpu.memory_space<hbm>>
      %dma_start3A_48 = tpu.memref_slice %arg2[%add3A_13] : memref<800000xi32, #tpu.memory_space<hbm>> -> memref<400xi32, #tpu.memory_space<hbm>>
      tpu.enqueue_dma source(%dma_start3A_48 : memref<400xi32, #tpu.memory_space<hbm>>) target(%arg8 : memref<400xi32, #tpu.memory_space<vmem>>) target_semaphore(%run_scoped3A : memref<!tpu.dma_semaphore, #tpu.memory_space<semaphore_mem>>)
      %dma_wait3A_49 = tpu.memref_slice %arg2[%add3A_13] : memref<800000xi32, #tpu.memory_space<hbm>> -> memref<400xi32, #tpu.memory_space<hbm>>
      %dma_wait3A_50 = tpu.memref_slice %arg2[%add3A_13] : memref<800000xi32, #tpu.memory_space<hbm>> -> memref<400xi32, #tpu.memory_space<hbm>>
      tpu.wait_dma2 semaphore(%run_scoped3A : memref<!tpu.dma_semaphore, #tpu.memory_space<semaphore_mem>>) src(%dma_wait3A_50 : memref<400xi32, #tpu.memory_space<hbm>>) dst(%arg8 : memref<400xi32, #tpu.memory_space<vmem>>)
      tpu.yield
    }) : () -> ()
    "tpu.region"() ({
      %run_scoped3A = tpu.sem_alloc : memref<!tpu.dma_semaphore, #tpu.memory_space<semaphore_mem>>
      %dma_start3A = tpu.memref_slice %arg3[%add3A_13] : memref<800000xi32, #tpu.memory_space<hbm>> -> memref<400xi32, #tpu.memory_space<hbm>>
      %dma_start3A_48 = tpu.memref_slice %arg3[%add3A_13] : memref<800000xi32, #tpu.memory_space<hbm>> -> memref<400xi32, #tpu.memory_space<hbm>>
      tpu.enqueue_dma source(%dma_start3A_48 : memref<400xi32, #tpu.memory_space<hbm>>) target(%arg10 : memref<400xi32, #tpu.memory_space<vmem>>) target_semaphore(%run_scoped3A : memref<!tpu.dma_semaphore, #tpu.memory_space<semaphore_mem>>)
      %dma_wait3A_49 = tpu.memref_slice %arg3[%add3A_13] : memref<800000xi32, #tpu.memory_space<hbm>> -> memref<400xi32, #tpu.memory_space<hbm>>
      %dma_wait3A_50 = tpu.memref_slice %arg3[%add3A_13] : memref<800000xi32, #tpu.memory_space<hbm>> -> memref<400xi32, #tpu.memory_space<hbm>>
      tpu.wait_dma2 semaphore(%run_scoped3A : memref<!tpu.dma_semaphore, #tpu.memory_space<semaphore_mem>>) src(%dma_wait3A_50 : memref<400xi32, #tpu.memory_space<hbm>>) dst(%arg10 : memref<400xi32, #tpu.memory_space<vmem>>)
      tpu.yield
    }) : () -> ()
    %eq3A_14 = arith.constant 0 : i32
    %eq3A_15 = arith.cmpi eq, %arg0, %eq3A_14 : i32
    %convert_element_type3A_16 = arith.extui %eq3A_15 : i1 to i32
    %cond3A_17 = arith.constant 0 : i32
    %cond3A_18 = arith.cmpi ne, %convert_element_type3A_16, %cond3A_17 : i32
    scf.if %cond3A_18 {
      %dma_start3A = arith.constant 0 : i32
      %dma_start3A_48 = arith.constant 0 : i32
      %dma_start3A_49 = tpu.memref_slice %arg4[%dma_start3A, %dma_start3A_48] : memref<50000x32xf32, #tpu.memory_space<hbm>> -> memref<50000x32xf32, #tpu.memory_space<hbm>>
      tpu.enqueue_indirect_dma source(%dma_start3A_49 : memref<50000x32xf32, #tpu.memory_space<hbm>>) target(%arg12 : memref<400x32xf32, #tpu.memory_space<vmem>>) offsets(%arg8 : memref<400xi32, #tpu.memory_space<vmem>>) semaphore(%arg14 : memref<!tpu.dma_semaphore, #tpu.memory_space<semaphore_mem>>)
    } else {
    }
    %eq3A_19 = arith.constant 1 : i32
    %eq3A_20 = arith.cmpi eq, %arg0, %eq3A_19 : i32
    %convert_element_type3A_21 = arith.extui %eq3A_20 : i1 to i32
    %cond3A_22 = arith.constant 0 : i32
    %cond3A_23 = arith.cmpi ne, %convert_element_type3A_21, %cond3A_22 : i32
    scf.if %cond3A_23 {
      %dma_start3A = arith.constant 0 : i32
      %dma_start3A_48 = arith.constant 0 : i32
      %dma_start3A_49 = tpu.memref_slice %arg5[%dma_start3A, %dma_start3A_48] : memref<50000x32xf32, #tpu.memory_space<hbm>> -> memref<50000x32xf32, #tpu.memory_space<hbm>>
      tpu.enqueue_indirect_dma source(%dma_start3A_49 : memref<50000x32xf32, #tpu.memory_space<hbm>>) target(%arg12 : memref<400x32xf32, #tpu.memory_space<vmem>>) offsets(%arg8 : memref<400xi32, #tpu.memory_space<vmem>>) semaphore(%arg14 : memref<!tpu.dma_semaphore, #tpu.memory_space<semaphore_mem>>)
    } else {
    }
    %scan3A = arith.constant 0 : i32
    %scan3A_24 = arith.constant 0 : i32
    %scan3A_25 = arith.constant 62 : i32
    %scan3A_26 = arith.addi %scan3A_24, %scan3A_25 : i32
    %scan3A_27 = arith.constant 1 : i32
    scf.for %scan3A_48 = %scan3A_24 to %scan3A_26 step %scan3A_27  : i32 {
      %mul3A_49 = arith.constant 2 : i32
      %mul3A_50 = arith.muli %mul3A_49, %scan3A_48 : i32
      %add3A_51 = arith.constant 1 : i32
      %add3A_52 = arith.addi %mul3A_50, %add3A_51 : i32
      %mul3A_53 = arith.constant 50000 : i32
      %mul3A_54 = arith.muli %arg1, %mul3A_53 : i32
      %mul3A_55 = arith.constant 400 : i32
      %mul3A_56 = arith.muli %add3A_52, %mul3A_55 : i32
      %add3A_57 = arith.addi %mul3A_54, %mul3A_56 : i32
      "tpu.region"() ({
        %run_scoped3A = tpu.sem_alloc : memref<!tpu.dma_semaphore, #tpu.memory_space<semaphore_mem>>
        %dma_start3A = tpu.memref_slice %arg2[%add3A_57] : memref<800000xi32, #tpu.memory_space<hbm>> -> memref<400xi32, #tpu.memory_space<hbm>>
        %dma_start3A_82 = tpu.memref_slice %arg2[%add3A_57] : memref<800000xi32, #tpu.memory_space<hbm>> -> memref<400xi32, #tpu.memory_space<hbm>>
        tpu.enqueue_dma source(%dma_start3A_82 : memref<400xi32, #tpu.memory_space<hbm>>) target(%arg9 : memref<400xi32, #tpu.memory_space<vmem>>) target_semaphore(%run_scoped3A : memref<!tpu.dma_semaphore, #tpu.memory_space<semaphore_mem>>)
        %dma_wait3A_83 = tpu.memref_slice %arg2[%add3A_57] : memref<800000xi32, #tpu.memory_space<hbm>> -> memref<400xi32, #tpu.memory_space<hbm>>
        %dma_wait3A_84 = tpu.memref_slice %arg2[%add3A_57] : memref<800000xi32, #tpu.memory_space<hbm>> -> memref<400xi32, #tpu.memory_space<hbm>>
        tpu.wait_dma2 semaphore(%run_scoped3A : memref<!tpu.dma_semaphore, #tpu.memory_space<semaphore_mem>>) src(%dma_wait3A_84 : memref<400xi32, #tpu.memory_space<hbm>>) dst(%arg9 : memref<400xi32, #tpu.memory_space<vmem>>)
        tpu.yield
      }) : () -> ()
      "tpu.region"() ({
        %run_scoped3A = tpu.sem_alloc : memref<!tpu.dma_semaphore, #tpu.memory_space<semaphore_mem>>
        %dma_start3A = tpu.memref_slice %arg3[%add3A_57] : memref<800000xi32, #tpu.memory_space<hbm>> -> memref<400xi32, #tpu.memory_space<hbm>>
        %dma_start3A_82 = tpu.memref_slice %arg3[%add3A_57] : memref<800000xi32, #tpu.memory_space<hbm>> -> memref<400xi32, #tpu.memory_space<hbm>>
        tpu.enqueue_dma source(%dma_start3A_82 : memref<400xi32, #tpu.memory_space<hbm>>) target(%arg11 : memref<400xi32, #tpu.memory_space<vmem>>) target_semaphore(%run_scoped3A : memref<!tpu.dma_semaphore, #tpu.memory_space<semaphore_mem>>)
        %dma_wait3A_83 = tpu.memref_slice %arg3[%add3A_57] : memref<800000xi32, #tpu.memory_space<hbm>> -> memref<400xi32, #tpu.memory_space<hbm>>
        %dma_wait3A_84 = tpu.memref_slice %arg3[%add3A_57] : memref<800000xi32, #tpu.memory_space<hbm>> -> memref<400xi32, #tpu.memory_space<hbm>>
        tpu.wait_dma2 semaphore(%run_scoped3A : memref<!tpu.dma_semaphore, #tpu.memory_space<semaphore_mem>>) src(%dma_wait3A_84 : memref<400xi32, #tpu.memory_space<hbm>>) dst(%arg11 : memref<400xi32, #tpu.memory_space<vmem>>)
        tpu.yield
      }) : () -> ()
      %eq3A_58 = arith.constant 0 : i32
      %eq3A_59 = arith.cmpi eq, %arg0, %eq3A_58 : i32
      %convert_element_type3A_60 = arith.extui %eq3A_59 : i1 to i32
      %cond3A_61 = arith.constant 0 : i32
      %cond3A_62 = arith.cmpi ne, %convert_element_type3A_60, %cond3A_61 : i32
      scf.if %cond3A_62 {
        %dma_start3A = arith.constant 0 : i32
        %dma_start3A_82 = arith.constant 0 : i32
        %dma_start3A_83 = tpu.memref_slice %arg4[%dma_start3A, %dma_start3A_82] : memref<50000x32xf32, #tpu.memory_space<hbm>> -> memref<50000x32xf32, #tpu.memory_space<hbm>>
        tpu.enqueue_indirect_dma source(%dma_start3A_83 : memref<50000x32xf32, #tpu.memory_space<hbm>>) target(%arg13 : memref<400x32xf32, #tpu.memory_space<vmem>>) offsets(%arg9 : memref<400xi32, #tpu.memory_space<vmem>>) semaphore(%arg15 : memref<!tpu.dma_semaphore, #tpu.memory_space<semaphore_mem>>)
      } else {
      }
      %eq3A_63 = arith.constant 1 : i32
      %eq3A_64 = arith.cmpi eq, %arg0, %eq3A_63 : i32
      %convert_element_type3A_65 = arith.extui %eq3A_64 : i1 to i32
      %cond3A_66 = arith.constant 0 : i32
      %cond3A_67 = arith.cmpi ne, %convert_element_type3A_65, %cond3A_66 : i32
      scf.if %cond3A_67 {
        %dma_start3A = arith.constant 0 : i32
        %dma_start3A_82 = arith.constant 0 : i32
        %dma_start3A_83 = tpu.memref_slice %arg5[%dma_start3A, %dma_start3A_82] : memref<50000x32xf32, #tpu.memory_space<hbm>> -> memref<50000x32xf32, #tpu.memory_space<hbm>>
        tpu.enqueue_indirect_dma source(%dma_start3A_83 : memref<50000x32xf32, #tpu.memory_space<hbm>>) target(%arg13 : memref<400x32xf32, #tpu.memory_space<vmem>>) offsets(%arg9 : memref<400xi32, #tpu.memory_space<vmem>>) semaphore(%arg15 : memref<!tpu.dma_semaphore, #tpu.memory_space<semaphore_mem>>)
      } else {
      }
      %dma_wait3A_68 = arith.constant 0 : i32
      %dma_wait3A_69 = arith.constant 0 : i32
      %dma_wait3A_70 = tpu.memref_slice %arg4[%dma_wait3A_68, %dma_wait3A_69] : memref<50000x32xf32, #tpu.memory_space<hbm>> -> memref<50000x32xf32, #tpu.memory_space<hbm>>
      tpu.wait_indirect_dma semaphore(%arg14 : memref<!tpu.dma_semaphore, #tpu.memory_space<semaphore_mem>>) src(%dma_wait3A_70 : memref<50000x32xf32, #tpu.memory_space<hbm>>) dst(%arg12 : memref<400x32xf32, #tpu.memory_space<vmem>>)
      "tpu.region"() ({
        %run_scoped3A = tpu.sem_alloc : memref<!tpu.dma_semaphore, #tpu.memory_space<semaphore_mem>>
        %dma_start3A = arith.constant 0 : i32
        %dma_start3A_82 = arith.constant 0 : i32
        %dma_start3A_83 = tpu.memref_slice %arg7[%dma_start3A, %dma_start3A_82] : memref<50000x32xf32, #tpu.memory_space<vmem_shared>> -> memref<50000x32xf32, #tpu.memory_space<vmem_shared>>
        tpu.enqueue_indirect_dma source(%arg12 : memref<400x32xf32, #tpu.memory_space<vmem>>) target(%dma_start3A_83 : memref<50000x32xf32, #tpu.memory_space<vmem_shared>>) offsets(%arg10 : memref<400xi32, #tpu.memory_space<vmem>>) semaphore(%run_scoped3A : memref<!tpu.dma_semaphore, #tpu.memory_space<semaphore_mem>>) {add = true}
        %dma_wait3A_84 = arith.constant 0 : i32
        %dma_wait3A_85 = arith.constant 0 : i32
        %dma_wait3A_86 = tpu.memref_slice %arg7[%dma_wait3A_84, %dma_wait3A_85] : memref<50000x32xf32, #tpu.memory_space<vmem_shared>> -> memref<50000x32xf32, #tpu.memory_space<vmem_shared>>
        tpu.wait_indirect_dma semaphore(%run_scoped3A : memref<!tpu.dma_semaphore, #tpu.memory_space<semaphore_mem>>) src(%arg12 : memref<400x32xf32, #tpu.memory_space<vmem>>) dst(%dma_wait3A_86 : memref<50000x32xf32, #tpu.memory_space<vmem_shared>>)
        tpu.yield
      }) : () -> ()
      %mul3A_71 = arith.constant 2 : i32
      %mul3A_72 = arith.muli %mul3A_71, %scan3A_48 : i32
      %add3A_73 = arith.constant 2 : i32
      %add3A_74 = arith.addi %mul3A_72, %add3A_73 : i32
      %lt3A = arith.constant 125 : i32
      %lt3A_75 = arith.cmpi slt, %add3A_74, %lt3A : i32
      %convert_element_type3A_76 = arith.extui %lt3A_75 : i1 to i32
      %cond3A_77 = arith.constant 0 : i32
      %cond3A_78 = arith.cmpi ne, %convert_element_type3A_76, %cond3A_77 : i32
      scf.if %cond3A_78 {
        %mul3A_82 = arith.constant 2 : i32
        %mul3A_83 = arith.muli %mul3A_82, %scan3A_48 : i32
        %add3A_84 = arith.constant 2 : i32
        %add3A_85 = arith.addi %mul3A_83, %add3A_84 : i32
        %mul3A_86 = arith.constant 50000 : i32
        %mul3A_87 = arith.muli %arg1, %mul3A_86 : i32
        %mul3A_88 = arith.constant 400 : i32
        %mul3A_89 = arith.muli %add3A_85, %mul3A_88 : i32
        %add3A_90 = arith.addi %mul3A_87, %mul3A_89 : i32
        "tpu.region"() ({
          %run_scoped3A = tpu.sem_alloc : memref<!tpu.dma_semaphore, #tpu.memory_space<semaphore_mem>>
          %dma_start3A = tpu.memref_slice %arg2[%add3A_90] : memref<800000xi32, #tpu.memory_space<hbm>> -> memref<400xi32, #tpu.memory_space<hbm>>
          %dma_start3A_101 = tpu.memref_slice %arg2[%add3A_90] : memref<800000xi32, #tpu.memory_space<hbm>> -> memref<400xi32, #tpu.memory_space<hbm>>
          tpu.enqueue_dma source(%dma_start3A_101 : memref<400xi32, #tpu.memory_space<hbm>>) target(%arg8 : memref<400xi32, #tpu.memory_space<vmem>>) target_semaphore(%run_scoped3A : memref<!tpu.dma_semaphore, #tpu.memory_space<semaphore_mem>>)
          %dma_wait3A_102 = tpu.memref_slice %arg2[%add3A_90] : memref<800000xi32, #tpu.memory_space<hbm>> -> memref<400xi32, #tpu.memory_space<hbm>>
          %dma_wait3A_103 = tpu.memref_slice %arg2[%add3A_90] : memref<800000xi32, #tpu.memory_space<hbm>> -> memref<400xi32, #tpu.memory_space<hbm>>
          tpu.wait_dma2 semaphore(%run_scoped3A : memref<!tpu.dma_semaphore, #tpu.memory_space<semaphore_mem>>) src(%dma_wait3A_103 : memref<400xi32, #tpu.memory_space<hbm>>) dst(%arg8 : memref<400xi32, #tpu.memory_space<vmem>>)
          tpu.yield
        }) : () -> ()
        "tpu.region"() ({
          %run_scoped3A = tpu.sem_alloc : memref<!tpu.dma_semaphore, #tpu.memory_space<semaphore_mem>>
          %dma_start3A = tpu.memref_slice %arg3[%add3A_90] : memref<800000xi32, #tpu.memory_space<hbm>> -> memref<400xi32, #tpu.memory_space<hbm>>
          %dma_start3A_101 = tpu.memref_slice %arg3[%add3A_90] : memref<800000xi32, #tpu.memory_space<hbm>> -> memref<400xi32, #tpu.memory_space<hbm>>
          tpu.enqueue_dma source(%dma_start3A_101 : memref<400xi32, #tpu.memory_space<hbm>>) target(%arg10 : memref<400xi32, #tpu.memory_space<vmem>>) target_semaphore(%run_scoped3A : memref<!tpu.dma_semaphore, #tpu.memory_space<semaphore_mem>>)
          %dma_wait3A_102 = tpu.memref_slice %arg3[%add3A_90] : memref<800000xi32, #tpu.memory_space<hbm>> -> memref<400xi32, #tpu.memory_space<hbm>>
          %dma_wait3A_103 = tpu.memref_slice %arg3[%add3A_90] : memref<800000xi32, #tpu.memory_space<hbm>> -> memref<400xi32, #tpu.memory_space<hbm>>
          tpu.wait_dma2 semaphore(%run_scoped3A : memref<!tpu.dma_semaphore, #tpu.memory_space<semaphore_mem>>) src(%dma_wait3A_103 : memref<400xi32, #tpu.memory_space<hbm>>) dst(%arg10 : memref<400xi32, #tpu.memory_space<vmem>>)
          tpu.yield
        }) : () -> ()
        %eq3A_91 = arith.constant 0 : i32
        %eq3A_92 = arith.cmpi eq, %arg0, %eq3A_91 : i32
        %convert_element_type3A_93 = arith.extui %eq3A_92 : i1 to i32
        %cond3A_94 = arith.constant 0 : i32
        %cond3A_95 = arith.cmpi ne, %convert_element_type3A_93, %cond3A_94 : i32
        scf.if %cond3A_95 {
          %dma_start3A = arith.constant 0 : i32
          %dma_start3A_101 = arith.constant 0 : i32
          %dma_start3A_102 = tpu.memref_slice %arg4[%dma_start3A, %dma_start3A_101] : memref<50000x32xf32, #tpu.memory_space<hbm>> -> memref<50000x32xf32, #tpu.memory_space<hbm>>
          tpu.enqueue_indirect_dma source(%dma_start3A_102 : memref<50000x32xf32, #tpu.memory_space<hbm>>) target(%arg12 : memref<400x32xf32, #tpu.memory_space<vmem>>) offsets(%arg8 : memref<400xi32, #tpu.memory_space<vmem>>) semaphore(%arg14 : memref<!tpu.dma_semaphore, #tpu.memory_space<semaphore_mem>>)
        } else {
        }
        %eq3A_96 = arith.constant 1 : i32
        %eq3A_97 = arith.cmpi eq, %arg0, %eq3A_96 : i32
        %convert_element_type3A_98 = arith.extui %eq3A_97 : i1 to i32
        %cond3A_99 = arith.constant 0 : i32
        %cond3A_100 = arith.cmpi ne, %convert_element_type3A_98, %cond3A_99 : i32
        scf.if %cond3A_100 {
          %dma_start3A = arith.constant 0 : i32
          %dma_start3A_101 = arith.constant 0 : i32
          %dma_start3A_102 = tpu.memref_slice %arg5[%dma_start3A, %dma_start3A_101] : memref<50000x32xf32, #tpu.memory_space<hbm>> -> memref<50000x32xf32, #tpu.memory_space<hbm>>
          tpu.enqueue_indirect_dma source(%dma_start3A_102 : memref<50000x32xf32, #tpu.memory_space<hbm>>) target(%arg12 : memref<400x32xf32, #tpu.memory_space<vmem>>) offsets(%arg8 : memref<400xi32, #tpu.memory_space<vmem>>) semaphore(%arg14 : memref<!tpu.dma_semaphore, #tpu.memory_space<semaphore_mem>>)
        } else {
        }
      } else {
      }
      %dma_wait3A_79 = arith.constant 0 : i32
      %dma_wait3A_80 = arith.constant 0 : i32
      %dma_wait3A_81 = tpu.memref_slice %arg4[%dma_wait3A_79, %dma_wait3A_80] : memref<50000x32xf32, #tpu.memory_space<hbm>> -> memref<50000x32xf32, #tpu.memory_space<hbm>>
      tpu.wait_indirect_dma semaphore(%arg15 : memref<!tpu.dma_semaphore, #tpu.memory_space<semaphore_mem>>) src(%dma_wait3A_81 : memref<50000x32xf32, #tpu.memory_space<hbm>>) dst(%arg13 : memref<400x32xf32, #tpu.memory_space<vmem>>)
      "tpu.region"() ({
        %run_scoped3A = tpu.sem_alloc : memref<!tpu.dma_semaphore, #tpu.memory_space<semaphore_mem>>
        %dma_start3A = arith.constant 0 : i32
        %dma_start3A_82 = arith.constant 0 : i32
        %dma_start3A_83 = tpu.memref_slice %arg7[%dma_start3A, %dma_start3A_82] : memref<50000x32xf32, #tpu.memory_space<vmem_shared>> -> memref<50000x32xf32, #tpu.memory_space<vmem_shared>>
        tpu.enqueue_indirect_dma source(%arg13 : memref<400x32xf32, #tpu.memory_space<vmem>>) target(%dma_start3A_83 : memref<50000x32xf32, #tpu.memory_space<vmem_shared>>) offsets(%arg11 : memref<400xi32, #tpu.memory_space<vmem>>) semaphore(%run_scoped3A : memref<!tpu.dma_semaphore, #tpu.memory_space<semaphore_mem>>) {add = true}
        %dma_wait3A_84 = arith.constant 0 : i32
        %dma_wait3A_85 = arith.constant 0 : i32
        %dma_wait3A_86 = tpu.memref_slice %arg7[%dma_wait3A_84, %dma_wait3A_85] : memref<50000x32xf32, #tpu.memory_space<vmem_shared>> -> memref<50000x32xf32, #tpu.memory_space<vmem_shared>>
        tpu.wait_indirect_dma semaphore(%run_scoped3A : memref<!tpu.dma_semaphore, #tpu.memory_space<semaphore_mem>>) src(%arg13 : memref<400x32xf32, #tpu.memory_space<vmem>>) dst(%dma_wait3A_86 : memref<50000x32xf32, #tpu.memory_space<vmem_shared>>)
        tpu.yield
      }) : () -> ()
    }
    %scan3A_28 = arith.constant 62 : i32
    %dma_wait3A = arith.constant 0 : i32
    %dma_wait3A_29 = arith.constant 0 : i32
    %dma_wait3A_30 = tpu.memref_slice %arg4[%dma_wait3A, %dma_wait3A_29] : memref<50000x32xf32, #tpu.memory_space<hbm>> -> memref<50000x32xf32, #tpu.memory_space<hbm>>
    tpu.wait_indirect_dma semaphore(%arg14 : memref<!tpu.dma_semaphore, #tpu.memory_space<semaphore_mem>>) src(%dma_wait3A_30 : memref<50000x32xf32, #tpu.memory_space<hbm>>) dst(%arg12 : memref<400x32xf32, #tpu.memory_space<vmem>>)
    "tpu.region"() ({
      %run_scoped3A = tpu.sem_alloc : memref<!tpu.dma_semaphore, #tpu.memory_space<semaphore_mem>>
      %dma_start3A = arith.constant 0 : i32
      %dma_start3A_48 = arith.constant 0 : i32
      %dma_start3A_49 = tpu.memref_slice %arg7[%dma_start3A, %dma_start3A_48] : memref<50000x32xf32, #tpu.memory_space<vmem_shared>> -> memref<50000x32xf32, #tpu.memory_space<vmem_shared>>
      tpu.enqueue_indirect_dma source(%arg12 : memref<400x32xf32, #tpu.memory_space<vmem>>) target(%dma_start3A_49 : memref<50000x32xf32, #tpu.memory_space<vmem_shared>>) offsets(%arg10 : memref<400xi32, #tpu.memory_space<vmem>>) semaphore(%run_scoped3A : memref<!tpu.dma_semaphore, #tpu.memory_space<semaphore_mem>>) {add = true}
      %dma_wait3A_50 = arith.constant 0 : i32
      %dma_wait3A_51 = arith.constant 0 : i32
      %dma_wait3A_52 = tpu.memref_slice %arg7[%dma_wait3A_50, %dma_wait3A_51] : memref<50000x32xf32, #tpu.memory_space<vmem_shared>> -> memref<50000x32xf32, #tpu.memory_space<vmem_shared>>
      tpu.wait_indirect_dma semaphore(%run_scoped3A : memref<!tpu.dma_semaphore, #tpu.memory_space<semaphore_mem>>) src(%arg12 : memref<400x32xf32, #tpu.memory_space<vmem>>) dst(%dma_wait3A_52 : memref<50000x32xf32, #tpu.memory_space<vmem_shared>>)
      tpu.yield
    }) : () -> ()
    %barrier3A_31 = arith.constant 0 : index
    tpu.barrier barrier_id(%barrier3A_31)
    %eq3A_32 = arith.constant 0 : i32
    %eq3A_33 = arith.cmpi eq, %arg1, %eq3A_32 : i32
    %eq3A_34 = arith.constant 0 : i32
    %eq3A_35 = arith.cmpi eq, %arg0, %eq3A_34 : i32
    %and3A_36 = arith.andi %eq3A_33, %eq3A_35 : i1
    %convert_element_type3A_37 = arith.extui %and3A_36 : i1 to i32
    %cond3A_38 = arith.constant 0 : i32
    %cond3A_39 = arith.cmpi ne, %convert_element_type3A_37, %cond3A_38 : i32
    scf.if %cond3A_39 {
      %run_scoped3A = arith.constant 0 : i32
      "tpu.region"() ({
        %run_scoped3A_48 = tpu.sem_alloc : memref<!tpu.dma_semaphore, #tpu.memory_space<semaphore_mem>>
        %dma_start3A = arith.constant 0 : i32
        %dma_start3A_49 = arith.constant 0 : i32
        %dma_start3A_50 = tpu.memref_slice %arg6[%run_scoped3A, %dma_start3A, %dma_start3A_49] : memref<2x50000x32xf32, #tpu.memory_space<hbm>> -> memref<1x50000x32xf32, #tpu.memory_space<hbm>>
        %dma_start3A_51 = tpu.memref_squeeze %dma_start3A_50 : memref<1x50000x32xf32, #tpu.memory_space<hbm>> -> memref<50000x32xf32, #tpu.memory_space<hbm>>
        tpu.enqueue_dma source(%arg7 : memref<50000x32xf32, #tpu.memory_space<vmem_shared>>) target(%dma_start3A_51 : memref<50000x32xf32, #tpu.memory_space<hbm>>) target_semaphore(%run_scoped3A_48 : memref<!tpu.dma_semaphore, #tpu.memory_space<semaphore_mem>>)
        %dma_wait3A_52 = arith.constant 0 : i32
        %dma_wait3A_53 = arith.constant 0 : i32
        %dma_wait3A_54 = tpu.memref_slice %arg6[%run_scoped3A, %dma_wait3A_52, %dma_wait3A_53] : memref<2x50000x32xf32, #tpu.memory_space<hbm>> -> memref<1x50000x32xf32, #tpu.memory_space<hbm>>
        %dma_wait3A_55 = tpu.memref_squeeze %dma_wait3A_54 : memref<1x50000x32xf32, #tpu.memory_space<hbm>> -> memref<50000x32xf32, #tpu.memory_space<hbm>>
        tpu.wait_dma2 semaphore(%run_scoped3A_48 : memref<!tpu.dma_semaphore, #tpu.memory_space<semaphore_mem>>) src(%arg7 : memref<50000x32xf32, #tpu.memory_space<vmem_shared>>) dst(%dma_wait3A_55 : memref<50000x32xf32, #tpu.memory_space<hbm>>)
        tpu.yield
      }) : () -> ()
    } else {
    }
    %eq3A_40 = arith.constant 0 : i32
    %eq3A_41 = arith.cmpi eq, %arg1, %eq3A_40 : i32
    %eq3A_42 = arith.constant 1 : i32
    %eq3A_43 = arith.cmpi eq, %arg0, %eq3A_42 : i32
    %and3A_44 = arith.andi %eq3A_41, %eq3A_43 : i1
    %convert_element_type3A_45 = arith.extui %and3A_44 : i1 to i32
    %cond3A_46 = arith.constant 0 : i32
    %cond3A_47 = arith.cmpi ne, %convert_element_type3A_45, %cond3A_46 : i32
    scf.if %cond3A_47 {
      %run_scoped3A = arith.constant 1 : i32
      "tpu.region"() ({
        %run_scoped3A_48 = tpu.sem_alloc : memref<!tpu.dma_semaphore, #tpu.memory_space<semaphore_mem>>
        %dma_start3A = arith.constant 0 : i32
        %dma_start3A_49 = arith.constant 0 : i32
        %dma_start3A_50 = tpu.memref_slice %arg6[%run_scoped3A, %dma_start3A, %dma_start3A_49] : memref<2x50000x32xf32, #tpu.memory_space<hbm>> -> memref<1x50000x32xf32, #tpu.memory_space<hbm>>
        %dma_start3A_51 = tpu.memref_squeeze %dma_start3A_50 : memref<1x50000x32xf32, #tpu.memory_space<hbm>> -> memref<50000x32xf32, #tpu.memory_space<hbm>>
        tpu.enqueue_dma source(%arg7 : memref<50000x32xf32, #tpu.memory_space<vmem_shared>>) target(%dma_start3A_51 : memref<50000x32xf32, #tpu.memory_space<hbm>>) target_semaphore(%run_scoped3A_48 : memref<!tpu.dma_semaphore, #tpu.memory_space<semaphore_mem>>)
        %dma_wait3A_52 = arith.constant 0 : i32
        %dma_wait3A_53 = arith.constant 0 : i32
        %dma_wait3A_54 = tpu.memref_slice %arg6[%run_scoped3A, %dma_wait3A_52, %dma_wait3A_53] : memref<2x50000x32xf32, #tpu.memory_space<hbm>> -> memref<1x50000x32xf32, #tpu.memory_space<hbm>>
        %dma_wait3A_55 = tpu.memref_squeeze %dma_wait3A_54 : memref<1x50000x32xf32, #tpu.memory_space<hbm>> -> memref<50000x32xf32, #tpu.memory_space<hbm>>
        tpu.wait_dma2 semaphore(%run_scoped3A_48 : memref<!tpu.dma_semaphore, #tpu.memory_space<semaphore_mem>>) src(%arg7 : memref<50000x32xf32, #tpu.memory_space<vmem_shared>>) dst(%dma_wait3A_55 : memref<50000x32xf32, #tpu.memory_space<hbm>>)
        tpu.yield
      }) : () -> ()
    } else {
    }
    return
  }
}

#map = affine_map<(d0, d1) -> (0)>
#map1 = affine_map<(d0, d1) -> (0, 0)>
module attributes {stable_mosaic.version = 14 : i64} {
  func.func @k(%arg0: i32, %arg1: i32, %arg2: memref<800000xi32, #tpu.memory_space<hbm>>, %arg3: memref<800000xi32, #tpu.memory_space<hbm>>, %arg4: memref<50000x64xf32, #tpu.memory_space<hbm>>, %arg5: memref<50000x64xf32, #tpu.memory_space<hbm>>, %arg6: memref<800000x64xf32, #tpu.memory_space<hbm>>, %arg7: memref<800000x64xf32, #tpu.memory_space<hbm>>, %arg8: memref<200xi32, #tpu.memory_space<vmem>>, %arg9: memref<200xi32, #tpu.memory_space<vmem>>, %arg10: memref<200xi32, #tpu.memory_space<vmem>>, %arg11: memref<200xi32, #tpu.memory_space<vmem>>, %arg12: memref<200x64xf32, #tpu.memory_space<vmem>>, %arg13: memref<200x64xf32, #tpu.memory_space<vmem>>, %arg14: memref<200x64xf32, #tpu.memory_space<vmem>>, %arg15: memref<200x64xf32, #tpu.memory_space<vmem>>, %arg16: memref<!tpu.dma_semaphore, #tpu.memory_space<semaphore_mem>>, %arg17: memref<!tpu.dma_semaphore, #tpu.memory_space<semaphore_mem>>, %arg18: memref<!tpu.dma_semaphore, #tpu.memory_space<semaphore_mem>>, %arg19: memref<!tpu.dma_semaphore, #tpu.memory_space<semaphore_mem>>) attributes {dimension_semantics = [#tpu.dimension_semantics<core_parallel>, #tpu.dimension_semantics<subcore_parallel>], iteration_bounds = array<i64: 2, 16>, scalar_prefetch = 0 : i64, scratch_operands = 12 : i64, tpu.core_type = #tpu.core_type<sc_vector_subcore>, window_params = [{transform_indices = #map}, {transform_indices = #map}, {transform_indices = #map1}, {transform_indices = #map1}, {transform_indices = #map1}, {transform_indices = #map1}]} {
    %mul3A = arith.constant 16 : i32
    %mul3A_0 = arith.muli %arg0, %mul3A : i32
    %add3A = arith.addi %mul3A_0, %arg1 : i32
    %mul3A_1 = arith.constant 25000 : i32
    %mul3A_2 = arith.muli %add3A, %mul3A_1 : i32
    %add3A_3 = arith.constant 0 : i32
    %add3A_4 = arith.addi %mul3A_2, %add3A_3 : i32
    "tpu.region"() ({
      %run_scoped3A = tpu.sem_alloc : memref<!tpu.dma_semaphore, #tpu.memory_space<semaphore_mem>>
      %dma_start3A_24 = tpu.memref_slice %arg2[%add3A_4] : memref<800000xi32, #tpu.memory_space<hbm>> -> memref<200xi32, #tpu.memory_space<hbm>>
      %dma_start3A_25 = tpu.memref_slice %arg2[%add3A_4] : memref<800000xi32, #tpu.memory_space<hbm>> -> memref<200xi32, #tpu.memory_space<hbm>>
      tpu.enqueue_dma source(%dma_start3A_25 : memref<200xi32, #tpu.memory_space<hbm>>) target(%arg8 : memref<200xi32, #tpu.memory_space<vmem>>) target_semaphore(%run_scoped3A : memref<!tpu.dma_semaphore, #tpu.memory_space<semaphore_mem>>)
      %dma_wait3A_26 = tpu.memref_slice %arg2[%add3A_4] : memref<800000xi32, #tpu.memory_space<hbm>> -> memref<200xi32, #tpu.memory_space<hbm>>
      %dma_wait3A_27 = tpu.memref_slice %arg2[%add3A_4] : memref<800000xi32, #tpu.memory_space<hbm>> -> memref<200xi32, #tpu.memory_space<hbm>>
      tpu.wait_dma2 semaphore(%run_scoped3A : memref<!tpu.dma_semaphore, #tpu.memory_space<semaphore_mem>>) src(%dma_wait3A_27 : memref<200xi32, #tpu.memory_space<hbm>>) dst(%arg8 : memref<200xi32, #tpu.memory_space<vmem>>)
      tpu.yield
    }) : () -> ()
    "tpu.region"() ({
      %run_scoped3A = tpu.sem_alloc : memref<!tpu.dma_semaphore, #tpu.memory_space<semaphore_mem>>
      %dma_start3A_24 = tpu.memref_slice %arg3[%add3A_4] : memref<800000xi32, #tpu.memory_space<hbm>> -> memref<200xi32, #tpu.memory_space<hbm>>
      %dma_start3A_25 = tpu.memref_slice %arg3[%add3A_4] : memref<800000xi32, #tpu.memory_space<hbm>> -> memref<200xi32, #tpu.memory_space<hbm>>
      tpu.enqueue_dma source(%dma_start3A_25 : memref<200xi32, #tpu.memory_space<hbm>>) target(%arg10 : memref<200xi32, #tpu.memory_space<vmem>>) target_semaphore(%run_scoped3A : memref<!tpu.dma_semaphore, #tpu.memory_space<semaphore_mem>>)
      %dma_wait3A_26 = tpu.memref_slice %arg3[%add3A_4] : memref<800000xi32, #tpu.memory_space<hbm>> -> memref<200xi32, #tpu.memory_space<hbm>>
      %dma_wait3A_27 = tpu.memref_slice %arg3[%add3A_4] : memref<800000xi32, #tpu.memory_space<hbm>> -> memref<200xi32, #tpu.memory_space<hbm>>
      tpu.wait_dma2 semaphore(%run_scoped3A : memref<!tpu.dma_semaphore, #tpu.memory_space<semaphore_mem>>) src(%dma_wait3A_27 : memref<200xi32, #tpu.memory_space<hbm>>) dst(%arg10 : memref<200xi32, #tpu.memory_space<vmem>>)
      tpu.yield
    }) : () -> ()
    %dma_start3A = arith.constant 0 : i32
    %dma_start3A_5 = arith.constant 0 : i32
    %dma_start3A_6 = tpu.memref_slice %arg4[%dma_start3A, %dma_start3A_5] : memref<50000x64xf32, #tpu.memory_space<hbm>> -> memref<50000x64xf32, #tpu.memory_space<hbm>>
    tpu.enqueue_indirect_dma source(%dma_start3A_6 : memref<50000x64xf32, #tpu.memory_space<hbm>>) target(%arg12 : memref<200x64xf32, #tpu.memory_space<vmem>>) offsets(%arg8 : memref<200xi32, #tpu.memory_space<vmem>>) semaphore(%arg16 : memref<!tpu.dma_semaphore, #tpu.memory_space<semaphore_mem>>)
    %dma_start3A_7 = arith.constant 0 : i32
    %dma_start3A_8 = arith.constant 0 : i32
    %dma_start3A_9 = tpu.memref_slice %arg5[%dma_start3A_7, %dma_start3A_8] : memref<50000x64xf32, #tpu.memory_space<hbm>> -> memref<50000x64xf32, #tpu.memory_space<hbm>>
    tpu.enqueue_indirect_dma source(%dma_start3A_9 : memref<50000x64xf32, #tpu.memory_space<hbm>>) target(%arg14 : memref<200x64xf32, #tpu.memory_space<vmem>>) offsets(%arg10 : memref<200xi32, #tpu.memory_space<vmem>>) semaphore(%arg18 : memref<!tpu.dma_semaphore, #tpu.memory_space<semaphore_mem>>)
    %scan3A = arith.constant 0 : i32
    %scan3A_10 = arith.constant 0 : i32
    %scan3A_11 = arith.constant 62 : i32
    %scan3A_12 = arith.addi %scan3A_10, %scan3A_11 : i32
    %scan3A_13 = arith.constant 1 : i32
    scf.for %scan3A_24 = %scan3A_10 to %scan3A_12 step %scan3A_13  : i32 {
      %mul3A_25 = arith.constant 2 : i32
      %mul3A_26 = arith.muli %mul3A_25, %scan3A_24 : i32
      %add3A_27 = arith.constant 1 : i32
      %add3A_28 = arith.addi %mul3A_26, %add3A_27 : i32
      %mul3A_29 = arith.constant 25000 : i32
      %mul3A_30 = arith.muli %add3A, %mul3A_29 : i32
      %mul3A_31 = arith.constant 200 : i32
      %mul3A_32 = arith.muli %add3A_28, %mul3A_31 : i32
      %add3A_33 = arith.addi %mul3A_30, %mul3A_32 : i32
      "tpu.region"() ({
        %run_scoped3A = tpu.sem_alloc : memref<!tpu.dma_semaphore, #tpu.memory_space<semaphore_mem>>
        %dma_start3A_74 = tpu.memref_slice %arg2[%add3A_33] : memref<800000xi32, #tpu.memory_space<hbm>> -> memref<200xi32, #tpu.memory_space<hbm>>
        %dma_start3A_75 = tpu.memref_slice %arg2[%add3A_33] : memref<800000xi32, #tpu.memory_space<hbm>> -> memref<200xi32, #tpu.memory_space<hbm>>
        tpu.enqueue_dma source(%dma_start3A_75 : memref<200xi32, #tpu.memory_space<hbm>>) target(%arg9 : memref<200xi32, #tpu.memory_space<vmem>>) target_semaphore(%run_scoped3A : memref<!tpu.dma_semaphore, #tpu.memory_space<semaphore_mem>>)
        %dma_wait3A_76 = tpu.memref_slice %arg2[%add3A_33] : memref<800000xi32, #tpu.memory_space<hbm>> -> memref<200xi32, #tpu.memory_space<hbm>>
        %dma_wait3A_77 = tpu.memref_slice %arg2[%add3A_33] : memref<800000xi32, #tpu.memory_space<hbm>> -> memref<200xi32, #tpu.memory_space<hbm>>
        tpu.wait_dma2 semaphore(%run_scoped3A : memref<!tpu.dma_semaphore, #tpu.memory_space<semaphore_mem>>) src(%dma_wait3A_77 : memref<200xi32, #tpu.memory_space<hbm>>) dst(%arg9 : memref<200xi32, #tpu.memory_space<vmem>>)
        tpu.yield
      }) : () -> ()
      "tpu.region"() ({
        %run_scoped3A = tpu.sem_alloc : memref<!tpu.dma_semaphore, #tpu.memory_space<semaphore_mem>>
        %dma_start3A_74 = tpu.memref_slice %arg3[%add3A_33] : memref<800000xi32, #tpu.memory_space<hbm>> -> memref<200xi32, #tpu.memory_space<hbm>>
        %dma_start3A_75 = tpu.memref_slice %arg3[%add3A_33] : memref<800000xi32, #tpu.memory_space<hbm>> -> memref<200xi32, #tpu.memory_space<hbm>>
        tpu.enqueue_dma source(%dma_start3A_75 : memref<200xi32, #tpu.memory_space<hbm>>) target(%arg11 : memref<200xi32, #tpu.memory_space<vmem>>) target_semaphore(%run_scoped3A : memref<!tpu.dma_semaphore, #tpu.memory_space<semaphore_mem>>)
        %dma_wait3A_76 = tpu.memref_slice %arg3[%add3A_33] : memref<800000xi32, #tpu.memory_space<hbm>> -> memref<200xi32, #tpu.memory_space<hbm>>
        %dma_wait3A_77 = tpu.memref_slice %arg3[%add3A_33] : memref<800000xi32, #tpu.memory_space<hbm>> -> memref<200xi32, #tpu.memory_space<hbm>>
        tpu.wait_dma2 semaphore(%run_scoped3A : memref<!tpu.dma_semaphore, #tpu.memory_space<semaphore_mem>>) src(%dma_wait3A_77 : memref<200xi32, #tpu.memory_space<hbm>>) dst(%arg11 : memref<200xi32, #tpu.memory_space<vmem>>)
        tpu.yield
      }) : () -> ()
      %dma_start3A_34 = arith.constant 0 : i32
      %dma_start3A_35 = arith.constant 0 : i32
      %dma_start3A_36 = tpu.memref_slice %arg4[%dma_start3A_34, %dma_start3A_35] : memref<50000x64xf32, #tpu.memory_space<hbm>> -> memref<50000x64xf32, #tpu.memory_space<hbm>>
      tpu.enqueue_indirect_dma source(%dma_start3A_36 : memref<50000x64xf32, #tpu.memory_space<hbm>>) target(%arg13 : memref<200x64xf32, #tpu.memory_space<vmem>>) offsets(%arg9 : memref<200xi32, #tpu.memory_space<vmem>>) semaphore(%arg17 : memref<!tpu.dma_semaphore, #tpu.memory_space<semaphore_mem>>)
      %dma_start3A_37 = arith.constant 0 : i32
      %dma_start3A_38 = arith.constant 0 : i32
      %dma_start3A_39 = tpu.memref_slice %arg5[%dma_start3A_37, %dma_start3A_38] : memref<50000x64xf32, #tpu.memory_space<hbm>> -> memref<50000x64xf32, #tpu.memory_space<hbm>>
      tpu.enqueue_indirect_dma source(%dma_start3A_39 : memref<50000x64xf32, #tpu.memory_space<hbm>>) target(%arg15 : memref<200x64xf32, #tpu.memory_space<vmem>>) offsets(%arg11 : memref<200xi32, #tpu.memory_space<vmem>>) semaphore(%arg19 : memref<!tpu.dma_semaphore, #tpu.memory_space<semaphore_mem>>)
      %mul3A_40 = arith.constant 2 : i32
      %mul3A_41 = arith.muli %mul3A_40, %scan3A_24 : i32
      %mul3A_42 = arith.constant 25000 : i32
      %mul3A_43 = arith.muli %add3A, %mul3A_42 : i32
      %mul3A_44 = arith.constant 200 : i32
      %mul3A_45 = arith.muli %mul3A_41, %mul3A_44 : i32
      %add3A_46 = arith.addi %mul3A_43, %mul3A_45 : i32
      %dma_wait3A_47 = arith.constant 0 : i32
      %dma_wait3A_48 = arith.constant 0 : i32
      %dma_wait3A_49 = tpu.memref_slice %arg4[%dma_wait3A_47, %dma_wait3A_48] : memref<50000x64xf32, #tpu.memory_space<hbm>> -> memref<50000x64xf32, #tpu.memory_space<hbm>>
      tpu.wait_indirect_dma semaphore(%arg16 : memref<!tpu.dma_semaphore, #tpu.memory_space<semaphore_mem>>) src(%dma_wait3A_49 : memref<50000x64xf32, #tpu.memory_space<hbm>>) dst(%arg12 : memref<200x64xf32, #tpu.memory_space<vmem>>)
      "tpu.region"() ({
        %run_scoped3A = tpu.sem_alloc : memref<!tpu.dma_semaphore, #tpu.memory_space<semaphore_mem>>
        %dma_start3A_74 = arith.constant 0 : i32
        %dma_start3A_75 = tpu.memref_slice %arg6[%add3A_46, %dma_start3A_74] : memref<800000x64xf32, #tpu.memory_space<hbm>> -> memref<200x64xf32, #tpu.memory_space<hbm>>
        %dma_start3A_76 = arith.constant 0 : i32
        %dma_start3A_77 = tpu.memref_slice %arg6[%add3A_46, %dma_start3A_76] : memref<800000x64xf32, #tpu.memory_space<hbm>> -> memref<200x64xf32, #tpu.memory_space<hbm>>
        tpu.enqueue_dma source(%arg12 : memref<200x64xf32, #tpu.memory_space<vmem>>) target(%dma_start3A_77 : memref<200x64xf32, #tpu.memory_space<hbm>>) target_semaphore(%run_scoped3A : memref<!tpu.dma_semaphore, #tpu.memory_space<semaphore_mem>>)
        %dma_wait3A_78 = arith.constant 0 : i32
        %dma_wait3A_79 = tpu.memref_slice %arg6[%add3A_46, %dma_wait3A_78] : memref<800000x64xf32, #tpu.memory_space<hbm>> -> memref<200x64xf32, #tpu.memory_space<hbm>>
        %dma_wait3A_80 = arith.constant 0 : i32
        %dma_wait3A_81 = tpu.memref_slice %arg6[%add3A_46, %dma_wait3A_80] : memref<800000x64xf32, #tpu.memory_space<hbm>> -> memref<200x64xf32, #tpu.memory_space<hbm>>
        tpu.wait_dma2 semaphore(%run_scoped3A : memref<!tpu.dma_semaphore, #tpu.memory_space<semaphore_mem>>) src(%arg12 : memref<200x64xf32, #tpu.memory_space<vmem>>) dst(%dma_wait3A_81 : memref<200x64xf32, #tpu.memory_space<hbm>>)
        tpu.yield
      }) : () -> ()
      %dma_wait3A_50 = arith.constant 0 : i32
      %dma_wait3A_51 = arith.constant 0 : i32
      %dma_wait3A_52 = tpu.memref_slice %arg5[%dma_wait3A_50, %dma_wait3A_51] : memref<50000x64xf32, #tpu.memory_space<hbm>> -> memref<50000x64xf32, #tpu.memory_space<hbm>>
      tpu.wait_indirect_dma semaphore(%arg18 : memref<!tpu.dma_semaphore, #tpu.memory_space<semaphore_mem>>) src(%dma_wait3A_52 : memref<50000x64xf32, #tpu.memory_space<hbm>>) dst(%arg14 : memref<200x64xf32, #tpu.memory_space<vmem>>)
      "tpu.region"() ({
        %run_scoped3A = tpu.sem_alloc : memref<!tpu.dma_semaphore, #tpu.memory_space<semaphore_mem>>
        %dma_start3A_74 = arith.constant 0 : i32
        %dma_start3A_75 = tpu.memref_slice %arg7[%add3A_46, %dma_start3A_74] : memref<800000x64xf32, #tpu.memory_space<hbm>> -> memref<200x64xf32, #tpu.memory_space<hbm>>
        %dma_start3A_76 = arith.constant 0 : i32
        %dma_start3A_77 = tpu.memref_slice %arg7[%add3A_46, %dma_start3A_76] : memref<800000x64xf32, #tpu.memory_space<hbm>> -> memref<200x64xf32, #tpu.memory_space<hbm>>
        tpu.enqueue_dma source(%arg14 : memref<200x64xf32, #tpu.memory_space<vmem>>) target(%dma_start3A_77 : memref<200x64xf32, #tpu.memory_space<hbm>>) target_semaphore(%run_scoped3A : memref<!tpu.dma_semaphore, #tpu.memory_space<semaphore_mem>>)
        %dma_wait3A_78 = arith.constant 0 : i32
        %dma_wait3A_79 = tpu.memref_slice %arg7[%add3A_46, %dma_wait3A_78] : memref<800000x64xf32, #tpu.memory_space<hbm>> -> memref<200x64xf32, #tpu.memory_space<hbm>>
        %dma_wait3A_80 = arith.constant 0 : i32
        %dma_wait3A_81 = tpu.memref_slice %arg7[%add3A_46, %dma_wait3A_80] : memref<800000x64xf32, #tpu.memory_space<hbm>> -> memref<200x64xf32, #tpu.memory_space<hbm>>
        tpu.wait_dma2 semaphore(%run_scoped3A : memref<!tpu.dma_semaphore, #tpu.memory_space<semaphore_mem>>) src(%arg14 : memref<200x64xf32, #tpu.memory_space<vmem>>) dst(%dma_wait3A_81 : memref<200x64xf32, #tpu.memory_space<hbm>>)
        tpu.yield
      }) : () -> ()
      %mul3A_53 = arith.constant 2 : i32
      %mul3A_54 = arith.muli %mul3A_53, %scan3A_24 : i32
      %add3A_55 = arith.constant 2 : i32
      %add3A_56 = arith.addi %mul3A_54, %add3A_55 : i32
      %lt3A = arith.constant 125 : i32
      %lt3A_57 = arith.cmpi slt, %add3A_56, %lt3A : i32
      %convert_element_type3A = arith.extui %lt3A_57 : i1 to i32
      %cond3A = arith.constant 0 : i32
      %cond3A_58 = arith.cmpi ne, %convert_element_type3A, %cond3A : i32
      scf.if %cond3A_58 {
        %mul3A_74 = arith.constant 2 : i32
        %mul3A_75 = arith.muli %mul3A_74, %scan3A_24 : i32
        %add3A_76 = arith.constant 2 : i32
        %add3A_77 = arith.addi %mul3A_75, %add3A_76 : i32
        %mul3A_78 = arith.constant 25000 : i32
        %mul3A_79 = arith.muli %add3A, %mul3A_78 : i32
        %mul3A_80 = arith.constant 200 : i32
        %mul3A_81 = arith.muli %add3A_77, %mul3A_80 : i32
        %add3A_82 = arith.addi %mul3A_79, %mul3A_81 : i32
        "tpu.region"() ({
          %run_scoped3A = tpu.sem_alloc : memref<!tpu.dma_semaphore, #tpu.memory_space<semaphore_mem>>
          %dma_start3A_89 = tpu.memref_slice %arg2[%add3A_82] : memref<800000xi32, #tpu.memory_space<hbm>> -> memref<200xi32, #tpu.memory_space<hbm>>
          %dma_start3A_90 = tpu.memref_slice %arg2[%add3A_82] : memref<800000xi32, #tpu.memory_space<hbm>> -> memref<200xi32, #tpu.memory_space<hbm>>
          tpu.enqueue_dma source(%dma_start3A_90 : memref<200xi32, #tpu.memory_space<hbm>>) target(%arg8 : memref<200xi32, #tpu.memory_space<vmem>>) target_semaphore(%run_scoped3A : memref<!tpu.dma_semaphore, #tpu.memory_space<semaphore_mem>>)
          %dma_wait3A_91 = tpu.memref_slice %arg2[%add3A_82] : memref<800000xi32, #tpu.memory_space<hbm>> -> memref<200xi32, #tpu.memory_space<hbm>>
          %dma_wait3A_92 = tpu.memref_slice %arg2[%add3A_82] : memref<800000xi32, #tpu.memory_space<hbm>> -> memref<200xi32, #tpu.memory_space<hbm>>
          tpu.wait_dma2 semaphore(%run_scoped3A : memref<!tpu.dma_semaphore, #tpu.memory_space<semaphore_mem>>) src(%dma_wait3A_92 : memref<200xi32, #tpu.memory_space<hbm>>) dst(%arg8 : memref<200xi32, #tpu.memory_space<vmem>>)
          tpu.yield
        }) : () -> ()
        "tpu.region"() ({
          %run_scoped3A = tpu.sem_alloc : memref<!tpu.dma_semaphore, #tpu.memory_space<semaphore_mem>>
          %dma_start3A_89 = tpu.memref_slice %arg3[%add3A_82] : memref<800000xi32, #tpu.memory_space<hbm>> -> memref<200xi32, #tpu.memory_space<hbm>>
          %dma_start3A_90 = tpu.memref_slice %arg3[%add3A_82] : memref<800000xi32, #tpu.memory_space<hbm>> -> memref<200xi32, #tpu.memory_space<hbm>>
          tpu.enqueue_dma source(%dma_start3A_90 : memref<200xi32, #tpu.memory_space<hbm>>) target(%arg10 : memref<200xi32, #tpu.memory_space<vmem>>) target_semaphore(%run_scoped3A : memref<!tpu.dma_semaphore, #tpu.memory_space<semaphore_mem>>)
          %dma_wait3A_91 = tpu.memref_slice %arg3[%add3A_82] : memref<800000xi32, #tpu.memory_space<hbm>> -> memref<200xi32, #tpu.memory_space<hbm>>
          %dma_wait3A_92 = tpu.memref_slice %arg3[%add3A_82] : memref<800000xi32, #tpu.memory_space<hbm>> -> memref<200xi32, #tpu.memory_space<hbm>>
          tpu.wait_dma2 semaphore(%run_scoped3A : memref<!tpu.dma_semaphore, #tpu.memory_space<semaphore_mem>>) src(%dma_wait3A_92 : memref<200xi32, #tpu.memory_space<hbm>>) dst(%arg10 : memref<200xi32, #tpu.memory_space<vmem>>)
          tpu.yield
        }) : () -> ()
        %dma_start3A_83 = arith.constant 0 : i32
        %dma_start3A_84 = arith.constant 0 : i32
        %dma_start3A_85 = tpu.memref_slice %arg4[%dma_start3A_83, %dma_start3A_84] : memref<50000x64xf32, #tpu.memory_space<hbm>> -> memref<50000x64xf32, #tpu.memory_space<hbm>>
        tpu.enqueue_indirect_dma source(%dma_start3A_85 : memref<50000x64xf32, #tpu.memory_space<hbm>>) target(%arg12 : memref<200x64xf32, #tpu.memory_space<vmem>>) offsets(%arg8 : memref<200xi32, #tpu.memory_space<vmem>>) semaphore(%arg16 : memref<!tpu.dma_semaphore, #tpu.memory_space<semaphore_mem>>)
        %dma_start3A_86 = arith.constant 0 : i32
        %dma_start3A_87 = arith.constant 0 : i32
        %dma_start3A_88 = tpu.memref_slice %arg5[%dma_start3A_86, %dma_start3A_87] : memref<50000x64xf32, #tpu.memory_space<hbm>> -> memref<50000x64xf32, #tpu.memory_space<hbm>>
        tpu.enqueue_indirect_dma source(%dma_start3A_88 : memref<50000x64xf32, #tpu.memory_space<hbm>>) target(%arg14 : memref<200x64xf32, #tpu.memory_space<vmem>>) offsets(%arg10 : memref<200xi32, #tpu.memory_space<vmem>>) semaphore(%arg18 : memref<!tpu.dma_semaphore, #tpu.memory_space<semaphore_mem>>)
      } else {
      }
      %mul3A_59 = arith.constant 2 : i32
      %mul3A_60 = arith.muli %mul3A_59, %scan3A_24 : i32
      %add3A_61 = arith.constant 1 : i32
      %add3A_62 = arith.addi %mul3A_60, %add3A_61 : i32
      %mul3A_63 = arith.constant 25000 : i32
      %mul3A_64 = arith.muli %add3A, %mul3A_63 : i32
      %mul3A_65 = arith.constant 200 : i32
      %mul3A_66 = arith.muli %add3A_62, %mul3A_65 : i32
      %add3A_67 = arith.addi %mul3A_64, %mul3A_66 : i32
      %dma_wait3A_68 = arith.constant 0 : i32
      %dma_wait3A_69 = arith.constant 0 : i32
      %dma_wait3A_70 = tpu.memref_slice %arg4[%dma_wait3A_68, %dma_wait3A_69] : memref<50000x64xf32, #tpu.memory_space<hbm>> -> memref<50000x64xf32, #tpu.memory_space<hbm>>
      tpu.wait_indirect_dma semaphore(%arg17 : memref<!tpu.dma_semaphore, #tpu.memory_space<semaphore_mem>>) src(%dma_wait3A_70 : memref<50000x64xf32, #tpu.memory_space<hbm>>) dst(%arg13 : memref<200x64xf32, #tpu.memory_space<vmem>>)
      "tpu.region"() ({
        %run_scoped3A = tpu.sem_alloc : memref<!tpu.dma_semaphore, #tpu.memory_space<semaphore_mem>>
        %dma_start3A_74 = arith.constant 0 : i32
        %dma_start3A_75 = tpu.memref_slice %arg6[%add3A_67, %dma_start3A_74] : memref<800000x64xf32, #tpu.memory_space<hbm>> -> memref<200x64xf32, #tpu.memory_space<hbm>>
        %dma_start3A_76 = arith.constant 0 : i32
        %dma_start3A_77 = tpu.memref_slice %arg6[%add3A_67, %dma_start3A_76] : memref<800000x64xf32, #tpu.memory_space<hbm>> -> memref<200x64xf32, #tpu.memory_space<hbm>>
        tpu.enqueue_dma source(%arg13 : memref<200x64xf32, #tpu.memory_space<vmem>>) target(%dma_start3A_77 : memref<200x64xf32, #tpu.memory_space<hbm>>) target_semaphore(%run_scoped3A : memref<!tpu.dma_semaphore, #tpu.memory_space<semaphore_mem>>)
        %dma_wait3A_78 = arith.constant 0 : i32
        %dma_wait3A_79 = tpu.memref_slice %arg6[%add3A_67, %dma_wait3A_78] : memref<800000x64xf32, #tpu.memory_space<hbm>> -> memref<200x64xf32, #tpu.memory_space<hbm>>
        %dma_wait3A_80 = arith.constant 0 : i32
        %dma_wait3A_81 = tpu.memref_slice %arg6[%add3A_67, %dma_wait3A_80] : memref<800000x64xf32, #tpu.memory_space<hbm>> -> memref<200x64xf32, #tpu.memory_space<hbm>>
        tpu.wait_dma2 semaphore(%run_scoped3A : memref<!tpu.dma_semaphore, #tpu.memory_space<semaphore_mem>>) src(%arg13 : memref<200x64xf32, #tpu.memory_space<vmem>>) dst(%dma_wait3A_81 : memref<200x64xf32, #tpu.memory_space<hbm>>)
        tpu.yield
      }) : () -> ()
      %dma_wait3A_71 = arith.constant 0 : i32
      %dma_wait3A_72 = arith.constant 0 : i32
      %dma_wait3A_73 = tpu.memref_slice %arg5[%dma_wait3A_71, %dma_wait3A_72] : memref<50000x64xf32, #tpu.memory_space<hbm>> -> memref<50000x64xf32, #tpu.memory_space<hbm>>
      tpu.wait_indirect_dma semaphore(%arg19 : memref<!tpu.dma_semaphore, #tpu.memory_space<semaphore_mem>>) src(%dma_wait3A_73 : memref<50000x64xf32, #tpu.memory_space<hbm>>) dst(%arg15 : memref<200x64xf32, #tpu.memory_space<vmem>>)
      "tpu.region"() ({
        %run_scoped3A = tpu.sem_alloc : memref<!tpu.dma_semaphore, #tpu.memory_space<semaphore_mem>>
        %dma_start3A_74 = arith.constant 0 : i32
        %dma_start3A_75 = tpu.memref_slice %arg7[%add3A_67, %dma_start3A_74] : memref<800000x64xf32, #tpu.memory_space<hbm>> -> memref<200x64xf32, #tpu.memory_space<hbm>>
        %dma_start3A_76 = arith.constant 0 : i32
        %dma_start3A_77 = tpu.memref_slice %arg7[%add3A_67, %dma_start3A_76] : memref<800000x64xf32, #tpu.memory_space<hbm>> -> memref<200x64xf32, #tpu.memory_space<hbm>>
        tpu.enqueue_dma source(%arg15 : memref<200x64xf32, #tpu.memory_space<vmem>>) target(%dma_start3A_77 : memref<200x64xf32, #tpu.memory_space<hbm>>) target_semaphore(%run_scoped3A : memref<!tpu.dma_semaphore, #tpu.memory_space<semaphore_mem>>)
        %dma_wait3A_78 = arith.constant 0 : i32
        %dma_wait3A_79 = tpu.memref_slice %arg7[%add3A_67, %dma_wait3A_78] : memref<800000x64xf32, #tpu.memory_space<hbm>> -> memref<200x64xf32, #tpu.memory_space<hbm>>
        %dma_wait3A_80 = arith.constant 0 : i32
        %dma_wait3A_81 = tpu.memref_slice %arg7[%add3A_67, %dma_wait3A_80] : memref<800000x64xf32, #tpu.memory_space<hbm>> -> memref<200x64xf32, #tpu.memory_space<hbm>>
        tpu.wait_dma2 semaphore(%run_scoped3A : memref<!tpu.dma_semaphore, #tpu.memory_space<semaphore_mem>>) src(%arg15 : memref<200x64xf32, #tpu.memory_space<vmem>>) dst(%dma_wait3A_81 : memref<200x64xf32, #tpu.memory_space<hbm>>)
        tpu.yield
      }) : () -> ()
    }
    %scan3A_14 = arith.constant 62 : i32
    %mul3A_15 = arith.constant 25000 : i32
    %mul3A_16 = arith.muli %add3A, %mul3A_15 : i32
    %add3A_17 = arith.constant 24800 : i32
    %add3A_18 = arith.addi %mul3A_16, %add3A_17 : i32
    %dma_wait3A = arith.constant 0 : i32
    %dma_wait3A_19 = arith.constant 0 : i32
    %dma_wait3A_20 = tpu.memref_slice %arg4[%dma_wait3A, %dma_wait3A_19] : memref<50000x64xf32, #tpu.memory_space<hbm>> -> memref<50000x64xf32, #tpu.memory_space<hbm>>
    tpu.wait_indirect_dma semaphore(%arg16 : memref<!tpu.dma_semaphore, #tpu.memory_space<semaphore_mem>>) src(%dma_wait3A_20 : memref<50000x64xf32, #tpu.memory_space<hbm>>) dst(%arg12 : memref<200x64xf32, #tpu.memory_space<vmem>>)
    "tpu.region"() ({
      %run_scoped3A = tpu.sem_alloc : memref<!tpu.dma_semaphore, #tpu.memory_space<semaphore_mem>>
      %dma_start3A_24 = arith.constant 0 : i32
      %dma_start3A_25 = tpu.memref_slice %arg6[%add3A_18, %dma_start3A_24] : memref<800000x64xf32, #tpu.memory_space<hbm>> -> memref<200x64xf32, #tpu.memory_space<hbm>>
      %dma_start3A_26 = arith.constant 0 : i32
      %dma_start3A_27 = tpu.memref_slice %arg6[%add3A_18, %dma_start3A_26] : memref<800000x64xf32, #tpu.memory_space<hbm>> -> memref<200x64xf32, #tpu.memory_space<hbm>>
      tpu.enqueue_dma source(%arg12 : memref<200x64xf32, #tpu.memory_space<vmem>>) target(%dma_start3A_27 : memref<200x64xf32, #tpu.memory_space<hbm>>) target_semaphore(%run_scoped3A : memref<!tpu.dma_semaphore, #tpu.memory_space<semaphore_mem>>)
      %dma_wait3A_28 = arith.constant 0 : i32
      %dma_wait3A_29 = tpu.memref_slice %arg6[%add3A_18, %dma_wait3A_28] : memref<800000x64xf32, #tpu.memory_space<hbm>> -> memref<200x64xf32, #tpu.memory_space<hbm>>
      %dma_wait3A_30 = arith.constant 0 : i32
      %dma_wait3A_31 = tpu.memref_slice %arg6[%add3A_18, %dma_wait3A_30] : memref<800000x64xf32, #tpu.memory_space<hbm>> -> memref<200x64xf32, #tpu.memory_space<hbm>>
      tpu.wait_dma2 semaphore(%run_scoped3A : memref<!tpu.dma_semaphore, #tpu.memory_space<semaphore_mem>>) src(%arg12 : memref<200x64xf32, #tpu.memory_space<vmem>>) dst(%dma_wait3A_31 : memref<200x64xf32, #tpu.memory_space<hbm>>)
      tpu.yield
    }) : () -> ()
    %dma_wait3A_21 = arith.constant 0 : i32
    %dma_wait3A_22 = arith.constant 0 : i32
    %dma_wait3A_23 = tpu.memref_slice %arg5[%dma_wait3A_21, %dma_wait3A_22] : memref<50000x64xf32, #tpu.memory_space<hbm>> -> memref<50000x64xf32, #tpu.memory_space<hbm>>
    tpu.wait_indirect_dma semaphore(%arg18 : memref<!tpu.dma_semaphore, #tpu.memory_space<semaphore_mem>>) src(%dma_wait3A_23 : memref<50000x64xf32, #tpu.memory_space<hbm>>) dst(%arg14 : memref<200x64xf32, #tpu.memory_space<vmem>>)
    "tpu.region"() ({
      %run_scoped3A = tpu.sem_alloc : memref<!tpu.dma_semaphore, #tpu.memory_space<semaphore_mem>>
      %dma_start3A_24 = arith.constant 0 : i32
      %dma_start3A_25 = tpu.memref_slice %arg7[%add3A_18, %dma_start3A_24] : memref<800000x64xf32, #tpu.memory_space<hbm>> -> memref<200x64xf32, #tpu.memory_space<hbm>>
      %dma_start3A_26 = arith.constant 0 : i32
      %dma_start3A_27 = tpu.memref_slice %arg7[%add3A_18, %dma_start3A_26] : memref<800000x64xf32, #tpu.memory_space<hbm>> -> memref<200x64xf32, #tpu.memory_space<hbm>>
      tpu.enqueue_dma source(%arg14 : memref<200x64xf32, #tpu.memory_space<vmem>>) target(%dma_start3A_27 : memref<200x64xf32, #tpu.memory_space<hbm>>) target_semaphore(%run_scoped3A : memref<!tpu.dma_semaphore, #tpu.memory_space<semaphore_mem>>)
      %dma_wait3A_28 = arith.constant 0 : i32
      %dma_wait3A_29 = tpu.memref_slice %arg7[%add3A_18, %dma_wait3A_28] : memref<800000x64xf32, #tpu.memory_space<hbm>> -> memref<200x64xf32, #tpu.memory_space<hbm>>
      %dma_wait3A_30 = arith.constant 0 : i32
      %dma_wait3A_31 = tpu.memref_slice %arg7[%add3A_18, %dma_wait3A_30] : memref<800000x64xf32, #tpu.memory_space<hbm>> -> memref<200x64xf32, #tpu.memory_space<hbm>>
      tpu.wait_dma2 semaphore(%run_scoped3A : memref<!tpu.dma_semaphore, #tpu.memory_space<semaphore_mem>>) src(%arg14 : memref<200x64xf32, #tpu.memory_space<vmem>>) dst(%dma_wait3A_31 : memref<200x64xf32, #tpu.memory_space<hbm>>)
      tpu.yield
    }) : () -> ()
    return
  }
}

module attributes {stable_mosaic.version = 14 : i64} {
  func.func @body(%arg0: i32, %arg1: memref<1024x12xf32, #tpu.memory_space<vmem>>, %arg2: memref<1024x2xf32, #tpu.memory_space<vmem>>, %arg3: memref<1x11xf32, #tpu.memory_space<vmem>>, %arg4: memref<12x64xf32, #tpu.memory_space<vmem>>, %arg5: memref<11x64xf32, #tpu.memory_space<vmem>>, %arg6: memref<1024x32xf32, #tpu.memory_space<vmem>>, %arg7: memref<1024x32xf32, #tpu.memory_space<vmem>>) attributes {dimension_semantics = [#tpu.dimension_semantics<arbitrary>], iteration_bounds = array<i64: 49>, scalar_prefetch = 0 : i64, scratch_operands = 0 : i64, tpu.core_type = #tpu.core_type<tc>, window_params = [{transform_indices = @transform_0, window_bounds = array<i64: 1024, 12>}, {transform_indices = @transform_1, window_bounds = array<i64: 1024, 2>}, {pipeline_mode = #tpu.pipeline_mode<synchronous>, transform_indices = @transform_2, window_bounds = array<i64: 1, 11>}, {pipeline_mode = #tpu.pipeline_mode<synchronous>, transform_indices = @transform_3, window_bounds = array<i64: 12, 64>}, {pipeline_mode = #tpu.pipeline_mode<synchronous>, transform_indices = @transform_4, window_bounds = array<i64: 11, 64>}, {transform_indices = @transform_5, window_bounds = array<i64: 1024, 32>}, {transform_indices = @transform_6, window_bounds = array<i64: 1024, 32>}]} {
    %get3A = arith.constant 0 : index
    %get3A_0 = arith.constant 0 : index
    %get3A_1 = vector.load %arg2[%get3A, %get3A_0] : memref<1024x2xf32, #tpu.memory_space<vmem>>, vector<1024x1xf32>
    %get3A_2 = arith.constant 0 : index
    %get3A_3 = arith.constant 1 : index
    %get3A_4 = vector.load %arg2[%get3A_2, %get3A_3] : memref<1024x2xf32, #tpu.memory_space<vmem>>, vector<1024x1xf32>
    %add3A = arith.addf %get3A_1, %get3A_4 : vector<1024x1xf32>
    %add3A_5 = arith.constant 1.000000e+00 : f32
    %add3A_6 = vector.broadcast %add3A_5 : f32 to vector<1024x1xf32>
    %add3A_7 = arith.addf %add3A, %add3A_6 : vector<1024x1xf32>
    %rsqrt3A = math.rsqrt %add3A_7 : vector<1024x1xf32>
    %get3A_8 = arith.constant 0 : index
    %get3A_9 = arith.constant 0 : index
    %get3A_10 = vector.load %arg1[%get3A_8, %get3A_9] : memref<1024x12xf32, #tpu.memory_space<vmem>>, vector<1024x12xf32>
    %get3A_11 = arith.constant 0 : index
    %get3A_12 = arith.constant 0 : index
    %get3A_13 = vector.load %arg4[%get3A_11, %get3A_12] : memref<12x64xf32, #tpu.memory_space<vmem>>, vector<12x64xf32>
    %dot_general3A = arith.constant dense<0.000000e+00> : vector<1024x64xf32>
    %dot_general3A_14 = tpu.matmul %get3A_10, %get3A_13, %dot_general3A {dimension_numbers = #tpu.dot_dimension_numbers<[1], [0], [0], [1], [0, 0, 1, 1], [], []>, transpose_lhs_hint = false} : vector<1024x12xf32>, vector<12x64xf32>, vector<1024x64xf32> -> vector<1024x64xf32>
    %get3A_15 = arith.constant 0 : index
    %get3A_16 = arith.constant 0 : index
    %get3A_17 = vector.load %arg3[%get3A_15, %get3A_16] : memref<1x11xf32, #tpu.memory_space<vmem>>, vector<1x11xf32>
    %get3A_18 = arith.constant 0 : index
    %get3A_19 = arith.constant 0 : index
    %get3A_20 = vector.load %arg5[%get3A_18, %get3A_19] : memref<11x64xf32, #tpu.memory_space<vmem>>, vector<11x64xf32>
    %dot_general3A_21 = arith.constant dense<0.000000e+00> : vector<1x64xf32>
    %dot_general3A_22 = tpu.matmul %get3A_17, %get3A_20, %dot_general3A_21 {dimension_numbers = #tpu.dot_dimension_numbers<[1], [0], [0], [1], [0, 0, 1, 1], [], []>, transpose_lhs_hint = false} : vector<1x11xf32>, vector<11x64xf32>, vector<1x64xf32> -> vector<1x64xf32>
    %add3A_23 = vector.broadcast %dot_general3A_22 : vector<1x64xf32> to vector<1024x64xf32>
    %add3A_24 = arith.addf %dot_general3A_14, %add3A_23 : vector<1024x64xf32>
    %mul3A = vector.broadcast %rsqrt3A : vector<1024x1xf32> to vector<1024x64xf32>
    %mul3A_25 = arith.mulf %add3A_24, %mul3A : vector<1024x64xf32>
    %slice3A = vector.extract_strided_slice %mul3A_25 {offsets = [0, 0], sizes = [1024, 32], strides = [1, 1]} : vector<1024x64xf32> to vector<1024x32xf32>
    %swap3A = arith.constant 0 : index
    %swap3A_26 = arith.constant 0 : index
    %swap3A_27 = vector.load %arg6[%swap3A, %swap3A_26] : memref<1024x32xf32, #tpu.memory_space<vmem>>, vector<1024x32xf32>
    tpu.vector_store %arg6[%swap3A, %swap3A_26], %slice3A {strides = array<i32>} : memref<1024x32xf32, #tpu.memory_space<vmem>>, vector<1024x32xf32>,
    %slice3A_28 = vector.extract_strided_slice %mul3A_25 {offsets = [0, 32], sizes = [1024, 32], strides = [1, 1]} : vector<1024x64xf32> to vector<1024x32xf32>
    %swap3A_29 = arith.constant 0 : index
    %swap3A_30 = arith.constant 0 : index
    %swap3A_31 = vector.load %arg7[%swap3A_29, %swap3A_30] : memref<1024x32xf32, #tpu.memory_space<vmem>>, vector<1024x32xf32>
    tpu.vector_store %arg7[%swap3A_29, %swap3A_30], %slice3A_28 {strides = array<i32>} : memref<1024x32xf32, #tpu.memory_space<vmem>>, vector<1024x32xf32>,
    return
  }
  func.func @transform_0(%arg0: i32) -> (i32, i32) {
    %c0_i32 = arith.constant 0 : i32
    %c0_i32_0 = arith.constant 0 : i32
    return %arg0, %c0_i32 : i32, i32
  }
  func.func @transform_1(%arg0: i32) -> (i32, i32) {
    %c0_i32 = arith.constant 0 : i32
    %c0_i32_0 = arith.constant 0 : i32
    return %arg0, %c0_i32 : i32, i32
  }
  func.func @transform_2(%arg0: i32) -> (i32, i32) {
    %c0_i32 = arith.constant 0 : i32
    %c0_i32_0 = arith.constant 0 : i32
    %c0_i32_1 = arith.constant 0 : i32
    return %c0_i32, %c0_i32_0 : i32, i32
  }
  func.func @transform_3(%arg0: i32) -> (i32, i32) {
    %c0_i32 = arith.constant 0 : i32
    %c0_i32_0 = arith.constant 0 : i32
    %c0_i32_1 = arith.constant 0 : i32
    return %c0_i32, %c0_i32_0 : i32, i32
  }
  func.func @transform_4(%arg0: i32) -> (i32, i32) {
    %c0_i32 = arith.constant 0 : i32
    %c0_i32_0 = arith.constant 0 : i32
    %c0_i32_1 = arith.constant 0 : i32
    return %c0_i32, %c0_i32_0 : i32, i32
  }
  func.func @transform_5(%arg0: i32) -> (i32, i32) {
    %c0_i32 = arith.constant 0 : i32
    %c0_i32_0 = arith.constant 0 : i32
    return %arg0, %c0_i32 : i32, i32
  }
  func.func @transform_6(%arg0: i32) -> (i32, i32) {
    %c0_i32 = arith.constant 0 : i32
    %c0_i32_0 = arith.constant 0 : i32
    return %arg0, %c0_i32 : i32, i32
  }
}

module attributes {stable_mosaic.version = 14 : i64} {
  func.func @body(%arg0: i32, %arg1: memref<2x1024x32xf32, #tpu.memory_space<vmem>>, %arg2: memref<1024x2xf32, #tpu.memory_space<vmem>>, %arg3: memref<1x64xf32, #tpu.memory_space<vmem>>, %arg4: memref<64x64xf32, #tpu.memory_space<vmem>>, %arg5: memref<1024x32xf32, #tpu.memory_space<vmem>>, %arg6: memref<1024x32xf32, #tpu.memory_space<vmem>>) attributes {dimension_semantics = [#tpu.dimension_semantics<arbitrary>], iteration_bounds = array<i64: 49>, scalar_prefetch = 0 : i64, scratch_operands = 0 : i64, tpu.core_type = #tpu.core_type<tc>, window_params = [{transform_indices = @transform_0, window_bounds = array<i64: 2, 1024, 32>}, {transform_indices = @transform_1, window_bounds = array<i64: 1024, 2>}, {pipeline_mode = #tpu.pipeline_mode<synchronous>, transform_indices = @transform_2, window_bounds = array<i64: 1, 64>}, {pipeline_mode = #tpu.pipeline_mode<synchronous>, transform_indices = @transform_3, window_bounds = array<i64: 64, 64>}, {transform_indices = @transform_4, window_bounds = array<i64: 1024, 32>}, {transform_indices = @transform_5, window_bounds = array<i64: 1024, 32>}]} {
    %get3A = arith.constant 0 : index
    %get3A_0 = arith.constant 0 : index
    %get3A_1 = vector.load %arg2[%get3A, %get3A_0] : memref<1024x2xf32, #tpu.memory_space<vmem>>, vector<1024x1xf32>
    %get3A_2 = arith.constant 0 : index
    %get3A_3 = arith.constant 1 : index
    %get3A_4 = vector.load %arg2[%get3A_2, %get3A_3] : memref<1024x2xf32, #tpu.memory_space<vmem>>, vector<1024x1xf32>
    %add3A = arith.addf %get3A_1, %get3A_4 : vector<1024x1xf32>
    %add3A_5 = arith.constant 1.000000e+00 : f32
    %add3A_6 = vector.broadcast %add3A_5 : f32 to vector<1024x1xf32>
    %add3A_7 = arith.addf %add3A, %add3A_6 : vector<1024x1xf32>
    %rsqrt3A = math.rsqrt %add3A_7 : vector<1024x1xf32>
    %get3A_8 = arith.constant 0 : index
    %get3A_9 = arith.constant 0 : index
    %get3A_10 = arith.constant 0 : index
    %get3A_11 = vector.load %arg1[%get3A_8, %get3A_9, %get3A_10] : memref<2x1024x32xf32, #tpu.memory_space<vmem>>, vector<1x1024x32xf32>
    %get3A_12 = vector.shape_cast %get3A_11 : vector<1x1024x32xf32> to vector<1024x32xf32>
    %get3A_13 = arith.constant 1 : index
    %get3A_14 = arith.constant 0 : index
    %get3A_15 = arith.constant 0 : index
    %get3A_16 = vector.load %arg1[%get3A_13, %get3A_14, %get3A_15] : memref<2x1024x32xf32, #tpu.memory_space<vmem>>, vector<1x1024x32xf32>
    %get3A_17 = vector.shape_cast %get3A_16 : vector<1x1024x32xf32> to vector<1024x32xf32>
    %concatenate3A = tpu.concatenate %get3A_12, %get3A_17 in 1 : vector<1024x32xf32>, vector<1024x32xf32> -> vector<1024x64xf32>
    %mul3A = vector.broadcast %rsqrt3A : vector<1024x1xf32> to vector<1024x64xf32>
    %mul3A_18 = arith.mulf %concatenate3A, %mul3A : vector<1024x64xf32>
    %get3A_19 = arith.constant 0 : index
    %get3A_20 = arith.constant 0 : index
    %get3A_21 = vector.load %arg3[%get3A_19, %get3A_20] : memref<1x64xf32, #tpu.memory_space<vmem>>, vector<1x64xf32>
    %add3A_22 = vector.broadcast %get3A_21 : vector<1x64xf32> to vector<1024x64xf32>
    %add3A_23 = arith.addf %mul3A_18, %add3A_22 : vector<1024x64xf32>
    %max3A = arith.constant 0.000000e+00 : f32
    %max3A_24 = vector.broadcast %max3A : f32 to vector<1024x64xf32>
    %max3A_25 = arith.maximumf %add3A_23, %max3A_24 : vector<1024x64xf32>
    %get3A_26 = arith.constant 0 : index
    %get3A_27 = arith.constant 0 : index
    %get3A_28 = vector.load %arg4[%get3A_26, %get3A_27] : memref<64x64xf32, #tpu.memory_space<vmem>>, vector<64x64xf32>
    %dot_general3A = arith.constant dense<0.000000e+00> : vector<1024x64xf32>
    %dot_general3A_29 = tpu.matmul %max3A_25, %get3A_28, %dot_general3A {dimension_numbers = #tpu.dot_dimension_numbers<[1], [0], [0], [1], [0, 0, 1, 1], [], []>, transpose_lhs_hint = false} : vector<1024x64xf32>, vector<64x64xf32>, vector<1024x64xf32> -> vector<1024x64xf32>
    %mul3A_30 = vector.broadcast %rsqrt3A : vector<1024x1xf32> to vector<1024x64xf32>
    %mul3A_31 = arith.mulf %dot_general3A_29, %mul3A_30 : vector<1024x64xf32>
    %slice3A = vector.extract_strided_slice %mul3A_31 {offsets = [0, 0], sizes = [1024, 32], strides = [1, 1]} : vector<1024x64xf32> to vector<1024x32xf32>
    %swap3A = arith.constant 0 : index
    %swap3A_32 = arith.constant 0 : index
    %swap3A_33 = vector.load %arg5[%swap3A, %swap3A_32] : memref<1024x32xf32, #tpu.memory_space<vmem>>, vector<1024x32xf32>
    tpu.vector_store %arg5[%swap3A, %swap3A_32], %slice3A {strides = array<i32>} : memref<1024x32xf32, #tpu.memory_space<vmem>>, vector<1024x32xf32>,
    %slice3A_34 = vector.extract_strided_slice %mul3A_31 {offsets = [0, 32], sizes = [1024, 32], strides = [1, 1]} : vector<1024x64xf32> to vector<1024x32xf32>
    %swap3A_35 = arith.constant 0 : index
    %swap3A_36 = arith.constant 0 : index
    %swap3A_37 = vector.load %arg6[%swap3A_35, %swap3A_36] : memref<1024x32xf32, #tpu.memory_space<vmem>>, vector<1024x32xf32>
    tpu.vector_store %arg6[%swap3A_35, %swap3A_36], %slice3A_34 {strides = array<i32>} : memref<1024x32xf32, #tpu.memory_space<vmem>>, vector<1024x32xf32>,
    return
  }
  func.func @transform_0(%arg0: i32) -> (i32, i32, i32) {
    %c0_i32 = arith.constant 0 : i32
    %c0_i32_0 = arith.constant 0 : i32
    %c0_i32_1 = arith.constant 0 : i32
    return %c0_i32, %arg0, %c0_i32_0 : i32, i32, i32
  }
  func.func @transform_1(%arg0: i32) -> (i32, i32) {
    %c0_i32 = arith.constant 0 : i32
    %c0_i32_0 = arith.constant 0 : i32
    return %arg0, %c0_i32 : i32, i32
  }
  func.func @transform_2(%arg0: i32) -> (i32, i32) {
    %c0_i32 = arith.constant 0 : i32
    %c0_i32_0 = arith.constant 0 : i32
    %c0_i32_1 = arith.constant 0 : i32
    return %c0_i32, %c0_i32_0 : i32, i32
  }
  func.func @transform_3(%arg0: i32) -> (i32, i32) {
    %c0_i32 = arith.constant 0 : i32
    %c0_i32_0 = arith.constant 0 : i32
    %c0_i32_1 = arith.constant 0 : i32
    return %c0_i32, %c0_i32_0 : i32, i32
  }
  func.func @transform_4(%arg0: i32) -> (i32, i32) {
    %c0_i32 = arith.constant 0 : i32
    %c0_i32_0 = arith.constant 0 : i32
    return %arg0, %c0_i32 : i32, i32
  }
  func.func @transform_5(%arg0: i32) -> (i32, i32) {
    %c0_i32 = arith.constant 0 : i32
    %c0_i32_0 = arith.constant 0 : i32
    return %arg0, %c0_i32 : i32, i32
  }
}

module attributes {stable_mosaic.version = 14 : i64} {
  func.func @body(%arg0: i32, %arg1: memref<2x1024x32xf32, #tpu.memory_space<vmem>>, %arg2: memref<1024x2xf32, #tpu.memory_space<vmem>>, %arg3: memref<1x64xf32, #tpu.memory_space<vmem>>, %arg4: memref<64x64xf32, #tpu.memory_space<vmem>>, %arg5: memref<64x64xf32, #tpu.memory_space<vmem>>, %arg6: memref<1024x64xf32, #tpu.memory_space<vmem>>, %arg7: memref<1024x64xf32, #tpu.memory_space<vmem>>) attributes {dimension_semantics = [#tpu.dimension_semantics<arbitrary>], iteration_bounds = array<i64: 49>, scalar_prefetch = 0 : i64, scratch_operands = 0 : i64, tpu.core_type = #tpu.core_type<tc>, window_params = [{transform_indices = @transform_0, window_bounds = array<i64: 2, 1024, 32>}, {transform_indices = @transform_1, window_bounds = array<i64: 1024, 2>}, {pipeline_mode = #tpu.pipeline_mode<synchronous>, transform_indices = @transform_2, window_bounds = array<i64: 1, 64>}, {pipeline_mode = #tpu.pipeline_mode<synchronous>, transform_indices = @transform_3, window_bounds = array<i64: 64, 64>}, {pipeline_mode = #tpu.pipeline_mode<synchronous>, transform_indices = @transform_4, window_bounds = array<i64: 64, 64>}, {transform_indices = @transform_5, window_bounds = array<i64: 1024, 64>}, {transform_indices = @transform_6, window_bounds = array<i64: 1024, 64>}]} {
    %get3A = arith.constant 0 : index
    %get3A_0 = arith.constant 0 : index
    %get3A_1 = vector.load %arg2[%get3A, %get3A_0] : memref<1024x2xf32, #tpu.memory_space<vmem>>, vector<1024x1xf32>
    %get3A_2 = arith.constant 0 : index
    %get3A_3 = arith.constant 1 : index
    %get3A_4 = vector.load %arg2[%get3A_2, %get3A_3] : memref<1024x2xf32, #tpu.memory_space<vmem>>, vector<1024x1xf32>
    %add3A = arith.addf %get3A_1, %get3A_4 : vector<1024x1xf32>
    %add3A_5 = arith.constant 1.000000e+00 : f32
    %add3A_6 = vector.broadcast %add3A_5 : f32 to vector<1024x1xf32>
    %add3A_7 = arith.addf %add3A, %add3A_6 : vector<1024x1xf32>
    %rsqrt3A = math.rsqrt %add3A_7 : vector<1024x1xf32>
    %get3A_8 = arith.constant 0 : index
    %get3A_9 = arith.constant 0 : index
    %get3A_10 = arith.constant 0 : index
    %get3A_11 = vector.load %arg1[%get3A_8, %get3A_9, %get3A_10] : memref<2x1024x32xf32, #tpu.memory_space<vmem>>, vector<1x1024x32xf32>
    %get3A_12 = vector.shape_cast %get3A_11 : vector<1x1024x32xf32> to vector<1024x32xf32>
    %get3A_13 = arith.constant 1 : index
    %get3A_14 = arith.constant 0 : index
    %get3A_15 = arith.constant 0 : index
    %get3A_16 = vector.load %arg1[%get3A_13, %get3A_14, %get3A_15] : memref<2x1024x32xf32, #tpu.memory_space<vmem>>, vector<1x1024x32xf32>
    %get3A_17 = vector.shape_cast %get3A_16 : vector<1x1024x32xf32> to vector<1024x32xf32>
    %concatenate3A = tpu.concatenate %get3A_12, %get3A_17 in 1 : vector<1024x32xf32>, vector<1024x32xf32> -> vector<1024x64xf32>
    %mul3A = vector.broadcast %rsqrt3A : vector<1024x1xf32> to vector<1024x64xf32>
    %mul3A_18 = arith.mulf %concatenate3A, %mul3A : vector<1024x64xf32>
    %get3A_19 = arith.constant 0 : index
    %get3A_20 = arith.constant 0 : index
    %get3A_21 = vector.load %arg3[%get3A_19, %get3A_20] : memref<1x64xf32, #tpu.memory_space<vmem>>, vector<1x64xf32>
    %add3A_22 = vector.broadcast %get3A_21 : vector<1x64xf32> to vector<1024x64xf32>
    %add3A_23 = arith.addf %mul3A_18, %add3A_22 : vector<1024x64xf32>
    %max3A = arith.constant 0.000000e+00 : f32
    %max3A_24 = vector.broadcast %max3A : f32 to vector<1024x64xf32>
    %max3A_25 = arith.maximumf %add3A_23, %max3A_24 : vector<1024x64xf32>
    %get3A_26 = arith.constant 0 : index
    %get3A_27 = arith.constant 0 : index
    %get3A_28 = vector.load %arg4[%get3A_26, %get3A_27] : memref<64x64xf32, #tpu.memory_space<vmem>>, vector<64x64xf32>
    %dot_general3A = arith.constant dense<0.000000e+00> : vector<1024x64xf32>
    %dot_general3A_29 = tpu.matmul %max3A_25, %get3A_28, %dot_general3A {dimension_numbers = #tpu.dot_dimension_numbers<[1], [0], [0], [1], [0, 0, 1, 1], [], []>, transpose_lhs_hint = false} : vector<1024x64xf32>, vector<64x64xf32>, vector<1024x64xf32> -> vector<1024x64xf32>
    %swap3A = arith.constant 0 : index
    %swap3A_30 = arith.constant 0 : index
    %swap3A_31 = vector.load %arg6[%swap3A, %swap3A_30] : memref<1024x64xf32, #tpu.memory_space<vmem>>, vector<1024x64xf32>
    tpu.vector_store %arg6[%swap3A, %swap3A_30], %dot_general3A_29 {strides = array<i32>} : memref<1024x64xf32, #tpu.memory_space<vmem>>, vector<1024x64xf32>,
    %get3A_32 = arith.constant 0 : index
    %get3A_33 = arith.constant 0 : index
    %get3A_34 = vector.load %arg5[%get3A_32, %get3A_33] : memref<64x64xf32, #tpu.memory_space<vmem>>, vector<64x64xf32>
    %dot_general3A_35 = arith.constant dense<0.000000e+00> : vector<1024x64xf32>
    %dot_general3A_36 = tpu.matmul %max3A_25, %get3A_34, %dot_general3A_35 {dimension_numbers = #tpu.dot_dimension_numbers<[1], [0], [0], [1], [0, 0, 1, 1], [], []>, transpose_lhs_hint = false} : vector<1024x64xf32>, vector<64x64xf32>, vector<1024x64xf32> -> vector<1024x64xf32>
    %swap3A_37 = arith.constant 0 : index
    %swap3A_38 = arith.constant 0 : index
    %swap3A_39 = vector.load %arg7[%swap3A_37, %swap3A_38] : memref<1024x64xf32, #tpu.memory_space<vmem>>, vector<1024x64xf32>
    tpu.vector_store %arg7[%swap3A_37, %swap3A_38], %dot_general3A_36 {strides = array<i32>} : memref<1024x64xf32, #tpu.memory_space<vmem>>, vector<1024x64xf32>,
    return
  }
  func.func @transform_0(%arg0: i32) -> (i32, i32, i32) {
    %c0_i32 = arith.constant 0 : i32
    %c0_i32_0 = arith.constant 0 : i32
    %c0_i32_1 = arith.constant 0 : i32
    return %c0_i32, %arg0, %c0_i32_0 : i32, i32, i32
  }
  func.func @transform_1(%arg0: i32) -> (i32, i32) {
    %c0_i32 = arith.constant 0 : i32
    %c0_i32_0 = arith.constant 0 : i32
    return %arg0, %c0_i32 : i32, i32
  }
  func.func @transform_2(%arg0: i32) -> (i32, i32) {
    %c0_i32 = arith.constant 0 : i32
    %c0_i32_0 = arith.constant 0 : i32
    %c0_i32_1 = arith.constant 0 : i32
    return %c0_i32, %c0_i32_0 : i32, i32
  }
  func.func @transform_3(%arg0: i32) -> (i32, i32) {
    %c0_i32 = arith.constant 0 : i32
    %c0_i32_0 = arith.constant 0 : i32
    %c0_i32_1 = arith.constant 0 : i32
    return %c0_i32, %c0_i32_0 : i32, i32
  }
  func.func @transform_4(%arg0: i32) -> (i32, i32) {
    %c0_i32 = arith.constant 0 : i32
    %c0_i32_0 = arith.constant 0 : i32
    %c0_i32_1 = arith.constant 0 : i32
    return %c0_i32, %c0_i32_0 : i32, i32
  }
  func.func @transform_5(%arg0: i32) -> (i32, i32) {
    %c0_i32 = arith.constant 0 : i32
    %c0_i32_0 = arith.constant 0 : i32
    return %arg0, %c0_i32 : i32, i32
  }
  func.func @transform_6(%arg0: i32) -> (i32, i32) {
    %c0_i32 = arith.constant 0 : i32
    %c0_i32_0 = arith.constant 0 : i32
    return %arg0, %c0_i32 : i32, i32
  }
}

module attributes {stable_mosaic.version = 14 : i64} {
  func.func @body(%arg0: i32, %arg1: memref<2000x128xf32, #tpu.memory_space<vmem>>, %arg2: memref<2000x128xf32, #tpu.memory_space<vmem>>, %arg3: memref<2000x10xf32, #tpu.memory_space<vmem>>, %arg4: memref<10x128xf32, #tpu.memory_space<vmem>>, %arg5: memref<1x128xf32, #tpu.memory_space<vmem>>, %arg6: memref<128x64xf32, #tpu.memory_space<vmem>>, %arg7: memref<1x64xf32, #tpu.memory_space<vmem>>, %arg8: memref<64x8xf32, #tpu.memory_space<vmem>>, %arg9: memref<1x8xf32, #tpu.memory_space<vmem>>, %arg10: memref<2000x8xf32, #tpu.memory_space<vmem>>) attributes {dimension_semantics = [#tpu.dimension_semantics<arbitrary>], iteration_bounds = array<i64: 200>, scalar_prefetch = 0 : i64, scratch_operands = 0 : i64, tpu.core_type = #tpu.core_type<tc>, window_params = [{transform_indices = @transform_0, window_bounds = array<i64: 2000, 128>}, {transform_indices = @transform_1, window_bounds = array<i64: 2000, 128>}, {transform_indices = @transform_2, window_bounds = array<i64: 2000, 10>}, {pipeline_mode = #tpu.pipeline_mode<synchronous>, transform_indices = @transform_3, window_bounds = array<i64: 10, 128>}, {pipeline_mode = #tpu.pipeline_mode<synchronous>, transform_indices = @transform_4, window_bounds = array<i64: 1, 128>}, {pipeline_mode = #tpu.pipeline_mode<synchronous>, transform_indices = @transform_5, window_bounds = array<i64: 128, 64>}, {pipeline_mode = #tpu.pipeline_mode<synchronous>, transform_indices = @transform_6, window_bounds = array<i64: 1, 64>}, {pipeline_mode = #tpu.pipeline_mode<synchronous>, transform_indices = @transform_7, window_bounds = array<i64: 64, 8>}, {pipeline_mode = #tpu.pipeline_mode<synchronous>, transform_indices = @transform_8, window_bounds = array<i64: 1, 8>}, {transform_indices = @transform_9, window_bounds = array<i64: 2000, 8>}]} {
    %get3A = arith.constant 0 : index
    %get3A_0 = arith.constant 0 : index
    %get3A_1 = vector.load %arg1[%get3A, %get3A_0] : memref<2000x128xf32, #tpu.memory_space<vmem>>, vector<2000x128xf32>
    %get3A_2 = arith.constant 0 : index
    %get3A_3 = arith.constant 0 : index
    %get3A_4 = vector.load %arg2[%get3A_2, %get3A_3] : memref<2000x128xf32, #tpu.memory_space<vmem>>, vector<2000x128xf32>
    %add3A = arith.addf %get3A_1, %get3A_4 : vector<2000x128xf32>
    %get3A_5 = arith.constant 0 : index
    %get3A_6 = arith.constant 0 : index
    %get3A_7 = vector.load %arg5[%get3A_5, %get3A_6] : memref<1x128xf32, #tpu.memory_space<vmem>>, vector<1x128xf32>
    %add3A_8 = vector.broadcast %get3A_7 : vector<1x128xf32> to vector<2000x128xf32>
    %add3A_9 = arith.addf %add3A, %add3A_8 : vector<2000x128xf32>
    %get3A_10 = arith.constant 0 : index
    %get3A_11 = arith.constant 0 : index
    %get3A_12 = vector.load %arg3[%get3A_10, %get3A_11] : memref<2000x10xf32, #tpu.memory_space<vmem>>, vector<2000x10xf32>
    %get3A_13 = arith.constant 0 : index
    %get3A_14 = arith.constant 0 : index
    %get3A_15 = vector.load %arg4[%get3A_13, %get3A_14] : memref<10x128xf32, #tpu.memory_space<vmem>>, vector<10x128xf32>
    %dot_general3A = arith.constant dense<0.000000e+00> : vector<2000x128xf32>
    %dot_general3A_16 = tpu.matmul %get3A_12, %get3A_15, %dot_general3A {dimension_numbers = #tpu.dot_dimension_numbers<[1], [0], [0], [1], [0, 0, 1, 1], [], []>, transpose_lhs_hint = false} : vector<2000x10xf32>, vector<10x128xf32>, vector<2000x128xf32> -> vector<2000x128xf32>
    %add3A_17 = arith.addf %add3A_9, %dot_general3A_16 : vector<2000x128xf32>
    %max3A = arith.constant 0.000000e+00 : f32
    %max3A_18 = vector.broadcast %max3A : f32 to vector<2000x128xf32>
    %max3A_19 = arith.maximumf %add3A_17, %max3A_18 : vector<2000x128xf32>
    %get3A_20 = arith.constant 0 : index
    %get3A_21 = arith.constant 0 : index
    %get3A_22 = vector.load %arg6[%get3A_20, %get3A_21] : memref<128x64xf32, #tpu.memory_space<vmem>>, vector<128x64xf32>
    %dot_general3A_23 = arith.constant dense<0.000000e+00> : vector<2000x64xf32>
    %dot_general3A_24 = tpu.matmul %max3A_19, %get3A_22, %dot_general3A_23 {dimension_numbers = #tpu.dot_dimension_numbers<[1], [0], [0], [1], [0, 0, 1, 1], [], []>, transpose_lhs_hint = false} : vector<2000x128xf32>, vector<128x64xf32>, vector<2000x64xf32> -> vector<2000x64xf32>
    %get3A_25 = arith.constant 0 : index
    %get3A_26 = arith.constant 0 : index
    %get3A_27 = vector.load %arg7[%get3A_25, %get3A_26] : memref<1x64xf32, #tpu.memory_space<vmem>>, vector<1x64xf32>
    %add3A_28 = vector.broadcast %get3A_27 : vector<1x64xf32> to vector<2000x64xf32>
    %add3A_29 = arith.addf %dot_general3A_24, %add3A_28 : vector<2000x64xf32>
    %max3A_30 = arith.constant 0.000000e+00 : f32
    %max3A_31 = vector.broadcast %max3A_30 : f32 to vector<2000x64xf32>
    %max3A_32 = arith.maximumf %add3A_29, %max3A_31 : vector<2000x64xf32>
    %get3A_33 = arith.constant 0 : index
    %get3A_34 = arith.constant 0 : index
    %get3A_35 = vector.load %arg8[%get3A_33, %get3A_34] : memref<64x8xf32, #tpu.memory_space<vmem>>, vector<64x8xf32>
    %dot_general3A_36 = arith.constant dense<0.000000e+00> : vector<2000x8xf32>
    %dot_general3A_37 = tpu.matmul %max3A_32, %get3A_35, %dot_general3A_36 {dimension_numbers = #tpu.dot_dimension_numbers<[1], [0], [0], [1], [0, 0, 1, 1], [], []>, transpose_lhs_hint = false} : vector<2000x64xf32>, vector<64x8xf32>, vector<2000x8xf32> -> vector<2000x8xf32>
    %get3A_38 = arith.constant 0 : index
    %get3A_39 = arith.constant 0 : index
    %get3A_40 = vector.load %arg9[%get3A_38, %get3A_39] : memref<1x8xf32, #tpu.memory_space<vmem>>, vector<1x8xf32>
    %add3A_41 = vector.broadcast %get3A_40 : vector<1x8xf32> to vector<2000x8xf32>
    %add3A_42 = arith.addf %dot_general3A_37, %add3A_41 : vector<2000x8xf32>
    %swap3A = arith.constant 0 : index
    %swap3A_43 = arith.constant 0 : index
    %swap3A_44 = vector.load %arg10[%swap3A, %swap3A_43] : memref<2000x8xf32, #tpu.memory_space<vmem>>, vector<2000x8xf32>
    tpu.vector_store %arg10[%swap3A, %swap3A_43], %add3A_42 {strides = array<i32>} : memref<2000x8xf32, #tpu.memory_space<vmem>>, vector<2000x8xf32>,
    return
  }
  func.func @transform_0(%arg0: i32) -> (i32, i32) {
    %c0_i32 = arith.constant 0 : i32
    %c0_i32_0 = arith.constant 0 : i32
    return %arg0, %c0_i32 : i32, i32
  }
  func.func @transform_1(%arg0: i32) -> (i32, i32) {
    %c0_i32 = arith.constant 0 : i32
    %c0_i32_0 = arith.constant 0 : i32
    return %arg0, %c0_i32 : i32, i32
  }
  func.func @transform_2(%arg0: i32) -> (i32, i32) {
    %c0_i32 = arith.constant 0 : i32
    %c0_i32_0 = arith.constant 0 : i32
    return %arg0, %c0_i32 : i32, i32
  }
  func.func @transform_3(%arg0: i32) -> (i32, i32) {
    %c0_i32 = arith.constant 0 : i32
    %c0_i32_0 = arith.constant 0 : i32
    %c0_i32_1 = arith.constant 0 : i32
    return %c0_i32, %c0_i32_0 : i32, i32
  }
  func.func @transform_4(%arg0: i32) -> (i32, i32) {
    %c0_i32 = arith.constant 0 : i32
    %c0_i32_0 = arith.constant 0 : i32
    %c0_i32_1 = arith.constant 0 : i32
    return %c0_i32, %c0_i32_0 : i32, i32
  }
  func.func @transform_5(%arg0: i32) -> (i32, i32) {
    %c0_i32 = arith.constant 0 : i32
    %c0_i32_0 = arith.constant 0 : i32
    %c0_i32_1 = arith.constant 0 : i32
    return %c0_i32, %c0_i32_0 : i32, i32
  }
  func.func @transform_6(%arg0: i32) -> (i32, i32) {
    %c0_i32 = arith.constant 0 : i32
    %c0_i32_0 = arith.constant 0 : i32
    %c0_i32_1 = arith.constant 0 : i32
    return %c0_i32, %c0_i32_0 : i32, i32
  }
  func.func @transform_7(%arg0: i32) -> (i32, i32) {
    %c0_i32 = arith.constant 0 : i32
    %c0_i32_0 = arith.constant 0 : i32
    %c0_i32_1 = arith.constant 0 : i32
    return %c0_i32, %c0_i32_0 : i32, i32
  }
  func.func @transform_8(%arg0: i32) -> (i32, i32) {
    %c0_i32 = arith.constant 0 : i32
    %c0_i32_0 = arith.constant 0 : i32
    %c0_i32_1 = arith.constant 0 : i32
    return %c0_i32, %c0_i32_0 : i32, i32
  }
  func.func @transform_9(%arg0: i32) -> (i32, i32) {
    %c0_i32 = arith.constant 0 : i32
    %c0_i32_0 = arith.constant 0 : i32
    return %arg0, %c0_i32 : i32, i32
  }
}

</mosaic_0001>

<sc_bundles>
// kernel: kernel.10.cloned.1.call-start
scs
__scs_entry_jumppad:
0x0: {  	(pc) =	sbr.rel $0x88, $3  }
0x1: {  	(tag) =	ssettag $0x0;
	lr =	simm.s32 $0x1  }
0x2: {  	[smem:$0x3F93] =	sst lr;
	_ =	strace $0xD0000000  }
0x3: {  	_ = 	snop  }
0x4: {  	_ = 	snop  }
0x5: {  	_ = 	snop  }
0x6: {  	_ = 	snop  }
0x7: {  	_ = 	snop  }
__scs_overlays_trampoline_lowered:
0x8: {  	[smem:$0x3FA2] =	sst s0  }
0x9: {  	[smem:$0x3FA3] =	sst s1  }
0xa: {  	[smem:$0x3FA4] =	sst s2  }
0xb: {  	[smem:$0x3FA5] =	sst s3  }
0xc: {  	[smem:$0x3FA6] =	sst s4  }
0xd: {  	[smem:$0x3FA7] =	sst s5  }
0xe: {  	[smem:$0x3FA8] =	sst s6  }
0xf: {  	[smem:$0x3FA9] =	sst s7  }
0x10: {  	[smem:$0x3FAA] =	sst s8  }
0x11: {  	[smem:$0x3FAB] =	sst s9;
	s0 =	simm.s32 @!p0 $0x0  }
0x12: {  	s1 =	sld [smem:$0x3F91];
	s0 =	simm.s32 @p0 $0x1  }
0x13: {  	[smem:$0x3FAC] =	sst s0;
	s0 =	simm.s32 @!p1 $0x0  }
0x14: {  	s2 =	sld [smem:$0x3F90];
	s0 =	simm.s32 @p1 $0x1  }
0x15: {  	[smem:$0x3FAD] =	sst s0;
	s0 =	simm.s32 @!p2 $0x0  }
0x16: {  	s3 =	sld [smem:$0x3FDB];
	s0 =	simm.s32 @p2 $0x1  }
0x17: {  	s4 =	simm.s32 $0x1BF5;
	[smem:$0x3FAF] =	sst s0  }
0x18: {  	s0 =	sld [smem:$0x3F92];
	_ =	swait.ge [sflag:s4], $0x0  }
0x19: {  	s7 =	sld [smem:$0x3F93]  }
0x1a: {  	s8 =	sadd.s32 $0xFFFFE003, lr  }
0x1b: {  	s9 =	sadd.s32 $0xFFFFFEF7, lr;
	s5 =	simm.s32 $0xFFFFFFFF;
	p2 =	slt.u32 s8, $0xFFFFF086  }
0x1c: {  	p1 =	slt.u32 s9, $0xF7A;
	s5 =	simm.s32 @!p2 $0x0  }
0x1d: {  	s5 =	simm.s32 @p1 $0x1;
	p0 =	seq.s32 s7, s2  }
0x1e: {  	s7 =	smul.u32 @!p0 $0xF7A, s2;
	p2 =	seq.s32 @!p0 s5, $0x0  }
0x1f: {  	s9 =	smul.u32 $0xF7A, s1;
	s8 =	simm.s32 @!p0 $0x1BF5;
	p2 =	por !p2, p0  }
0x20: {  	[sflag:s8] =	ssyncset.s32 @!p0 $0xFFFFF086;
	s6 =	sadd.s32 @!p0 s3, s7;
	s7 =	simm.s32 @!p0 $0x108  }
0x21: {  	s3 =	sadd.s32 s3, s9;
	s6 =	sadd.s32 @!p0 $0x88, s6;
	s7 =	simm.s32 @p2 $0x1082  }
0x22: {  	[simem:s7], [sflag:s8] =	dma.local @!p0 [hbm:s6], $0xF7A  }
0x23: {  	s9 =	sor.u32 $0xD0000000, s2;
	s6 =	simm.s32 $0x108;
	_ =	swait.ge @!p0 [sflag:s8], $0x0  }
0x24: {  	s3 =	sadd.s32 $0x88, s3;
	s6 =	simm.s32 @!p1 $0x1082;
	[sflag:s4] =	ssyncset.s32 $0xFFFFF086  }
0x25: {  	[simem:s6], [sflag:s4] =	dma.local [hbm:s3], $0xF7A  }
0x26: {  	[smem:$0x3F93] =	sst s1;
	(tag) =	ssettag s2;
	_ =	strace s9  }
0x27: {  	s1 =	sld [smem:$0x3FA3]  }
0x28: {  	s2 =	sld [smem:$0x3FA4]  }
0x29: {  	s4 =	sld [smem:$0x3FA6]  }
0x2a: {  	p0 =	seq.s32 s5, $0x0;
	s5 =	sld [smem:$0x3FA7]  }
0x2b: {  	s6 =	sld [smem:$0x3FA8]  }
0x2c: {  	s7 =	sld [smem:$0x3FA9]  }
0x2d: {  	s3 =	simm.s32 $0x108;
	s8 =	sld [smem:$0x3FAA]  }
0x2e: {  	s3 =	simm.s32 @!p0 $0x1082;
	s9 =	sld [smem:$0x3FAB]  }
0x2f: {  	lr =	sadd.s32 s0, s3;
	s0 =	sld [smem:$0x3FA2]  }
0x30: {  	s3 =	sld [smem:$0x3FA5]  }
0x31: {  	[smem:$0x3FAE] =	sst s10  }
0x32: {  	s10 =	sld [smem:$0x3FAC];
	_ =	sdelay $0x3  }
0x33: {  	p0 =	seq.s32 s10, $0x1;
	s10 =	sld [smem:$0x3FAE];
	_ =	sdelay $0x3  }
0x34: {  	[smem:$0x3FAE] =	sst s10  }
0x35: {  	s10 =	sld [smem:$0x3FAD];
	_ =	sdelay $0x3  }
0x36: {  	p1 =	seq.s32 s10, $0x1;
	s10 =	sld [smem:$0x3FAE];
	_ =	sdelay $0x3  }
0x37: {  	[smem:$0x3FAE] =	sst s10  }
0x38: {  	s10 =	sld [smem:$0x3FAF]  }
0x39: {  	_ = 	snop;
	(pc) =	sbr.ind lr, $3  }
0x3a: {  	_ = 	snop  }
0x3b: {  	_ = 	snop  }
0x3c: {  	p2 =	seq.s32 s10, $0x1;
	s10 =	sld [smem:$0x3FAE]  }
0x3d: {  	_ =	shalt  }
0x3e: {  	_ =	shalt  }
0x3f: {  	_ =	shalt  }
0x40: {  	_ =	shalt  }
0x41: {  	_ =	shalt  }
0x42: {  	_ =	shalt  }
0x43: {  	_ =	shalt  }
0x44: {  	_ =	shalt  }
0x45: {  	_ =	shalt  }
0x46: {  	_ =	shalt  }
0x47: {  	_ =	shalt  }
0x48: {  	_ =	shalt  }
0x49: {  	_ =	shalt  }
0x4a: {  	_ =	shalt  }
0x4b: {  	_ =	shalt  }
0x4c: {  	_ =	shalt  }
0x4d: {  	_ =	shalt  }
0x4e: {  	_ =	shalt  }
0x4f: {  	_ =	shalt  }
0x50: {  	_ =	shalt  }
0x51: {  	_ =	shalt  }
0x52: {  	_ =	shalt  }
0x53: {  	_ =	shalt  }
0x54: {  	_ =	shalt  }
0x55: {  	_ =	shalt  }
0x56: {  	_ =	shalt  }
0x57: {  	_ =	shalt  }
0x58: {  	_ =	shalt  }
0x59: {  	_ =	shalt  }
0x5a: {  	_ =	shalt  }
0x5b: {  	_ =	shalt  }
0x5c: {  	_ =	shalt  }
0x5d: {  	_ =	shalt  }
0x5e: {  	_ =	shalt  }
0x5f: {  	_ =	shalt  }
0x60: {  	_ =	shalt  }
0x61: {  	_ =	shalt  }
0x62: {  	_ =	shalt  }
0x63: {  	_ =	shalt  }
0x64: {  	_ =	shalt  }
0x65: {  	_ =	shalt  }
0x66: {  	_ =	shalt  }
0x67: {  	_ =	shalt  }
0x68: {  	_ =	shalt  }
0x69: {  	_ =	shalt  }
0x6a: {  	_ =	shalt  }
0x6b: {  	_ =	shalt  }
0x6c: {  	_ =	shalt  }
0x6d: {  	_ =	shalt  }
0x6e: {  	_ =	shalt  }
0x6f: {  	_ =	shalt  }
0x70: {  	_ =	shalt  }
0x71: {  	_ =	shalt  }
0x72: {  	_ =	shalt  }
0x73: {  	_ =	shalt  }
0x74: {  	_ =	shalt  }
0x75: {  	_ =	shalt  }
0x76: {  	_ =	shalt  }
0x77: {  	_ =	shalt  }
0x78: {  	_ =	shalt  }
0x79: {  	_ =	shalt  }
0x7a: {  	_ =	shalt  }
0x7b: {  	_ =	shalt  }
0x7c: {  	_ =	shalt  }
0x7d: {  	_ =	shalt  }
0x7e: {  	_ =	shalt  }
0x7f: {  	_ =	shalt  }
0x80: {  	_ =	shalt  }
0x81: {  	_ =	shalt  }
0x82: {  	_ =	shalt  }
0x83: {  	_ =	shalt  }
0x84: {  	_ =	shalt  }
0x85: {  	_ =	shalt  }
0x86: {  	_ =	shalt  }
0x87: {  	_ =	shalt  }
.Lfunc_end0:
.L_simem_size_0:
called_computation_lowered:
.L_overlay_start_0:
0x88: {  	s2 =	sld [smem:$0x3FD9]  }
0x89: {  	s3 =	sld [smem:$0x3FFE];
	_ =	sdelay $0x1  }
0x8a: {  	s1 =	srdreg.scid  }
0x8b: {  	s0 =	sand.u32 $0x1, s1  }
0x8c: {  	s17 =	sshll.u32 s0, $0xA;
	s2 =	sadd.s32 s3, s2  }
0x8d: {  	s2 =	sadd.s32 s2, s17  }
0x8e: {  	[smem:$0x3FBA] =	sst s2  }
0x8f: {  	_ = 	snop  }
0x90: {  	s2 =	sld [smem:$0x3FD0];
	(tm) =	ssettm $0x1  }
0x91: {  	s18 =	sld [smem:$0x3FFB];
	_ =	sdelay $0x3  }
0x92: {  	_ =	strace s18  }
0x93: {  	s3 =	sld [smem:$0x3FFC];
	_ =	sdelay $0x3  }
0x94: {  	_ =	strace s3  }
0x95: {  	s3 =	sld [smem:$0x3FFD];
	_ =	sdelay $0x3  }
0x96: {  	_ =	strace s3  }
0x97: {  	_ =	strace $0x8FFFFFFF  }
0x98: {  	s19 =	sld [smem:$0x3FDB];
	_ =	sdelay $0x1  }
0x99: {  	s4 =	simm.s32 $_scs_section_size  }
0x9a: {  	s5 =	simm.s32 $_size__tile_overlayer_lowered;
	s6 =	simm.s32 $_tile_overlayer_lowered  }
0x9b: {  	s22 =	simm.s32 $0x1BFF;
	s21 =	sshll.u32 s6, $0x1;
	s3 =	sadd.s32 s4, s19  }
0x9c: {  	s7 =	simm.s32 $0x0;
	s20 =	sshll.u32 s5, $0x1;
	s5 =	sadd.s32 s21, s3  }
0x9d: {  	[timem:s7], [sflag:s22] =	dma.local [hbm:s5], s20  }
0x9e: {  	_ =	swait.ge [sflag:s22], s20  }
0x9f: {  	s4 =	ssub.s32 $0x0, s20;
	[sflag:s22] =	ssyncset.done $0x0  }
0xa0: {  	[sflag:s22] =	ssyncadd.s32 s4;
	_ =	sdelay $0x1  }
0xa1: {  	s23 =	simm.s32 $0x1B8B  }
0xa2: {  	_ =	swait.ge [sflag:s23], $0x1  }
0xa3: {  	[sflag:s23] =	ssyncset.done $0x0  }
0xa4: {  	s25 =	simm.s32 $0x1B8E;
	s24 =	sld [smem:$0x3FFE];
	[sflag:s23] =	ssyncadd.s32 $0xFFFFFFFF  }
0xa5: {  	s26 =	simm.s32 $execute0_lowered;
	[smem:$0x3FD2] =	sst s25  }
0xa6: {  	s5 =	sshll.u32 s26, $0x1;
	_ =	strace $0x80000046;
	[dreg:$0x1] =	wrdreg $0xFFFFFFFF  }
0xa7: {  	s28 =	simm.s32 $_size_execute0_lowered;
	s3 =	sadd.s32 s3, s5;
	[dreg:$0x0] =	wrdreg $0x0  }
0xa8: {  	s5 =	sshll.u32 s28, $0x1;
	[dreg:$0x2] =	wrdreg s3  }
0xa9: {  	[dreg:$0x3] =	wrdreg s5  }
0xaa: {  	[dreg:$0x4] =	wrdreg $0xC0  }
0xab: {  	_ =	task [dreg:s7], $0x5FFFF  }
0xac: {  	[dreg:$0x1] =	wrdreg $0xFFFFFFFF  }
0xad: {  	[dreg:$0x0] =	wrdreg $0x60  }
0xae: {  	[dreg:$0x2] =	wrdreg s24  }
0xaf: {  	[dreg:$0x3] =	wrdreg s2  }
0xb0: {  	[dreg:$0x4] =	wrdreg $0x0  }
0xb1: {  	[dreg:$0x5] =	wrdreg $0x9  }
0xb2: {  	_ =	task.clear_ibuf [dreg:s7], $0x6FFFF;
	_ =	strace $0x90000046  }
0xb3: {  	s29 =	simm.s32 $0x9;
	_ =	strace $0x80000048  }
0xb4: {  	_ =	swait.ge [sflag:s29], $0x1  }
0xb5: {  	[sflag:s29] =	ssyncadd.s32 $0xFFFFFFFF  }
0xb6: {  	_ =	strace $0x90000048  }
0xb7: {  	_ =	sfence  }
0xb8: {  	s30 =	sld [smem:$0x0];
	_ =	sdelay $0x2  }
0xb9: {  	s31 =	sshll.u32 s1, $0xD;
	s1 =	sshrl.u32 s1, $0x2  }
0xba: {  	s3 =	sand.u32 $0x4000, s31;
	s1 =	sadd.s32 s1, s30  }
0xbb: {  	s0 =	sor.u32 s3, s0;
	s1 =	sshll.u32 s1, $0x11  }
0xbc: {  	s0 =	sor.u32 s1, s0  }
0xbd: {  	s0 =	sadd.s32 $0x8F2B, s0  }
0xbe: {  	[sflag:s0] =	ssyncadd.remote.s32 $0x1  }
0xbf: {  	_ =	sfence.sel $0xFFFF  }
0xc0: {  	[dreg:$0x0] =	wrdreg $0xFFFFFFFF;
	(pc) =	sbr.abs _section_cstart, $3  }
0xc1: {  	[dreg:$0x1] =	wrdreg $0xFFFFFFFF  }
0xc2: {  	_ =	task.clear_ibuf [dreg:s7], $0x2FFFF;
	_ =	strace $0x9FFFFFFF  }
0xc3: {  	(tm) =	ssettm $0x7FFFFFFF  }
tec
execute0_lowered:
.L_overlay_start_1:
0x0: {  	(tag) =	ssettag $0x1  }
0x1: {  	s4 =	rddreg [dreg:$0x0]  }
0x2: {  	s1 =	rddreg [dreg:$0x1]  }
0x3: {  	s2 =	rddreg [dreg:$0x2];
	s5 =	srdreg.scid  }
0x4: {  	s0 =	rddreg [dreg:$0x3];
	s3 =	simm.s32 $0x0;
	s12 =	simm.s32 $0x3348  }
0x5: {  	s13 =	simm.s32 $0x1;
	s15 =	simm.s32 $0x1388;
	s16 =	simm.s32 $0x1FC0  }
0x6: {  	s17 =	simm.s32 $0x0;
	s5 =	sand.u32 $0x1, s5;
	[smem:$0x7FF] =	sst s3  }
0x7: {  	s10 =	sadd.s32 $0x5E00, s4;
	s4 =	stileid.u32;
	s6 =	ssub.s32 $0x2, s5  }
0x8: {  	_ =	strace $0x80000047;
	s30 =	sshll.u32 s5, $0x4;
	p0 =	seq.s32 s4, $0x0  }
0x9: {  	p1 =	seq.s32 s5, $0x1;
	s14 =	sor.u32 s5, s4;
	s7 =	sshrl.u32 s6, $0x1  }
0xa: {  	s5 =	sadd.s32 $0x186A, s1;
	s6 =	ssub.s32 s6, s7;
	s7 =	sor.u32 s4, s30  }
0xb: {  	p0 =	por !p0, !p1;
	p1 =	sne.s32 s4, $0x0;
	s7 =	smul.u32 $0x61A8, s7  }
.Ltmp0:
0xc: {  	p2 =	sne.s32 s14, $0x0;
	s14 =	simm.s32 $0xC38;
	(pc) =	sbr.rel .LBB2_1-.Ltmp0, $4  }
0xd: {  	p0 =	por !p0, !p0;
	s6 =	smax.u32 s6, $0x1;
	s9 =	sadd.s32 $0x1388, s7  }
0xe: {  	s8 =	sshrl.u32 s7, $0x3;
	s11 =	sadd.s32 $0x3A98, s7;
	s31 =	sshrl.u32 s9, $0x3  }
0xf: {  	s7 =	sadd.s32 s10, s8;
	s11 =	sshrl.u32 s11, $0x3;
	s8 =	sadd.s32 s10, s31  }
0x10: {  	v0 =	vimm.f32 $1.000000000e+00;
	v1 =	vimm.f32 $0.0e+00;
	s9 =	sadd.s32 $0x4E2, s7;
	s10 =	sadd.s32 s10, s11;
	s11 =	sadd.s32 $0x9C4, s7  }
.LBB2_8:
0x11: {  	[sflag:s13] =	ssyncset.done $0x0  }
0x12: {  	[sflag:s13] =	ssyncadd.s32 $0xFFFFFC18  }
.LBB2_9:
0x13: {  	[bflag:$0x0] =	sbarrier.arrive $0xFFFF  }
0x14: {  	[tilespmem:s14], [sflag:$0x1] =	stream.linear.gather [hbm4b:s7+s3], $0x1388, $0x38;
	[tilespmem:$0x3730] =	vst v63  }
0x15: {  	_ =	swait.ge [sflag:s13], $0x1388  }
0x16: {  	[sflag:s13] =	ssyncset.done $0x0  }
0x17: {  	[sflag:s13] =	ssyncadd.s32 $0xFFFFEC78  }
0x18: {  	[spmem:s2] =	stream.indirect.scatter.add.f32 [tilespmem:s16], [sflag:$0x1], $0x1, s14, s15, $0xb8;
	[tilespmem:$0x3730] =	vst v63  }
0x19: {  	_ =	swait.ge [sflag:s13], $0x1388  }
0x1a: {  	[sflag:s13] =	ssyncset.done $0x0  }
0x1b: {  	[sflag:s13] =	ssyncadd.s32 $0xFFFFEC78  }
0x1c: {  	[tilespmem:s14], [sflag:$0x1] =	stream.linear.gather [hbm4b:s8+s3], $0x1388, $0x38;
	[tilespmem:$0x3730] =	vst v63  }
0x1d: {  	_ =	swait.ge [sflag:s13], $0x1388  }
0x1e: {  	[sflag:s13] =	ssyncset.done $0x0  }
0x1f: {  	[sflag:s13] =	ssyncadd.s32 $0xFFFFEC78  }
0x20: {  	[spmem:s2] =	stream.indirect.scatter.add.f32 [tilespmem:s16], [sflag:$0x1], $0x1, s14, s15, $0xb8;
	[tilespmem:$0x3730] =	vst v63  }
0x21: {  	_ =	swait.ge [sflag:s13], $0x1388  }
0x22: {  	[sflag:s13] =	ssyncset.done $0x0  }
0x23: {  	[sflag:s13] =	ssyncadd.s32 $0xFFFFEC78  }
0x24: {  	[tilespmem:s14], [sflag:$0x1] =	stream.linear.gather [hbm4b:s9+s3], $0x1388, $0x38;
	[tilespmem:$0x3730] =	vst v63  }
0x25: {  	_ =	swait.ge [sflag:s13], $0x1388  }
0x26: {  	[sflag:s13] =	ssyncset.done $0x0  }
0x27: {  	[sflag:s13] =	ssyncadd.s32 $0xFFFFEC78  }
0x28: {  	[spmem:s2] =	stream.indirect.scatter.add.f32 [tilespmem:s16], [sflag:$0x1], $0x1, s14, s15, $0xb8;
	[tilespmem:$0x3730] =	vst v63  }
0x29: {  	_ =	swait.ge [sflag:s13], $0x1388  }
0x2a: {  	[sflag:s13] =	ssyncset.done $0x0  }
0x2b: {  	[sflag:s13] =	ssyncadd.s32 $0xFFFFEC78  }
0x2c: {  	[tilespmem:s14], [sflag:$0x1] =	stream.linear.gather [hbm4b:s10+s3], $0x1388, $0x38;
	[tilespmem:$0x3730] =	vst v63  }
0x2d: {  	_ =	swait.ge [sflag:s13], $0x1388  }
0x2e: {  	[sflag:s13] =	ssyncset.done $0x0  }
0x2f: {  	[sflag:s13] =	ssyncadd.s32 $0xFFFFEC78  }
0x30: {  	[spmem:s2] =	stream.indirect.scatter.add.f32 [tilespmem:s16], [sflag:$0x1], $0x1, s14, s15, $0xb8;
	[tilespmem:$0x3730] =	vst v63  }
0x31: {  	_ =	swait.ge [sflag:s13], $0x1388  }
0x32: {  	[sflag:s13] =	ssyncset.done $0x0  }
0x33: {  	[sflag:s13] =	ssyncadd.s32 $0xFFFFEC78  }
0x34: {  	[tilespmem:s14], [sflag:$0x1] =	stream.linear.gather [hbm4b:s11+s3], $0x1388, $0x38;
	[tilespmem:$0x3730] =	vst v63  }
0x35: {  	_ =	swait.ge [sflag:s13], $0x1388  }
0x36: {  	[sflag:s13] =	ssyncset.done $0x0  }
0x37: {  	[sflag:s13] =	ssyncadd.s32 $0xFFFFEC78  }
0x38: {  	[spmem:s2] =	stream.indirect.scatter.add.f32 [tilespmem:s16], [sflag:$0x1], $0x1, s14, s15, $0xb8;
	[tilespmem:$0x3730] =	vst v63  }
0x39: {  	_ =	swait.ge [sflag:s13], $0x1388  }
0x3a: {  	[sflag:s13] =	ssyncset.done $0x0  }
0x3b: {  	s18 =	sshll.u32 @!p2 s4, $0x6;
	[sflag:s13] =	ssyncadd.s32 $0xFFFFEC78  }
0x3c: {  	s19 =	sshrl.u32 @!p2 s2, $0x3;
	s18 =	sor.u32 @!p2 $0x1C01, s18;
	[bflag:$0x0] =	sbarrier.arrive $0xFFFF  }
0x3d: {  	[hbm:s1], [sflag:s18] =	dma.local @!p2 [spmem:s19], $0x186A  }
0x3e: {  	s18 =	simm.s32 @!p2 $0x1  }
0x3f: {  	s17 =	sadd.s32 $0x1, s17;
	_ =	swait.ge @!p2 [sflag:s18], $0x186A  }
0x40: {  	p3 =	sne.s32 s17, s6;
	[sflag:s18] =	ssyncset.done @!p2 $0x0  }
0x41: {  	s19 =	simm.s32 @p0 $0x1C01;
	[sflag:s18] =	ssyncadd.s32 @!p2 $0xFFFFE796;
	s18 =	sshrl.u32 @p0 s2, $0x3  }
0x42: {  	[hbm:s5], [sflag:s19] =	dma.local @p0 [spmem:s18], $0x186A  }
.Ltmp1:
0x43: {  	_ = 	snop;
	(pc) =	sbr.rel @!p3 .LBB2_10-.Ltmp1, $4  }
0x44: {  	s18 =	simm.s32 @p0 $0x1  }
0x45: {  	_ =	swait.ge @p0 [sflag:s18], $0x186A  }
0x46: {  	[sflag:s18] =	ssyncset.done @p0 $0x0  }
0x47: {  	[sflag:s18] =	ssyncadd.s32 @p0 $0xFFFFE796  }
.LBB2_1:
0x48: {  	s18 =	simm.s32 $0x40;
	s19 =	simm.s32 $0x0  }
.LBB2_2:
0x49: {  	p3 =	sne.s32 s18, $0x4DC0;
	[tilespmem:s19+$0x1FC0] =	vst v0;
	s19 =	smov.u32 s18;
	s18 =	sadd.s32 $0x40, s18  }
.Ltmp2:
0x4a: {  	(pc) =	sbr.rel @p3 .LBB2_2-.Ltmp2, $2  }
0x4b: {  	_ =	sdelay $0x2  }
0x4c: {  	s19 =	sshra.s32 s19, $0x2  }
0x4d: {  	[tilespmem:s19+$0x1FC0] =	vst v0  }
0x4e: {  	s18 =	simm.s32 $0x40;
	s19 =	simm.s32 $0x0;
	[tilespmem:$0x3338] =	vst v0  }
.LBB2_4:
0x4f: {  	p3 =	sne.s32 s18, $0xF40;
	[tilespmem:s19+$0x3348] =	vst v1;
	s19 =	smov.u32 s18;
	s18 =	sadd.s32 $0x40, s18  }
.Ltmp3:
0x50: {  	(pc) =	sbr.rel @p3 .LBB2_4-.Ltmp3, $2  }
0x51: {  	_ =	sdelay $0x2  }
0x52: {  	s19 =	sshra.s32 s19, $0x2  }
.Ltmp4:
0x53: {  	(pc) =	sbr.rel @p1 .LBB2_9-.Ltmp4, $3  }
0x54: {  	_ =	sdelay $0x1  }
0x55: {  	[tilespmem:s19+$0x3348] =	vst v1  }
0x56: {  	[tilespmem:$0x3720] =	vst v1  }
0x57: {  	s18 =	sadd.s32 $0x0, s2  }
0x58: {  	[spmem:s18] =	stream.linear.scatter [tilespmem:s12], [sflag:$0x1], $0x3E8, $0x38;
	[tilespmem:$0x3730] =	vst v63  }
0x59: {  	s18 =	simm.s32 $0xFA0;
	_ =	swait.ge [sflag:s13], $0x3E8  }
.LBB2_7:
0x5a: {  	s19 =	sshra.s32 s18, $0x2;
	[sflag:s13] =	ssyncset.done $0x0;
	p3 =	sne.s32 s18, $0x2FDA0  }
.Ltmp5:
0x5b: {  	s19 =	sadd.s32 s19, s2;
	[sflag:s13] =	ssyncadd.s32 $0xFFFFFC18;
	(pc) =	sbr.rel @p3 .LBB2_7-.Ltmp5, $3  }
0x5c: {  	[spmem:s19] =	stream.linear.scatter [tilespmem:s12], [sflag:$0x1], $0x3E8, $0x38;
	[tilespmem:$0x3730] =	vst v63  }
0x5d: {  	s18 =	sadd.s32 $0xFA0, s18;
	_ =	sdelay $0x1  }
0x5e: {  	_ =	swait.ge [sflag:s13], $0x3E8  }
.Ltmp6:
0x5f: {  	_ = 	snop;
	(pc) =	sbr.rel .LBB2_8-.Ltmp6, $1  }
0x60: {  	_ =	sdelay $0x3  }
.LBB2_10:
0x61: {  	_ =	sfence.sel $0x180000  }
0x62: {  	[bflag:$0x0] =	sbarrier.arrive $0xFFFF  }
0x63: {  	_ =	strace $0x90000047  }
0x64: {  	s0 =	sadd.s32 @!p1 $0x100000, s0;
	[bflag:$0x2] =	sbarrier.arrive $0xFFFF  }
0x65: {  	[sflag:s0] =	ssyncadd.tile.s32 @!p1 $0x1;
	_ =	shalt  }
.Lfunc_end2:
_tile_overlayer_lowered:
.L_overlay_start_2:
0x66: {  	(tag) =	ssettag $0x2  }
0x67: {  	s0 =	rddreg [dreg:$0x0];
	s2 =	stileid.u32  }
0x68: {  	s1 =	rddreg [dreg:$0x1];
	p0 =	sne.s32 s2, $0x0  }
0x69: {  	s3 =	rddreg [dreg:$0x2];
	[bflag:$0x3] =	sbarrier.arrive $0xFFFF;
	s2 =	simm.s32 @!p0 $0x1C01  }
0x6a: {  	[timem:s3], [sflag:s2] =	dma.local @!p0 [hbm:s0], s1  }
0x6b: {  	s0 =	simm.s32 @!p0 $0x1  }
0x6c: {  	_ =	swait.ge @!p0 [sflag:s0], s1  }
0x6d: {  	s1 =	ssub.s32 @!p0 $0x0, s1;
	[sflag:s0] =	ssyncset.done @!p0 $0x0  }
0x6e: {  	[sflag:s0] =	ssyncadd.s32 @!p0 s1  }
0x6f: {  	[bflag:$0x3] =	sbarrier.arrive $0xFFFF  }
0x70: {  	_ =	shalt  }

// kernel: kernel.13.cloned.1.call-start
scs
__scs_entry_jumppad:
0x0: {  	(pc) =	sbr.rel $0x88, $3  }
0x1: {  	(tag) =	ssettag $0x0;
	lr =	simm.s32 $0x1  }
0x2: {  	[smem:$0x3F93] =	sst lr;
	_ =	strace $0xD0000000  }
0x3: {  	_ = 	snop  }
0x4: {  	_ = 	snop  }
0x5: {  	_ = 	snop  }
0x6: {  	_ = 	snop  }
0x7: {  	_ = 	snop  }
__scs_overlays_trampoline_lowered:
0x8: {  	[smem:$0x3FA2] =	sst s0  }
0x9: {  	[smem:$0x3FA3] =	sst s1  }
0xa: {  	[smem:$0x3FA4] =	sst s2  }
0xb: {  	[smem:$0x3FA5] =	sst s3  }
0xc: {  	[smem:$0x3FA6] =	sst s4  }
0xd: {  	[smem:$0x3FA7] =	sst s5  }
0xe: {  	[smem:$0x3FA8] =	sst s6  }
0xf: {  	[smem:$0x3FA9] =	sst s7  }
0x10: {  	[smem:$0x3FAA] =	sst s8  }
0x11: {  	[smem:$0x3FAB] =	sst s9;
	s0 =	simm.s32 @!p0 $0x0  }
0x12: {  	s1 =	sld [smem:$0x3F91];
	s0 =	simm.s32 @p0 $0x1  }
0x13: {  	[smem:$0x3FAC] =	sst s0;
	s0 =	simm.s32 @!p1 $0x0  }
0x14: {  	s2 =	sld [smem:$0x3F90];
	s0 =	simm.s32 @p1 $0x1  }
0x15: {  	[smem:$0x3FAD] =	sst s0;
	s0 =	simm.s32 @!p2 $0x0  }
0x16: {  	s3 =	sld [smem:$0x3FDB];
	s0 =	simm.s32 @p2 $0x1  }
0x17: {  	s4 =	simm.s32 $0x1BF5;
	[smem:$0x3FAF] =	sst s0  }
0x18: {  	s0 =	sld [smem:$0x3F92];
	_ =	swait.ge [sflag:s4], $0x0  }
0x19: {  	s7 =	sld [smem:$0x3F93]  }
0x1a: {  	s8 =	sadd.s32 $0xFFFFE003, lr  }
0x1b: {  	s9 =	sadd.s32 $0xFFFFFEF7, lr;
	s5 =	simm.s32 $0xFFFFFFFF;
	p2 =	slt.u32 s8, $0xFFFFF086  }
0x1c: {  	p1 =	slt.u32 s9, $0xF7A;
	s5 =	simm.s32 @!p2 $0x0  }
0x1d: {  	s5 =	simm.s32 @p1 $0x1;
	p0 =	seq.s32 s7, s2  }
0x1e: {  	s7 =	smul.u32 @!p0 $0xF7A, s2;
	p2 =	seq.s32 @!p0 s5, $0x0  }
0x1f: {  	s9 =	smul.u32 $0xF7A, s1;
	s8 =	simm.s32 @!p0 $0x1BF5;
	p2 =	por !p2, p0  }
0x20: {  	[sflag:s8] =	ssyncset.s32 @!p0 $0xFFFFF086;
	s6 =	sadd.s32 @!p0 s3, s7;
	s7 =	simm.s32 @!p0 $0x108  }
0x21: {  	s3 =	sadd.s32 s3, s9;
	s6 =	sadd.s32 @!p0 $0x88, s6;
	s7 =	simm.s32 @p2 $0x1082  }
0x22: {  	[simem:s7], [sflag:s8] =	dma.local @!p0 [hbm:s6], $0xF7A  }
0x23: {  	s9 =	sor.u32 $0xD0000000, s2;
	s6 =	simm.s32 $0x108;
	_ =	swait.ge @!p0 [sflag:s8], $0x0  }
0x24: {  	s3 =	sadd.s32 $0x88, s3;
	s6 =	simm.s32 @!p1 $0x1082;
	[sflag:s4] =	ssyncset.s32 $0xFFFFF086  }
0x25: {  	[simem:s6], [sflag:s4] =	dma.local [hbm:s3], $0xF7A  }
0x26: {  	[smem:$0x3F93] =	sst s1;
	(tag) =	ssettag s2;
	_ =	strace s9  }
0x27: {  	s1 =	sld [smem:$0x3FA3]  }
0x28: {  	s2 =	sld [smem:$0x3FA4]  }
0x29: {  	s4 =	sld [smem:$0x3FA6]  }
0x2a: {  	p0 =	seq.s32 s5, $0x0;
	s5 =	sld [smem:$0x3FA7]  }
0x2b: {  	s6 =	sld [smem:$0x3FA8]  }
0x2c: {  	s7 =	sld [smem:$0x3FA9]  }
0x2d: {  	s3 =	simm.s32 $0x108;
	s8 =	sld [smem:$0x3FAA]  }
0x2e: {  	s3 =	simm.s32 @!p0 $0x1082;
	s9 =	sld [smem:$0x3FAB]  }
0x2f: {  	lr =	sadd.s32 s0, s3;
	s0 =	sld [smem:$0x3FA2]  }
0x30: {  	s3 =	sld [smem:$0x3FA5]  }
0x31: {  	[smem:$0x3FAE] =	sst s10  }
0x32: {  	s10 =	sld [smem:$0x3FAC];
	_ =	sdelay $0x3  }
0x33: {  	p0 =	seq.s32 s10, $0x1;
	s10 =	sld [smem:$0x3FAE];
	_ =	sdelay $0x3  }
0x34: {  	[smem:$0x3FAE] =	sst s10  }
0x35: {  	s10 =	sld [smem:$0x3FAD];
	_ =	sdelay $0x3  }
0x36: {  	p1 =	seq.s32 s10, $0x1;
	s10 =	sld [smem:$0x3FAE];
	_ =	sdelay $0x3  }
0x37: {  	[smem:$0x3FAE] =	sst s10  }
0x38: {  	s10 =	sld [smem:$0x3FAF]  }
0x39: {  	_ = 	snop;
	(pc) =	sbr.ind lr, $3  }
0x3a: {  	_ = 	snop  }
0x3b: {  	_ = 	snop  }
0x3c: {  	p2 =	seq.s32 s10, $0x1;
	s10 =	sld [smem:$0x3FAE]  }
0x3d: {  	_ =	shalt  }
0x3e: {  	_ =	shalt  }
0x3f: {  	_ =	shalt  }
0x40: {  	_ =	shalt  }
0x41: {  	_ =	shalt  }
0x42: {  	_ =	shalt  }
0x43: {  	_ =	shalt  }
0x44: {  	_ =	shalt  }
0x45: {  	_ =	shalt  }
0x46: {  	_ =	shalt  }
0x47: {  	_ =	shalt  }
0x48: {  	_ =	shalt  }
0x49: {  	_ =	shalt  }
0x4a: {  	_ =	shalt  }
0x4b: {  	_ =	shalt  }
0x4c: {  	_ =	shalt  }
0x4d: {  	_ =	shalt  }
0x4e: {  	_ =	shalt  }
0x4f: {  	_ =	shalt  }
0x50: {  	_ =	shalt  }
0x51: {  	_ =	shalt  }
0x52: {  	_ =	shalt  }
0x53: {  	_ =	shalt  }
0x54: {  	_ =	shalt  }
0x55: {  	_ =	shalt  }
0x56: {  	_ =	shalt  }
0x57: {  	_ =	shalt  }
0x58: {  	_ =	shalt  }
0x59: {  	_ =	shalt  }
0x5a: {  	_ =	shalt  }
0x5b: {  	_ =	shalt  }
0x5c: {  	_ =	shalt  }
0x5d: {  	_ =	shalt  }
0x5e: {  	_ =	shalt  }
0x5f: {  	_ =	shalt  }
0x60: {  	_ =	shalt  }
0x61: {  	_ =	shalt  }
0x62: {  	_ =	shalt  }
0x63: {  	_ =	shalt  }
0x64: {  	_ =	shalt  }
0x65: {  	_ =	shalt  }
0x66: {  	_ =	shalt  }
0x67: {  	_ =	shalt  }
0x68: {  	_ =	shalt  }
0x69: {  	_ =	shalt  }
0x6a: {  	_ =	shalt  }
0x6b: {  	_ =	shalt  }
0x6c: {  	_ =	shalt  }
0x6d: {  	_ =	shalt  }
0x6e: {  	_ =	shalt  }
0x6f: {  	_ =	shalt  }
0x70: {  	_ =	shalt  }
0x71: {  	_ =	shalt  }
0x72: {  	_ =	shalt  }
0x73: {  	_ =	shalt  }
0x74: {  	_ =	shalt  }
0x75: {  	_ =	shalt  }
0x76: {  	_ =	shalt  }
0x77: {  	_ =	shalt  }
0x78: {  	_ =	shalt  }
0x79: {  	_ =	shalt  }
0x7a: {  	_ =	shalt  }
0x7b: {  	_ =	shalt  }
0x7c: {  	_ =	shalt  }
0x7d: {  	_ =	shalt  }
0x7e: {  	_ =	shalt  }
0x7f: {  	_ =	shalt  }
0x80: {  	_ =	shalt  }
0x81: {  	_ =	shalt  }
0x82: {  	_ =	shalt  }
0x83: {  	_ =	shalt  }
0x84: {  	_ =	shalt  }
0x85: {  	_ =	shalt  }
0x86: {  	_ =	shalt  }
0x87: {  	_ =	shalt  }
.Lfunc_end0:
.L_simem_size_0:
called_computation.1_lowered:
.L_overlay_start_0:
0x88: {  	s2 =	sld [smem:$0x3FD9]  }
0x89: {  	s3 =	sld [smem:$0x3FFE];
	_ =	sdelay $0x1  }
0x8a: {  	s1 =	srdreg.scid  }
0x8b: {  	s0 =	sand.u32 $0x1, s1  }
0x8c: {  	s17 =	sshll.u32 s0, $0xA;
	s2 =	sadd.s32 s3, s2  }
0x8d: {  	s2 =	sadd.s32 s2, s17  }
0x8e: {  	[smem:$0x3FBA] =	sst s2  }
0x8f: {  	_ = 	snop  }
0x90: {  	s2 =	sld [smem:$0x3FD0];
	(tm) =	ssettm $0x1  }
0x91: {  	s18 =	sld [smem:$0x3FFB];
	_ =	sdelay $0x3  }
0x92: {  	_ =	strace s18  }
0x93: {  	s3 =	sld [smem:$0x3FFC];
	_ =	sdelay $0x3  }
0x94: {  	_ =	strace s3  }
0x95: {  	s3 =	sld [smem:$0x3FFD];
	_ =	sdelay $0x3  }
0x96: {  	_ =	strace s3  }
0x97: {  	_ =	strace $0x8FFFFFFF  }
0x98: {  	s19 =	sld [smem:$0x3FDB];
	_ =	sdelay $0x1  }
0x99: {  	s4 =	simm.s32 $_scs_section_size  }
0x9a: {  	s5 =	simm.s32 $_size__tile_overlayer_lowered;
	s6 =	simm.s32 $_tile_overlayer_lowered  }
0x9b: {  	s22 =	simm.s32 $0x1BFF;
	s21 =	sshll.u32 s6, $0x1;
	s3 =	sadd.s32 s4, s19  }
0x9c: {  	s7 =	simm.s32 $0x0;
	s20 =	sshll.u32 s5, $0x1;
	s5 =	sadd.s32 s21, s3  }
0x9d: {  	[timem:s7], [sflag:s22] =	dma.local [hbm:s5], s20  }
0x9e: {  	_ =	swait.ge [sflag:s22], s20  }
0x9f: {  	s4 =	ssub.s32 $0x0, s20;
	[sflag:s22] =	ssyncset.done $0x0  }
0xa0: {  	[sflag:s22] =	ssyncadd.s32 s4;
	_ =	sdelay $0x1  }
0xa1: {  	s23 =	simm.s32 $0x1B8B  }
0xa2: {  	_ =	swait.ge [sflag:s23], $0x1  }
0xa3: {  	[sflag:s23] =	ssyncset.done $0x0  }
0xa4: {  	s25 =	simm.s32 $0x1B8E;
	s24 =	sld [smem:$0x3FFE];
	[sflag:s23] =	ssyncadd.s32 $0xFFFFFFFF  }
0xa5: {  	s26 =	simm.s32 $execute0_lowered;
	[smem:$0x3FD2] =	sst s25  }
0xa6: {  	s5 =	sshll.u32 s26, $0x1;
	_ =	strace $0x80000049;
	[dreg:$0x1] =	wrdreg $0xFFFFFFFF  }
0xa7: {  	s28 =	simm.s32 $_size_execute0_lowered;
	s3 =	sadd.s32 s3, s5;
	[dreg:$0x0] =	wrdreg $0x0  }
0xa8: {  	s5 =	sshll.u32 s28, $0x1;
	[dreg:$0x2] =	wrdreg s3  }
0xa9: {  	[dreg:$0x3] =	wrdreg s5  }
0xaa: {  	[dreg:$0x4] =	wrdreg $0xC0  }
0xab: {  	_ =	task [dreg:s7], $0x5FFFF  }
0xac: {  	[dreg:$0x1] =	wrdreg $0xFFFFFFFF  }
0xad: {  	[dreg:$0x0] =	wrdreg $0x60  }
0xae: {  	[dreg:$0x2] =	wrdreg s24  }
0xaf: {  	[dreg:$0x3] =	wrdreg s2  }
0xb0: {  	[dreg:$0x4] =	wrdreg $0x0  }
0xb1: {  	[dreg:$0x5] =	wrdreg $0x9  }
0xb2: {  	_ =	task.clear_ibuf [dreg:s7], $0x6FFFF;
	_ =	strace $0x90000049  }
0xb3: {  	s29 =	simm.s32 $0x9;
	_ =	strace $0x8000004B  }
0xb4: {  	_ =	swait.ge [sflag:s29], $0x1  }
0xb5: {  	[sflag:s29] =	ssyncadd.s32 $0xFFFFFFFF  }
0xb6: {  	_ =	strace $0x9000004B  }
0xb7: {  	_ =	sfence  }
0xb8: {  	s30 =	sld [smem:$0x0];
	_ =	sdelay $0x2  }
0xb9: {  	s31 =	sshll.u32 s1, $0xD;
	s1 =	sshrl.u32 s1, $0x2  }
0xba: {  	s3 =	sand.u32 $0x4000, s31;
	s1 =	sadd.s32 s1, s30  }
0xbb: {  	s0 =	sor.u32 s3, s0;
	s1 =	sshll.u32 s1, $0x11  }
0xbc: {  	s0 =	sor.u32 s1, s0  }
0xbd: {  	s0 =	sadd.s32 $0x8F2B, s0  }
0xbe: {  	[sflag:s0] =	ssyncadd.remote.s32 $0x1  }
0xbf: {  	_ =	sfence.sel $0xFFFF  }
0xc0: {  	[dreg:$0x0] =	wrdreg $0xFFFFFFFF;
	(pc) =	sbr.abs _section_cstart, $3  }
0xc1: {  	[dreg:$0x1] =	wrdreg $0xFFFFFFFF  }
0xc2: {  	_ =	task.clear_ibuf [dreg:s7], $0x2FFFF;
	_ =	strace $0x9FFFFFFF  }
0xc3: {  	(tm) =	ssettm $0x7FFFFFFF  }
tec
execute0_lowered:
.L_overlay_start_1:
0x0: {  	(tag) =	ssettag $0x1  }
0x1: {  	s0 =	rddreg [dreg:$0x0]  }
0x2: {  	s11 =	rddreg [dreg:$0x1]  }
0x3: {  	s2 =	rddreg [dreg:$0x2];
	s3 =	simm.s32 $0x0  }
0x4: {  	s1 =	srdreg.scid;
	s12 =	stileid.u32;
	s15 =	simm.s32 $0x186A0  }
0x5: {  	s16 =	simm.s32 $0x3;
	s17 =	simm.s32 $0x189C0;
	s18 =	simm.s32 $0x18830  }
0x6: {  	s19 =	simm.s32 $0x18B50;
	s20 =	simm.s32 $0x1;
	s21 =	simm.s32 $0x190  }
0x7: {  	s22 =	simm.s32 $0x18CE0;
	s23 =	simm.s32 $0x2;
	s24 =	simm.s32 $0x1BEE0  }
0x8: {  	[smem:$0x7FF] =	sst s3;
	s4 =	sadd.s32 $0x1E600, s0;
	s1 =	sand.u32 $0x1, s1  }
0x9: {  	s7 =	sadd.s32 $0x5E00, s0;
	s5 =	sadd.s32 $0x36E00, s0;
	s9 =	smul.u32 $0xC350, s12  }
0xa: {  	s6 =	sadd.s32 $0x67C00, s0;
	p1 =	seq.s32 s12, $0x0;
	s10 =	smul.u32 $0x186A, s12  }
0xb: {  	s30 =	sadd.s32 $0x30D40, s11;
	_ =	strace $0x8000004A;
	s8 =	ssub.s32 $0x2, s1  }
0xc: {  	p0 =	seq.s32 s1, $0x1;
	s29 =	sor.u32 s1, s12;
	[dreg:$0x7] =	wrdreg s30  }
0xd: {  	s28 =	sshrl.u32 s8, $0x1;
	s9 =	sshrl.u32 s9, $0x3;
	s31 =	sadd.s32 s10, s7  }
0xe: {  	p1 =	por !p1, !p0;
	s13 =	sadd.s32 s4, s9;
	[dreg:$0x4] =	wrdreg s31  }
0xf: {  	p2 =	sne.s32 s29, $0x0;
	s9 =	sadd.s32 s7, s9;
	[dreg:$0x5] =	wrdreg s13  }
0x10: {  	s0 =	ssub.s32 s8, s28;
	s7 =	sshrl.u32 @!p2 s2, $0x3;
	[dreg:$0x6] =	wrdreg s9  }
0x11: {  	p1 =	por !p1, !p1;
	s0 =	smax.u32 s0, $0x1;
	[dreg:$0xa] =	wrdreg s7  }
0x12: {  	s8 =	sshrl.u32 @p1 s2, $0x3;
	[dreg:$0x8] =	wrdreg s0;
	s0 =	sshll.u32 @!p2 s12, $0x6  }
0x13: {  	s11 =	sadd.s32 s10, s4;
	[dreg:$0xb] =	wrdreg s8;
	s4 =	sor.u32 @!p2 $0x1C03, s0  }
0x14: {  	s25 =	simm.s32 $0x0;
	p3 =	sne.s32 s1, $0x0;
	[dreg:$0x9] =	wrdreg s4  }
.LBB2_1:
0x15: {  	[spmem:s7], [sflag:s4] =	dma.local @!p2 [hbm:s5], $0x30D40  }
0x16: {  	s0 =	simm.s32 @!p2 $0x3  }
0x17: {  	_ =	swait.ge @!p2 [sflag:s0], $0x30D40  }
0x18: {  	[sflag:s0] =	ssyncset.done @!p2 $0x0  }
0x19: {  	[sflag:s0] =	ssyncadd.s32 @!p2 $0xFFFCF2C0;
	s0 =	simm.s32 @p1 $0x1C03  }
0x1a: {  	[spmem:s8], [sflag:s0] =	dma.local @p1 [hbm:s6], $0x30D40  }
0x1b: {  	s0 =	simm.s32 @p1 $0x3  }
0x1c: {  	_ =	swait.ge @p1 [sflag:s0], $0x30D40  }
0x1d: {  	[sflag:s0] =	ssyncset.done @p1 $0x0  }
0x1e: {  	[sflag:s0] =	ssyncadd.s32 @p1 $0xFFFCF2C0  }
0x1f: {  	[bflag:$0x0] =	sbarrier.arrive $0xFFFF  }
0x20: {  	s10 =	rddreg [dreg:$0x5]  }
0x21: {  	[tilespmem:s15], [sflag:$0x3] =	stream.linear.gather [hbm4b:s10+s3], $0x190, $0x38;
	[tilespmem:$0x1F0E0] =	vst v63  }
0x22: {  	_ =	swait.ge [sflag:s16], $0x190  }
0x23: {  	[sflag:s16] =	ssyncset.done $0x0  }
0x24: {  	s12 =	rddreg [dreg:$0x6];
	[sflag:s16] =	ssyncadd.s32 $0xFFFFFE70  }
0x25: {  	[tilespmem:s17], [sflag:$0x3] =	stream.linear.gather [hbm4b:s12+s3], $0x190, $0x38;
	[tilespmem:$0x1F0E0] =	vst v63  }
0x26: {  	_ =	swait.ge [sflag:s16], $0x190  }
0x27: {  	s26 =	simm.s32 @!p3 $0x190;
	s28 =	simm.s32 @!p3 $0x186A0;
	[sflag:s16] =	ssyncset.done $0x0  }
0x28: {  	s29 =	simm.s32 @!p3 $0x18CE0;
	s30 =	simm.s32 @p0 $0x190;
	[sflag:s16] =	ssyncadd.s32 $0xFFFFFE70  }
0x29: {  	[tilespmem:s29], [sflag:$0x1] =	stream.indirect.gather @!p3 [hbm4b:s5+s26], $0x20, s28, s26, $0xb8;
	[tilespmem:$0x1F0E0] =	vst v63  }
0x2a: {  	s31 =	simm.s32 @p0 $0x186A0;
	s9 =	sadd.s32 $0xFFFFE7C8, s11;
	s0 =	simm.s32 @p0 $0x18CE0  }
0x2b: {  	[tilespmem:s0], [sflag:$0x1] =	stream.indirect.gather @p0 [hbm4b:s6+s30], $0x20, s31, s30, $0xb8;
	[tilespmem:$0x1F0E0] =	vst v63  }
0x2c: {  	s1 =	sadd.s32 $0x186A, s9  }
0x2d: {  	[tilespmem:s18], [sflag:$0x3] =	stream.linear.gather [hbm4b:s1+s3], $0x190, $0x38;
	[tilespmem:$0x1F0E0] =	vst v63  }
0x2e: {  	_ =	swait.ge [sflag:s16], $0x190  }
0x2f: {  	s13 =	rddreg [dreg:$0x4]  }
0x30: {  	[sflag:s16] =	ssyncset.done $0x0;
	s10 =	sadd.s32 $0xFFFFE7C8, s13  }
0x31: {  	[sflag:s16] =	ssyncadd.s32 $0xFFFFFE70;
	s1 =	sadd.s32 $0x186A, s10  }
0x32: {  	[tilespmem:s19], [sflag:$0x3] =	stream.linear.gather [hbm4b:s1+s3], $0x190, $0x38;
	[tilespmem:$0x1F0E0] =	vst v63  }
0x33: {  	_ =	swait.ge [sflag:s16], $0x190  }
0x34: {  	[sflag:s16] =	ssyncset.done $0x0  }
0x35: {  	s4 =	simm.s32 @!p3 $0x18830;
	s1 =	simm.s32 @!p3 $0x1BEE0;
	[sflag:s16] =	ssyncadd.s32 $0xFFFFFE70  }
0x36: {  	[tilespmem:s1], [sflag:$0x2] =	stream.indirect.gather @!p3 [hbm4b:s5+s26], $0x20, s4, s26, $0xb8;
	[tilespmem:$0x1F0E0] =	vst v63  }
0x37: {  	s7 =	simm.s32 @p0 $0x18830;
	s8 =	simm.s32 @p0 $0x1BEE0  }
0x38: {  	[tilespmem:s8], [sflag:$0x2] =	stream.indirect.gather @p0 [hbm4b:s6+s30], $0x20, s7, s30, $0xb8;
	[tilespmem:$0x1F0E0] =	vst v63  }
0x39: {  	_ =	swait.ge [sflag:s20], $0x3200  }
0x3a: {  	[sflag:s20] =	ssyncset.done $0x0  }
0x3b: {  	[sflag:s20] =	ssyncadd.s32 $0xFFFFCE00  }
0x3c: {  	[spmem:s2] =	stream.indirect.scatter.add.f32 [tilespmem:s22], [sflag:$0x3], $0x20, s17, s21, $0xb8;
	[tilespmem:$0x1F0E0] =	vst v63  }
0x3d: {  	_ =	swait.ge [sflag:s16], $0x3200  }
0x3e: {  	[sflag:s16] =	ssyncset.done $0x0  }
0x3f: {  	s9 =	sadd.s32 $0x189C, s9;
	[sflag:s16] =	ssyncadd.s32 $0xFFFFCE00  }
0x40: {  	[tilespmem:s15], [sflag:$0x3] =	stream.linear.gather [hbm4b:s9+s3], $0x190, $0x38;
	[tilespmem:$0x1F0E0] =	vst v63  }
0x41: {  	_ =	swait.ge [sflag:s16], $0x190  }
0x42: {  	[sflag:s16] =	ssyncset.done $0x0  }
0x43: {  	s14 =	sadd.s32 $0x189C, s10;
	[sflag:s16] =	ssyncadd.s32 $0xFFFFFE70  }
0x44: {  	[tilespmem:s17], [sflag:$0x3] =	stream.linear.gather [hbm4b:s14+s3], $0x190, $0x38;
	[tilespmem:$0x1F0E0] =	vst v63  }
0x45: {  	_ =	swait.ge [sflag:s16], $0x190  }
0x46: {  	[sflag:s16] =	ssyncset.done $0x0  }
0x47: {  	[sflag:s16] =	ssyncadd.s32 $0xFFFFFE70  }
0x48: {  	[tilespmem:s29], [sflag:$0x1] =	stream.indirect.gather @!p3 [hbm4b:s5+s26], $0x20, s28, s26, $0xb8;
	[tilespmem:$0x1F0E0] =	vst v63  }
0x49: {  	_ = 	snop  }
0x4a: {  	[tilespmem:s0], [sflag:$0x1] =	stream.indirect.gather @p0 [hbm4b:s6+s30], $0x20, s31, s30, $0xb8;
	[tilespmem:$0x1F0E0] =	vst v63  }
0x4b: {  	_ =	swait.ge [sflag:s23], $0x3200  }
0x4c: {  	[sflag:s23] =	ssyncset.done $0x0  }
0x4d: {  	[sflag:s23] =	ssyncadd.s32 $0xFFFFCE00  }
0x4e: {  	[spmem:s2] =	stream.indirect.scatter.add.f32 [tilespmem:s24], [sflag:$0x3], $0x20, s19, s21, $0xb8;
	[tilespmem:$0x1F0E0] =	vst v63  }
0x4f: {  	s12 =	sadd.s32 $0xFFFFE82C, s11;
	_ =	swait.ge [sflag:s16], $0x3200  }
0x50: {  	s10 =	simm.s32 $0xFFFFE890;
	s9 =	simm.s32 $0xFFFFE82C;
	[sflag:s16] =	ssyncset.done $0x0  }
.LBB2_2:
0x51: {  	s13 =	sadd.s32 $0x186A, s12;
	[sflag:s16] =	ssyncadd.s32 $0xFFFFCE00  }
0x52: {  	[tilespmem:s18], [sflag:$0x3] =	stream.linear.gather [hbm4b:s13+s3], $0x190, $0x38;
	[tilespmem:$0x1F0E0] =	vst v63  }
0x53: {  	_ =	swait.ge [sflag:s16], $0x190  }
0x54: {  	s13 =	rddreg [dreg:$0x4]  }
0x55: {  	s14 =	smov.u32 s10;
	[sflag:s16] =	ssyncset.done $0x0;
	s13 =	sadd.s32 s9, s13  }
0x56: {  	s9 =	smov.u32 s14;
	[sflag:s16] =	ssyncadd.s32 $0xFFFFFE70;
	s14 =	sadd.s32 $0x186A, s13  }
0x57: {  	[tilespmem:s19], [sflag:$0x3] =	stream.linear.gather [hbm4b:s14+s3], $0x190, $0x38;
	[tilespmem:$0x1F0E0] =	vst v63  }
0x58: {  	_ =	swait.ge [sflag:s16], $0x190  }
0x59: {  	[sflag:s16] =	ssyncset.done $0x0  }
0x5a: {  	[sflag:s16] =	ssyncadd.s32 $0xFFFFFE70  }
0x5b: {  	[tilespmem:s1], [sflag:$0x2] =	stream.indirect.gather @!p3 [hbm4b:s5+s26], $0x20, s4, s26, $0xb8;
	[tilespmem:$0x1F0E0] =	vst v63  }
0x5c: {  	_ = 	snop  }
0x5d: {  	[tilespmem:s8], [sflag:$0x2] =	stream.indirect.gather @p0 [hbm4b:s6+s30], $0x20, s7, s30, $0xb8;
	[tilespmem:$0x1F0E0] =	vst v63  }
0x5e: {  	_ =	swait.ge [sflag:s20], $0x3200  }
0x5f: {  	[sflag:s20] =	ssyncset.done $0x0  }
0x60: {  	[sflag:s20] =	ssyncadd.s32 $0xFFFFCE00  }
0x61: {  	[spmem:s2] =	stream.indirect.scatter.add.f32 [tilespmem:s22], [sflag:$0x3], $0x20, s17, s21, $0xb8;
	[tilespmem:$0x1F0E0] =	vst v63  }
0x62: {  	_ =	swait.ge [sflag:s16], $0x3200  }
0x63: {  	[sflag:s16] =	ssyncset.done $0x0  }
0x64: {  	s14 =	sadd.s32 $0x189C, s12;
	[sflag:s16] =	ssyncadd.s32 $0xFFFFCE00  }
0x65: {  	[tilespmem:s15], [sflag:$0x3] =	stream.linear.gather [hbm4b:s14+s3], $0x190, $0x38;
	[tilespmem:$0x1F0E0] =	vst v63  }
0x66: {  	_ =	swait.ge [sflag:s16], $0x190  }
0x67: {  	[sflag:s16] =	ssyncset.done $0x0  }
0x68: {  	s14 =	sadd.s32 $0x189C, s13;
	[sflag:s16] =	ssyncadd.s32 $0xFFFFFE70  }
0x69: {  	[tilespmem:s17], [sflag:$0x3] =	stream.linear.gather [hbm4b:s14+s3], $0x190, $0x38;
	[tilespmem:$0x1F0E0] =	vst v63  }
0x6a: {  	_ =	swait.ge [sflag:s16], $0x190  }
0x6b: {  	[sflag:s16] =	ssyncset.done $0x0  }
0x6c: {  	[sflag:s16] =	ssyncadd.s32 $0xFFFFFE70  }
0x6d: {  	[tilespmem:s29], [sflag:$0x1] =	stream.indirect.gather @!p3 [hbm4b:s5+s26], $0x20, s28, s26, $0xb8;
	[tilespmem:$0x1F0E0] =	vst v63  }
0x6e: {  	s10 =	sadd.s32 $0x64, s10  }
0x6f: {  	[tilespmem:s0], [sflag:$0x1] =	stream.indirect.gather @p0 [hbm4b:s6+s30], $0x20, s31, s30, $0xb8;
	[tilespmem:$0x1F0E0] =	vst v63  }
0x70: {  	p4 =	sne.s32 s10, $0x0;
	_ =	swait.ge [sflag:s23], $0x3200  }
.Ltmp0:
0x71: {  	[sflag:s23] =	ssyncset.done $0x0;
	(pc) =	sbr.rel @p4 .LBB2_2-.Ltmp0, $4  }
0x72: {  	[sflag:s23] =	ssyncadd.s32 $0xFFFFCE00  }
0x73: {  	[spmem:s2] =	stream.indirect.scatter.add.f32 [tilespmem:s24], [sflag:$0x3], $0x20, s19, s21, $0xb8;
	[tilespmem:$0x1F0E0] =	vst v63  }
0x74: {  	_ =	swait.ge [sflag:s16], $0x3200  }
0x75: {  	s12 =	sadd.s32 s9, s11;
	[sflag:s16] =	ssyncset.done $0x0  }
0x76: {  	s1 =	sadd.s32 $0x186A, s12;
	[sflag:s16] =	ssyncadd.s32 $0xFFFFCE00  }
0x77: {  	[tilespmem:s18], [sflag:$0x3] =	stream.linear.gather [hbm4b:s1+s3], $0x190, $0x38;
	[tilespmem:$0x1F0E0] =	vst v63  }
0x78: {  	_ =	swait.ge [sflag:s16], $0x190  }
0x79: {  	s13 =	rddreg [dreg:$0x4]  }
0x7a: {  	[sflag:s16] =	ssyncset.done $0x0;
	s1 =	sadd.s32 s9, s13  }
0x7b: {  	[sflag:s16] =	ssyncadd.s32 $0xFFFFFE70;
	s4 =	sadd.s32 $0x186A, s1  }
0x7c: {  	[tilespmem:s19], [sflag:$0x3] =	stream.linear.gather [hbm4b:s4+s3], $0x190, $0x38;
	[tilespmem:$0x1F0E0] =	vst v63  }
0x7d: {  	_ =	swait.ge [sflag:s16], $0x190  }
0x7e: {  	[sflag:s16] =	ssyncset.done $0x0  }
0x7f: {  	s7 =	simm.s32 @!p3 $0x1BEE0;
	s4 =	simm.s32 @!p3 $0x18830;
	[sflag:s16] =	ssyncadd.s32 $0xFFFFFE70  }
0x80: {  	[tilespmem:s7], [sflag:$0x2] =	stream.indirect.gather @!p3 [hbm4b:s5+s26], $0x20, s4, s26, $0xb8;
	[tilespmem:$0x1F0E0] =	vst v63  }
0x81: {  	s4 =	simm.s32 @p0 $0x18830;
	s7 =	simm.s32 @p0 $0x1BEE0  }
0x82: {  	[tilespmem:s7], [sflag:$0x2] =	stream.indirect.gather @p0 [hbm4b:s6+s30], $0x20, s4, s30, $0xb8;
	[tilespmem:$0x1F0E0] =	vst v63  }
0x83: {  	_ =	swait.ge [sflag:s20], $0x3200  }
0x84: {  	[sflag:s20] =	ssyncset.done $0x0  }
0x85: {  	[sflag:s20] =	ssyncadd.s32 $0xFFFFCE00  }
0x86: {  	[spmem:s2] =	stream.indirect.scatter.add.f32 [tilespmem:s22], [sflag:$0x3], $0x20, s17, s21, $0xb8;
	[tilespmem:$0x1F0E0] =	vst v63  }
0x87: {  	_ =	swait.ge [sflag:s16], $0x3200  }
0x88: {  	[sflag:s16] =	ssyncset.done $0x0  }
0x89: {  	s14 =	sadd.s32 $0x189C, s12;
	[sflag:s16] =	ssyncadd.s32 $0xFFFFCE00  }
0x8a: {  	[tilespmem:s15], [sflag:$0x3] =	stream.linear.gather [hbm4b:s14+s3], $0x190, $0x38;
	[tilespmem:$0x1F0E0] =	vst v63  }
0x8b: {  	_ =	swait.ge [sflag:s16], $0x190  }
0x8c: {  	[sflag:s16] =	ssyncset.done $0x0  }
0x8d: {  	s1 =	sadd.s32 $0x189C, s1;
	[sflag:s16] =	ssyncadd.s32 $0xFFFFFE70  }
0x8e: {  	[tilespmem:s17], [sflag:$0x3] =	stream.linear.gather [hbm4b:s1+s3], $0x190, $0x38;
	[tilespmem:$0x1F0E0] =	vst v63  }
0x8f: {  	_ =	swait.ge [sflag:s16], $0x190  }
0x90: {  	[sflag:s16] =	ssyncset.done $0x0  }
0x91: {  	[sflag:s16] =	ssyncadd.s32 $0xFFFFFE70  }
0x92: {  	[tilespmem:s29], [sflag:$0x1] =	stream.indirect.gather @!p3 [hbm4b:s5+s26], $0x20, s28, s26, $0xb8;
	[tilespmem:$0x1F0E0] =	vst v63  }
0x93: {  	_ = 	snop  }
0x94: {  	[tilespmem:s0], [sflag:$0x1] =	stream.indirect.gather @p0 [hbm4b:s6+s30], $0x20, s31, s30, $0xb8;
	[tilespmem:$0x1F0E0] =	vst v63  }
0x95: {  	_ =	swait.ge [sflag:s23], $0x3200  }
0x96: {  	[sflag:s23] =	ssyncset.done $0x0  }
0x97: {  	[sflag:s23] =	ssyncadd.s32 $0xFFFFCE00  }
0x98: {  	[spmem:s2] =	stream.indirect.scatter.add.f32 [tilespmem:s24], [sflag:$0x3], $0x20, s19, s21, $0xb8;
	[tilespmem:$0x1F0E0] =	vst v63  }
0x99: {  	_ =	swait.ge [sflag:s16], $0x3200  }
0x9a: {  	[sflag:s16] =	ssyncset.done $0x0  }
0x9b: {  	[sflag:s16] =	ssyncadd.s32 $0xFFFFCE00  }
0x9c: {  	_ =	swait.ge [sflag:s20], $0x3200  }
0x9d: {  	[sflag:s20] =	ssyncset.done $0x0  }
0x9e: {  	[sflag:s20] =	ssyncadd.s32 $0xFFFFCE00  }
0x9f: {  	[spmem:s2] =	stream.indirect.scatter.add.f32 [tilespmem:s22], [sflag:$0x3], $0x20, s17, s21, $0xb8;
	[tilespmem:$0x1F0E0] =	vst v63  }
0xa0: {  	_ =	swait.ge [sflag:s16], $0x3200  }
0xa1: {  	[sflag:s16] =	ssyncset.done $0x0  }
0xa2: {  	[sflag:s16] =	ssyncadd.s32 $0xFFFFCE00  }
0xa3: {  	[bflag:$0x0] =	sbarrier.arrive $0xFFFF  }
0xa4: {  	s0 =	rddreg [dreg:$0x1]  }
0xa5: {  	s4 =	rddreg [dreg:$0x9]  }
0xa6: {  	s7 =	rddreg [dreg:$0xa]  }
0xa7: {  	[hbm:s0], [sflag:s4] =	dma.local @!p2 [spmem:s7], $0x30D40  }
0xa8: {  	s0 =	simm.s32 @!p2 $0x3  }
0xa9: {  	_ =	swait.ge @!p2 [sflag:s0], $0x30D40  }
0xaa: {  	[sflag:s0] =	ssyncset.done @!p2 $0x0;
	s1 =	rddreg [dreg:$0x7]  }
0xab: {  	s8 =	rddreg [dreg:$0xb];
	[sflag:s0] =	ssyncadd.s32 @!p2 $0xFFFCF2C0;
	s0 =	simm.s32 @p1 $0x1C03  }
0xac: {  	[hbm:s1], [sflag:s0] =	dma.local @p1 [spmem:s8], $0x30D40  }
0xad: {  	s0 =	simm.s32 @p1 $0x3  }
0xae: {  	_ =	swait.ge @p1 [sflag:s0], $0x30D40  }
0xaf: {  	s25 =	sadd.s32 $0x1, s25;
	s31 =	rddreg [dreg:$0x8]  }
0xb0: {  	p4 =	sne.s32 s25, s31  }
.Ltmp1:
0xb1: {  	_ = 	snop;
	(pc) =	sbr.rel @p4 .LBB2_1-.Ltmp1, $3  }
0xb2: {  	_ =	sdelay $0x1  }
0xb3: {  	[sflag:s0] =	ssyncset.done @p1 $0x0  }
0xb4: {  	[sflag:s0] =	ssyncadd.s32 @p1 $0xFFFCF2C0  }
0xb5: {  	_ =	sfence.sel $0x180000  }
0xb6: {  	[bflag:$0x0] =	sbarrier.arrive $0xFFFF  }
0xb7: {  	_ =	strace $0x9000004A  }
0xb8: {  	s0 =	stileid.u32;
	[bflag:$0x2] =	sbarrier.arrive $0xFFFF  }
0xb9: {  	p0 =	sne.s32 s0, $0x0;
	s0 =	rddreg [dreg:$0x3]  }
0xba: {  	s0 =	sadd.s32 @!p0 $0x100000, s0  }
0xbb: {  	[sflag:s0] =	ssyncadd.tile.s32 @!p0 $0x1;
	_ =	shalt  }
.Lfunc_end2:
_tile_overlayer_lowered:
.L_overlay_start_2:
0xbc: {  	(tag) =	ssettag $0x2  }
0xbd: {  	s0 =	rddreg [dreg:$0x0];
	s2 =	stileid.u32  }
0xbe: {  	s1 =	rddreg [dreg:$0x1];
	p0 =	sne.s32 s2, $0x0  }
0xbf: {  	s3 =	rddreg [dreg:$0x2];
	[bflag:$0x3] =	sbarrier.arrive $0xFFFF;
	s2 =	simm.s32 @!p0 $0x1C03  }
0xc0: {  	[timem:s3], [sflag:s2] =	dma.local @!p0 [hbm:s0], s1  }
0xc1: {  	s0 =	simm.s32 @!p0 $0x3  }
0xc2: {  	_ =	swait.ge @!p0 [sflag:s0], s1  }
0xc3: {  	s1 =	ssub.s32 @!p0 $0x0, s1;
	[sflag:s0] =	ssyncset.done @!p0 $0x0  }
0xc4: {  	[sflag:s0] =	ssyncadd.s32 @!p0 s1  }
0xc5: {  	[bflag:$0x3] =	sbarrier.arrive $0xFFFF  }
0xc6: {  	_ =	shalt  }

// kernel: kernel.16.cloned.1.call-start
scs
__scs_entry_jumppad:
0x0: {  	(pc) =	sbr.rel $0x88, $3  }
0x1: {  	(tag) =	ssettag $0x0;
	lr =	simm.s32 $0x1  }
0x2: {  	[smem:$0x3F93] =	sst lr;
	_ =	strace $0xD0000000  }
0x3: {  	_ = 	snop  }
0x4: {  	_ = 	snop  }
0x5: {  	_ = 	snop  }
0x6: {  	_ = 	snop  }
0x7: {  	_ = 	snop  }
__scs_overlays_trampoline_lowered:
0x8: {  	[smem:$0x3FA2] =	sst s0  }
0x9: {  	[smem:$0x3FA3] =	sst s1  }
0xa: {  	[smem:$0x3FA4] =	sst s2  }
0xb: {  	[smem:$0x3FA5] =	sst s3  }
0xc: {  	[smem:$0x3FA6] =	sst s4  }
0xd: {  	[smem:$0x3FA7] =	sst s5  }
0xe: {  	[smem:$0x3FA8] =	sst s6  }
0xf: {  	[smem:$0x3FA9] =	sst s7  }
0x10: {  	[smem:$0x3FAA] =	sst s8  }
0x11: {  	[smem:$0x3FAB] =	sst s9;
	s0 =	simm.s32 @!p0 $0x0  }
0x12: {  	s1 =	sld [smem:$0x3F91];
	s0 =	simm.s32 @p0 $0x1  }
0x13: {  	[smem:$0x3FAC] =	sst s0;
	s0 =	simm.s32 @!p1 $0x0  }
0x14: {  	s2 =	sld [smem:$0x3F90];
	s0 =	simm.s32 @p1 $0x1  }
0x15: {  	[smem:$0x3FAD] =	sst s0;
	s0 =	simm.s32 @!p2 $0x0  }
0x16: {  	s3 =	sld [smem:$0x3FDB];
	s0 =	simm.s32 @p2 $0x1  }
0x17: {  	s4 =	simm.s32 $0x1BF5;
	[smem:$0x3FAF] =	sst s0  }
0x18: {  	s0 =	sld [smem:$0x3F92];
	_ =	swait.ge [sflag:s4], $0x0  }
0x19: {  	s7 =	sld [smem:$0x3F93]  }
0x1a: {  	s8 =	sadd.s32 $0xFFFFE003, lr  }
0x1b: {  	s9 =	sadd.s32 $0xFFFFFEF7, lr;
	s5 =	simm.s32 $0xFFFFFFFF;
	p2 =	slt.u32 s8, $0xFFFFF086  }
0x1c: {  	p1 =	slt.u32 s9, $0xF7A;
	s5 =	simm.s32 @!p2 $0x0  }
0x1d: {  	s5 =	simm.s32 @p1 $0x1;
	p0 =	seq.s32 s7, s2  }
0x1e: {  	s7 =	smul.u32 @!p0 $0xF7A, s2;
	p2 =	seq.s32 @!p0 s5, $0x0  }
0x1f: {  	s9 =	smul.u32 $0xF7A, s1;
	s8 =	simm.s32 @!p0 $0x1BF5;
	p2 =	por !p2, p0  }
0x20: {  	[sflag:s8] =	ssyncset.s32 @!p0 $0xFFFFF086;
	s6 =	sadd.s32 @!p0 s3, s7;
	s7 =	simm.s32 @!p0 $0x108  }
0x21: {  	s3 =	sadd.s32 s3, s9;
	s6 =	sadd.s32 @!p0 $0x88, s6;
	s7 =	simm.s32 @p2 $0x1082  }
0x22: {  	[simem:s7], [sflag:s8] =	dma.local @!p0 [hbm:s6], $0xF7A  }
0x23: {  	s9 =	sor.u32 $0xD0000000, s2;
	s6 =	simm.s32 $0x108;
	_ =	swait.ge @!p0 [sflag:s8], $0x0  }
0x24: {  	s3 =	sadd.s32 $0x88, s3;
	s6 =	simm.s32 @!p1 $0x1082;
	[sflag:s4] =	ssyncset.s32 $0xFFFFF086  }
0x25: {  	[simem:s6], [sflag:s4] =	dma.local [hbm:s3], $0xF7A  }
0x26: {  	[smem:$0x3F93] =	sst s1;
	(tag) =	ssettag s2;
	_ =	strace s9  }
0x27: {  	s1 =	sld [smem:$0x3FA3]  }
0x28: {  	s2 =	sld [smem:$0x3FA4]  }
0x29: {  	s4 =	sld [smem:$0x3FA6]  }
0x2a: {  	p0 =	seq.s32 s5, $0x0;
	s5 =	sld [smem:$0x3FA7]  }
0x2b: {  	s6 =	sld [smem:$0x3FA8]  }
0x2c: {  	s7 =	sld [smem:$0x3FA9]  }
0x2d: {  	s3 =	simm.s32 $0x108;
	s8 =	sld [smem:$0x3FAA]  }
0x2e: {  	s3 =	simm.s32 @!p0 $0x1082;
	s9 =	sld [smem:$0x3FAB]  }
0x2f: {  	lr =	sadd.s32 s0, s3;
	s0 =	sld [smem:$0x3FA2]  }
0x30: {  	s3 =	sld [smem:$0x3FA5]  }
0x31: {  	[smem:$0x3FAE] =	sst s10  }
0x32: {  	s10 =	sld [smem:$0x3FAC];
	_ =	sdelay $0x3  }
0x33: {  	p0 =	seq.s32 s10, $0x1;
	s10 =	sld [smem:$0x3FAE];
	_ =	sdelay $0x3  }
0x34: {  	[smem:$0x3FAE] =	sst s10  }
0x35: {  	s10 =	sld [smem:$0x3FAD];
	_ =	sdelay $0x3  }
0x36: {  	p1 =	seq.s32 s10, $0x1;
	s10 =	sld [smem:$0x3FAE];
	_ =	sdelay $0x3  }
0x37: {  	[smem:$0x3FAE] =	sst s10  }
0x38: {  	s10 =	sld [smem:$0x3FAF]  }
0x39: {  	_ = 	snop;
	(pc) =	sbr.ind lr, $3  }
0x3a: {  	_ = 	snop  }
0x3b: {  	_ = 	snop  }
0x3c: {  	p2 =	seq.s32 s10, $0x1;
	s10 =	sld [smem:$0x3FAE]  }
0x3d: {  	_ =	shalt  }
0x3e: {  	_ =	shalt  }
0x3f: {  	_ =	shalt  }
0x40: {  	_ =	shalt  }
0x41: {  	_ =	shalt  }
0x42: {  	_ =	shalt  }
0x43: {  	_ =	shalt  }
0x44: {  	_ =	shalt  }
0x45: {  	_ =	shalt  }
0x46: {  	_ =	shalt  }
0x47: {  	_ =	shalt  }
0x48: {  	_ =	shalt  }
0x49: {  	_ =	shalt  }
0x4a: {  	_ =	shalt  }
0x4b: {  	_ =	shalt  }
0x4c: {  	_ =	shalt  }
0x4d: {  	_ =	shalt  }
0x4e: {  	_ =	shalt  }
0x4f: {  	_ =	shalt  }
0x50: {  	_ =	shalt  }
0x51: {  	_ =	shalt  }
0x52: {  	_ =	shalt  }
0x53: {  	_ =	shalt  }
0x54: {  	_ =	shalt  }
0x55: {  	_ =	shalt  }
0x56: {  	_ =	shalt  }
0x57: {  	_ =	shalt  }
0x58: {  	_ =	shalt  }
0x59: {  	_ =	shalt  }
0x5a: {  	_ =	shalt  }
0x5b: {  	_ =	shalt  }
0x5c: {  	_ =	shalt  }
0x5d: {  	_ =	shalt  }
0x5e: {  	_ =	shalt  }
0x5f: {  	_ =	shalt  }
0x60: {  	_ =	shalt  }
0x61: {  	_ =	shalt  }
0x62: {  	_ =	shalt  }
0x63: {  	_ =	shalt  }
0x64: {  	_ =	shalt  }
0x65: {  	_ =	shalt  }
0x66: {  	_ =	shalt  }
0x67: {  	_ =	shalt  }
0x68: {  	_ =	shalt  }
0x69: {  	_ =	shalt  }
0x6a: {  	_ =	shalt  }
0x6b: {  	_ =	shalt  }
0x6c: {  	_ =	shalt  }
0x6d: {  	_ =	shalt  }
0x6e: {  	_ =	shalt  }
0x6f: {  	_ =	shalt  }
0x70: {  	_ =	shalt  }
0x71: {  	_ =	shalt  }
0x72: {  	_ =	shalt  }
0x73: {  	_ =	shalt  }
0x74: {  	_ =	shalt  }
0x75: {  	_ =	shalt  }
0x76: {  	_ =	shalt  }
0x77: {  	_ =	shalt  }
0x78: {  	_ =	shalt  }
0x79: {  	_ =	shalt  }
0x7a: {  	_ =	shalt  }
0x7b: {  	_ =	shalt  }
0x7c: {  	_ =	shalt  }
0x7d: {  	_ =	shalt  }
0x7e: {  	_ =	shalt  }
0x7f: {  	_ =	shalt  }
0x80: {  	_ =	shalt  }
0x81: {  	_ =	shalt  }
0x82: {  	_ =	shalt  }
0x83: {  	_ =	shalt  }
0x84: {  	_ =	shalt  }
0x85: {  	_ =	shalt  }
0x86: {  	_ =	shalt  }
0x87: {  	_ =	shalt  }
.Lfunc_end0:
.L_simem_size_0:
called_computation.2_lowered:
.L_overlay_start_0:
0x88: {  	s2 =	sld [smem:$0x3FD9]  }
0x89: {  	s3 =	sld [smem:$0x3FFE];
	_ =	sdelay $0x1  }
0x8a: {  	s1 =	srdreg.scid  }
0x8b: {  	s0 =	sand.u32 $0x1, s1  }
0x8c: {  	s17 =	sshll.u32 s0, $0xA;
	s2 =	sadd.s32 s3, s2  }
0x8d: {  	s2 =	sadd.s32 s2, s17  }
0x8e: {  	[smem:$0x3FBA] =	sst s2  }
0x8f: {  	_ = 	snop  }
0x90: {  	s2 =	sld [smem:$0x3FD0];
	(tm) =	ssettm $0x1  }
0x91: {  	s18 =	sld [smem:$0x3FFB];
	_ =	sdelay $0x3  }
0x92: {  	_ =	strace s18  }
0x93: {  	s3 =	sld [smem:$0x3FFC];
	_ =	sdelay $0x3  }
0x94: {  	_ =	strace s3  }
0x95: {  	s3 =	sld [smem:$0x3FFD];
	_ =	sdelay $0x3  }
0x96: {  	_ =	strace s3  }
0x97: {  	_ =	strace $0x8FFFFFFF  }
0x98: {  	s19 =	sld [smem:$0x3FDB];
	_ =	sdelay $0x1  }
0x99: {  	s4 =	simm.s32 $_scs_section_size  }
0x9a: {  	s5 =	simm.s32 $_size__tile_overlayer_lowered;
	s6 =	simm.s32 $_tile_overlayer_lowered  }
0x9b: {  	s22 =	simm.s32 $0x1BFF;
	s21 =	sshll.u32 s6, $0x1;
	s3 =	sadd.s32 s4, s19  }
0x9c: {  	s7 =	simm.s32 $0x0;
	s20 =	sshll.u32 s5, $0x1;
	s5 =	sadd.s32 s21, s3  }
0x9d: {  	[timem:s7], [sflag:s22] =	dma.local [hbm:s5], s20  }
0x9e: {  	_ =	swait.ge [sflag:s22], s20  }
0x9f: {  	s4 =	ssub.s32 $0x0, s20;
	[sflag:s22] =	ssyncset.done $0x0  }
0xa0: {  	[sflag:s22] =	ssyncadd.s32 s4;
	_ =	sdelay $0x1  }
0xa1: {  	s23 =	simm.s32 $0x1B8B  }
0xa2: {  	_ =	swait.ge [sflag:s23], $0x1  }
0xa3: {  	[sflag:s23] =	ssyncset.done $0x0  }
0xa4: {  	s25 =	simm.s32 $0x1B8E;
	s24 =	sld [smem:$0x3FFE];
	[sflag:s23] =	ssyncadd.s32 $0xFFFFFFFF  }
0xa5: {  	s26 =	simm.s32 $execute0_lowered;
	[smem:$0x3FD2] =	sst s25  }
0xa6: {  	s5 =	sshll.u32 s26, $0x1;
	_ =	strace $0x8000004C;
	[dreg:$0x1] =	wrdreg $0xFFFFFFFF  }
0xa7: {  	s28 =	simm.s32 $_size_execute0_lowered;
	s3 =	sadd.s32 s3, s5;
	[dreg:$0x0] =	wrdreg $0x0  }
0xa8: {  	s5 =	sshll.u32 s28, $0x1;
	[dreg:$0x2] =	wrdreg s3  }
0xa9: {  	[dreg:$0x3] =	wrdreg s5  }
0xaa: {  	[dreg:$0x4] =	wrdreg $0xC0  }
0xab: {  	_ =	task [dreg:s7], $0x5FFFF  }
0xac: {  	[dreg:$0x1] =	wrdreg $0xFFFFFFFF  }
0xad: {  	[dreg:$0x0] =	wrdreg $0x60  }
0xae: {  	[dreg:$0x2] =	wrdreg s24  }
0xaf: {  	[dreg:$0x3] =	wrdreg s2  }
0xb0: {  	[dreg:$0x4] =	wrdreg $0x0  }
0xb1: {  	[dreg:$0x5] =	wrdreg $0x9  }
0xb2: {  	_ =	task.clear_ibuf [dreg:s7], $0x6FFFF;
	_ =	strace $0x9000004C  }
0xb3: {  	s29 =	simm.s32 $0x9;
	_ =	strace $0x8000004E  }
0xb4: {  	_ =	swait.ge [sflag:s29], $0x1  }
0xb5: {  	[sflag:s29] =	ssyncadd.s32 $0xFFFFFFFF  }
0xb6: {  	_ =	strace $0x9000004E  }
0xb7: {  	_ =	sfence  }
0xb8: {  	s30 =	sld [smem:$0x0];
	_ =	sdelay $0x2  }
0xb9: {  	s31 =	sshll.u32 s1, $0xD;
	s1 =	sshrl.u32 s1, $0x2  }
0xba: {  	s3 =	sand.u32 $0x4000, s31;
	s1 =	sadd.s32 s1, s30  }
0xbb: {  	s0 =	sor.u32 s3, s0;
	s1 =	sshll.u32 s1, $0x11  }
0xbc: {  	s0 =	sor.u32 s1, s0  }
0xbd: {  	s0 =	sadd.s32 $0x8F2B, s0  }
0xbe: {  	[sflag:s0] =	ssyncadd.remote.s32 $0x1  }
0xbf: {  	_ =	sfence.sel $0xFFFF  }
0xc0: {  	[dreg:$0x0] =	wrdreg $0xFFFFFFFF;
	(pc) =	sbr.abs _section_cstart, $3  }
0xc1: {  	[dreg:$0x1] =	wrdreg $0xFFFFFFFF  }
0xc2: {  	_ =	task.clear_ibuf [dreg:s7], $0x2FFFF;
	_ =	strace $0x9FFFFFFF  }
0xc3: {  	(tm) =	ssettm $0x7FFFFFFF  }
tec
execute0_lowered:
.L_overlay_start_1:
0x0: {  	(tag) =	ssettag $0x1  }
0x1: {  	s0 =	rddreg [dreg:$0x0]  }
0x2: {  	s11 =	rddreg [dreg:$0x1]  }
0x3: {  	s2 =	rddreg [dreg:$0x2];
	s3 =	simm.s32 $0x0  }
0x4: {  	s1 =	srdreg.scid;
	s12 =	stileid.u32;
	s15 =	simm.s32 $0x186A0  }
0x5: {  	s16 =	simm.s32 $0x3;
	s17 =	simm.s32 $0x189C0;
	s18 =	simm.s32 $0x18830  }
0x6: {  	s19 =	simm.s32 $0x18B50;
	s20 =	simm.s32 $0x1;
	s21 =	simm.s32 $0x190  }
0x7: {  	s22 =	simm.s32 $0x18CE0;
	s23 =	simm.s32 $0x2;
	s24 =	simm.s32 $0x1BEE0  }
0x8: {  	[smem:$0x7FF] =	sst s3;
	s4 =	sadd.s32 $0x1E600, s0;
	s1 =	sand.u32 $0x1, s1  }
0x9: {  	s7 =	sadd.s32 $0x5E00, s0;
	s5 =	sadd.s32 $0x1BDA00, s0;
	s9 =	smul.u32 $0xC350, s12  }
0xa: {  	s6 =	sadd.s32 $0x36E00, s0;
	p1 =	seq.s32 s12, $0x0;
	s10 =	smul.u32 $0x186A, s12  }
0xb: {  	s30 =	sadd.s32 $0x30D40, s11;
	_ =	strace $0x8000004D;
	s8 =	ssub.s32 $0x2, s1  }
0xc: {  	p0 =	seq.s32 s1, $0x1;
	s29 =	sor.u32 s1, s12;
	[dreg:$0x7] =	wrdreg s30  }
0xd: {  	s28 =	sshrl.u32 s8, $0x1;
	s9 =	sshrl.u32 s9, $0x3;
	s31 =	sadd.s32 s10, s7  }
0xe: {  	p1 =	por !p1, !p0;
	s13 =	sadd.s32 s4, s9;
	[dreg:$0x4] =	wrdreg s31  }
0xf: {  	p2 =	sne.s32 s29, $0x0;
	s9 =	sadd.s32 s7, s9;
	[dreg:$0x5] =	wrdreg s13  }
0x10: {  	s0 =	ssub.s32 s8, s28;
	s7 =	sshrl.u32 @!p2 s2, $0x3;
	[dreg:$0x6] =	wrdreg s9  }
0x11: {  	p1 =	por !p1, !p1;
	s0 =	smax.u32 s0, $0x1;
	[dreg:$0xa] =	wrdreg s7  }
0x12: {  	s8 =	sshrl.u32 @p1 s2, $0x3;
	[dreg:$0x8] =	wrdreg s0;
	s0 =	sshll.u32 @!p2 s12, $0x6  }
0x13: {  	s11 =	sadd.s32 s10, s4;
	[dreg:$0xb] =	wrdreg s8;
	s4 =	sor.u32 @!p2 $0x1C03, s0  }
0x14: {  	s25 =	simm.s32 $0x0;
	p3 =	sne.s32 s1, $0x0;
	[dreg:$0x9] =	wrdreg s4  }
.LBB2_1:
0x15: {  	[spmem:s7], [sflag:s4] =	dma.local @!p2 [hbm:s5], $0x30D40  }
0x16: {  	s0 =	simm.s32 @!p2 $0x3  }
0x17: {  	_ =	swait.ge @!p2 [sflag:s0], $0x30D40  }
0x18: {  	[sflag:s0] =	ssyncset.done @!p2 $0x0  }
0x19: {  	[sflag:s0] =	ssyncadd.s32 @!p2 $0xFFFCF2C0;
	s0 =	simm.s32 @p1 $0x1C03  }
0x1a: {  	[spmem:s8], [sflag:s0] =	dma.local @p1 [hbm:s6], $0x30D40  }
0x1b: {  	s0 =	simm.s32 @p1 $0x3  }
0x1c: {  	_ =	swait.ge @p1 [sflag:s0], $0x30D40  }
0x1d: {  	[sflag:s0] =	ssyncset.done @p1 $0x0  }
0x1e: {  	[sflag:s0] =	ssyncadd.s32 @p1 $0xFFFCF2C0  }
0x1f: {  	[bflag:$0x0] =	sbarrier.arrive $0xFFFF  }
0x20: {  	s10 =	rddreg [dreg:$0x5]  }
0x21: {  	[tilespmem:s15], [sflag:$0x3] =	stream.linear.gather [hbm4b:s10+s3], $0x190, $0x38;
	[tilespmem:$0x1F0E0] =	vst v63  }
0x22: {  	_ =	swait.ge [sflag:s16], $0x190  }
0x23: {  	[sflag:s16] =	ssyncset.done $0x0  }
0x24: {  	s12 =	rddreg [dreg:$0x6];
	[sflag:s16] =	ssyncadd.s32 $0xFFFFFE70  }
0x25: {  	[tilespmem:s17], [sflag:$0x3] =	stream.linear.gather [hbm4b:s12+s3], $0x190, $0x38;
	[tilespmem:$0x1F0E0] =	vst v63  }
0x26: {  	_ =	swait.ge [sflag:s16], $0x190  }
0x27: {  	s26 =	simm.s32 @!p3 $0x190;
	s28 =	simm.s32 @!p3 $0x186A0;
	[sflag:s16] =	ssyncset.done $0x0  }
0x28: {  	s29 =	simm.s32 @!p3 $0x18CE0;
	s30 =	simm.s32 @p0 $0x190;
	[sflag:s16] =	ssyncadd.s32 $0xFFFFFE70  }
0x29: {  	[tilespmem:s29], [sflag:$0x1] =	stream.indirect.gather @!p3 [hbm4b:s5+s26], $0x20, s28, s26, $0xb8;
	[tilespmem:$0x1F0E0] =	vst v63  }
0x2a: {  	s31 =	simm.s32 @p0 $0x186A0;
	s9 =	sadd.s32 $0xFFFFE7C8, s11;
	s0 =	simm.s32 @p0 $0x18CE0  }
0x2b: {  	[tilespmem:s0], [sflag:$0x1] =	stream.indirect.gather @p0 [hbm4b:s6+s30], $0x20, s31, s30, $0xb8;
	[tilespmem:$0x1F0E0] =	vst v63  }
0x2c: {  	s1 =	sadd.s32 $0x186A, s9  }
0x2d: {  	[tilespmem:s18], [sflag:$0x3] =	stream.linear.gather [hbm4b:s1+s3], $0x190, $0x38;
	[tilespmem:$0x1F0E0] =	vst v63  }
0x2e: {  	_ =	swait.ge [sflag:s16], $0x190  }
0x2f: {  	s13 =	rddreg [dreg:$0x4]  }
0x30: {  	[sflag:s16] =	ssyncset.done $0x0;
	s10 =	sadd.s32 $0xFFFFE7C8, s13  }
0x31: {  	[sflag:s16] =	ssyncadd.s32 $0xFFFFFE70;
	s1 =	sadd.s32 $0x186A, s10  }
0x32: {  	[tilespmem:s19], [sflag:$0x3] =	stream.linear.gather [hbm4b:s1+s3], $0x190, $0x38;
	[tilespmem:$0x1F0E0] =	vst v63  }
0x33: {  	_ =	swait.ge [sflag:s16], $0x190  }
0x34: {  	[sflag:s16] =	ssyncset.done $0x0  }
0x35: {  	s4 =	simm.s32 @!p3 $0x18830;
	s1 =	simm.s32 @!p3 $0x1BEE0;
	[sflag:s16] =	ssyncadd.s32 $0xFFFFFE70  }
0x36: {  	[tilespmem:s1], [sflag:$0x2] =	stream.indirect.gather @!p3 [hbm4b:s5+s26], $0x20, s4, s26, $0xb8;
	[tilespmem:$0x1F0E0] =	vst v63  }
0x37: {  	s7 =	simm.s32 @p0 $0x18830;
	s8 =	simm.s32 @p0 $0x1BEE0  }
0x38: {  	[tilespmem:s8], [sflag:$0x2] =	stream.indirect.gather @p0 [hbm4b:s6+s30], $0x20, s7, s30, $0xb8;
	[tilespmem:$0x1F0E0] =	vst v63  }
0x39: {  	_ =	swait.ge [sflag:s20], $0x3200  }
0x3a: {  	[sflag:s20] =	ssyncset.done $0x0  }
0x3b: {  	[sflag:s20] =	ssyncadd.s32 $0xFFFFCE00  }
0x3c: {  	[spmem:s2] =	stream.indirect.scatter.add.f32 [tilespmem:s22], [sflag:$0x3], $0x20, s17, s21, $0xb8;
	[tilespmem:$0x1F0E0] =	vst v63  }
0x3d: {  	_ =	swait.ge [sflag:s16], $0x3200  }
0x3e: {  	[sflag:s16] =	ssyncset.done $0x0  }
0x3f: {  	s9 =	sadd.s32 $0x189C, s9;
	[sflag:s16] =	ssyncadd.s32 $0xFFFFCE00  }
0x40: {  	[tilespmem:s15], [sflag:$0x3] =	stream.linear.gather [hbm4b:s9+s3], $0x190, $0x38;
	[tilespmem:$0x1F0E0] =	vst v63  }
0x41: {  	_ =	swait.ge [sflag:s16], $0x190  }
0x42: {  	[sflag:s16] =	ssyncset.done $0x0  }
0x43: {  	s14 =	sadd.s32 $0x189C, s10;
	[sflag:s16] =	ssyncadd.s32 $0xFFFFFE70  }
0x44: {  	[tilespmem:s17], [sflag:$0x3] =	stream.linear.gather [hbm4b:s14+s3], $0x190, $0x38;
	[tilespmem:$0x1F0E0] =	vst v63  }
0x45: {  	_ =	swait.ge [sflag:s16], $0x190  }
0x46: {  	[sflag:s16] =	ssyncset.done $0x0  }
0x47: {  	[sflag:s16] =	ssyncadd.s32 $0xFFFFFE70  }
0x48: {  	[tilespmem:s29], [sflag:$0x1] =	stream.indirect.gather @!p3 [hbm4b:s5+s26], $0x20, s28, s26, $0xb8;
	[tilespmem:$0x1F0E0] =	vst v63  }
0x49: {  	_ = 	snop  }
0x4a: {  	[tilespmem:s0], [sflag:$0x1] =	stream.indirect.gather @p0 [hbm4b:s6+s30], $0x20, s31, s30, $0xb8;
	[tilespmem:$0x1F0E0] =	vst v63  }
0x4b: {  	_ =	swait.ge [sflag:s23], $0x3200  }
0x4c: {  	[sflag:s23] =	ssyncset.done $0x0  }
0x4d: {  	[sflag:s23] =	ssyncadd.s32 $0xFFFFCE00  }
0x4e: {  	[spmem:s2] =	stream.indirect.scatter.add.f32 [tilespmem:s24], [sflag:$0x3], $0x20, s19, s21, $0xb8;
	[tilespmem:$0x1F0E0] =	vst v63  }
0x4f: {  	s12 =	sadd.s32 $0xFFFFE82C, s11;
	_ =	swait.ge [sflag:s16], $0x3200  }
0x50: {  	s10 =	simm.s32 $0xFFFFE890;
	s9 =	simm.s32 $0xFFFFE82C;
	[sflag:s16] =	ssyncset.done $0x0  }
.LBB2_2:
0x51: {  	s13 =	sadd.s32 $0x186A, s12;
	[sflag:s16] =	ssyncadd.s32 $0xFFFFCE00  }
0x52: {  	[tilespmem:s18], [sflag:$0x3] =	stream.linear.gather [hbm4b:s13+s3], $0x190, $0x38;
	[tilespmem:$0x1F0E0] =	vst v63  }
0x53: {  	_ =	swait.ge [sflag:s16], $0x190  }
0x54: {  	s13 =	rddreg [dreg:$0x4]  }
0x55: {  	s14 =	smov.u32 s10;
	[sflag:s16] =	ssyncset.done $0x0;
	s13 =	sadd.s32 s9, s13  }
0x56: {  	s9 =	smov.u32 s14;
	[sflag:s16] =	ssyncadd.s32 $0xFFFFFE70;
	s14 =	sadd.s32 $0x186A, s13  }
0x57: {  	[tilespmem:s19], [sflag:$0x3] =	stream.linear.gather [hbm4b:s14+s3], $0x190, $0x38;
	[tilespmem:$0x1F0E0] =	vst v63  }
0x58: {  	_ =	swait.ge [sflag:s16], $0x190  }
0x59: {  	[sflag:s16] =	ssyncset.done $0x0  }
0x5a: {  	[sflag:s16] =	ssyncadd.s32 $0xFFFFFE70  }
0x5b: {  	[tilespmem:s1], [sflag:$0x2] =	stream.indirect.gather @!p3 [hbm4b:s5+s26], $0x20, s4, s26, $0xb8;
	[tilespmem:$0x1F0E0] =	vst v63  }
0x5c: {  	_ = 	snop  }
0x5d: {  	[tilespmem:s8], [sflag:$0x2] =	stream.indirect.gather @p0 [hbm4b:s6+s30], $0x20, s7, s30, $0xb8;
	[tilespmem:$0x1F0E0] =	vst v63  }
0x5e: {  	_ =	swait.ge [sflag:s20], $0x3200  }
0x5f: {  	[sflag:s20] =	ssyncset.done $0x0  }
0x60: {  	[sflag:s20] =	ssyncadd.s32 $0xFFFFCE00  }
0x61: {  	[spmem:s2] =	stream.indirect.scatter.add.f32 [tilespmem:s22], [sflag:$0x3], $0x20, s17, s21, $0xb8;
	[tilespmem:$0x1F0E0] =	vst v63  }
0x62: {  	_ =	swait.ge [sflag:s16], $0x3200  }
0x63: {  	[sflag:s16] =	ssyncset.done $0x0  }
0x64: {  	s14 =	sadd.s32 $0x189C, s12;
	[sflag:s16] =	ssyncadd.s32 $0xFFFFCE00  }
0x65: {  	[tilespmem:s15], [sflag:$0x3] =	stream.linear.gather [hbm4b:s14+s3], $0x190, $0x38;
	[tilespmem:$0x1F0E0] =	vst v63  }
0x66: {  	_ =	swait.ge [sflag:s16], $0x190  }
0x67: {  	[sflag:s16] =	ssyncset.done $0x0  }
0x68: {  	s14 =	sadd.s32 $0x189C, s13;
	[sflag:s16] =	ssyncadd.s32 $0xFFFFFE70  }
0x69: {  	[tilespmem:s17], [sflag:$0x3] =	stream.linear.gather [hbm4b:s14+s3], $0x190, $0x38;
	[tilespmem:$0x1F0E0] =	vst v63  }
0x6a: {  	_ =	swait.ge [sflag:s16], $0x190  }
0x6b: {  	[sflag:s16] =	ssyncset.done $0x0  }
0x6c: {  	[sflag:s16] =	ssyncadd.s32 $0xFFFFFE70  }
0x6d: {  	[tilespmem:s29], [sflag:$0x1] =	stream.indirect.gather @!p3 [hbm4b:s5+s26], $0x20, s28, s26, $0xb8;
	[tilespmem:$0x1F0E0] =	vst v63  }
0x6e: {  	s10 =	sadd.s32 $0x64, s10  }
0x6f: {  	[tilespmem:s0], [sflag:$0x1] =	stream.indirect.gather @p0 [hbm4b:s6+s30], $0x20, s31, s30, $0xb8;
	[tilespmem:$0x1F0E0] =	vst v63  }
0x70: {  	p4 =	sne.s32 s10, $0x0;
	_ =	swait.ge [sflag:s23], $0x3200  }
.Ltmp0:
0x71: {  	[sflag:s23] =	ssyncset.done $0x0;
	(pc) =	sbr.rel @p4 .LBB2_2-.Ltmp0, $4  }
0x72: {  	[sflag:s23] =	ssyncadd.s32 $0xFFFFCE00  }
0x73: {  	[spmem:s2] =	stream.indirect.scatter.add.f32 [tilespmem:s24], [sflag:$0x3], $0x20, s19, s21, $0xb8;
	[tilespmem:$0x1F0E0] =	vst v63  }
0x74: {  	_ =	swait.ge [sflag:s16], $0x3200  }
0x75: {  	s12 =	sadd.s32 s9, s11;
	[sflag:s16] =	ssyncset.done $0x0  }
0x76: {  	s1 =	sadd.s32 $0x186A, s12;
	[sflag:s16] =	ssyncadd.s32 $0xFFFFCE00  }
0x77: {  	[tilespmem:s18], [sflag:$0x3] =	stream.linear.gather [hbm4b:s1+s3], $0x190, $0x38;
	[tilespmem:$0x1F0E0] =	vst v63  }
0x78: {  	_ =	swait.ge [sflag:s16], $0x190  }
0x79: {  	s13 =	rddreg [dreg:$0x4]  }
0x7a: {  	[sflag:s16] =	ssyncset.done $0x0;
	s1 =	sadd.s32 s9, s13  }
0x7b: {  	[sflag:s16] =	ssyncadd.s32 $0xFFFFFE70;
	s4 =	sadd.s32 $0x186A, s1  }
0x7c: {  	[tilespmem:s19], [sflag:$0x3] =	stream.linear.gather [hbm4b:s4+s3], $0x190, $0x38;
	[tilespmem:$0x1F0E0] =	vst v63  }
0x7d: {  	_ =	swait.ge [sflag:s16], $0x190  }
0x7e: {  	[sflag:s16] =	ssyncset.done $0x0  }
0x7f: {  	s7 =	simm.s32 @!p3 $0x1BEE0;
	s4 =	simm.s32 @!p3 $0x18830;
	[sflag:s16] =	ssyncadd.s32 $0xFFFFFE70  }
0x80: {  	[tilespmem:s7], [sflag:$0x2] =	stream.indirect.gather @!p3 [hbm4b:s5+s26], $0x20, s4, s26, $0xb8;
	[tilespmem:$0x1F0E0] =	vst v63  }
0x81: {  	s4 =	simm.s32 @p0 $0x18830;
	s7 =	simm.s32 @p0 $0x1BEE0  }
0x82: {  	[tilespmem:s7], [sflag:$0x2] =	stream.indirect.gather @p0 [hbm4b:s6+s30], $0x20, s4, s30, $0xb8;
	[tilespmem:$0x1F0E0] =	vst v63  }
0x83: {  	_ =	swait.ge [sflag:s20], $0x3200  }
0x84: {  	[sflag:s20] =	ssyncset.done $0x0  }
0x85: {  	[sflag:s20] =	ssyncadd.s32 $0xFFFFCE00  }
0x86: {  	[spmem:s2] =	stream.indirect.scatter.add.f32 [tilespmem:s22], [sflag:$0x3], $0x20, s17, s21, $0xb8;
	[tilespmem:$0x1F0E0] =	vst v63  }
0x87: {  	_ =	swait.ge [sflag:s16], $0x3200  }
0x88: {  	[sflag:s16] =	ssyncset.done $0x0  }
0x89: {  	s14 =	sadd.s32 $0x189C, s12;
	[sflag:s16] =	ssyncadd.s32 $0xFFFFCE00  }
0x8a: {  	[tilespmem:s15], [sflag:$0x3] =	stream.linear.gather [hbm4b:s14+s3], $0x190, $0x38;
	[tilespmem:$0x1F0E0] =	vst v63  }
0x8b: {  	_ =	swait.ge [sflag:s16], $0x190  }
0x8c: {  	[sflag:s16] =	ssyncset.done $0x0  }
0x8d: {  	s1 =	sadd.s32 $0x189C, s1;
	[sflag:s16] =	ssyncadd.s32 $0xFFFFFE70  }
0x8e: {  	[tilespmem:s17], [sflag:$0x3] =	stream.linear.gather [hbm4b:s1+s3], $0x190, $0x38;
	[tilespmem:$0x1F0E0] =	vst v63  }
0x8f: {  	_ =	swait.ge [sflag:s16], $0x190  }
0x90: {  	[sflag:s16] =	ssyncset.done $0x0  }
0x91: {  	[sflag:s16] =	ssyncadd.s32 $0xFFFFFE70  }
0x92: {  	[tilespmem:s29], [sflag:$0x1] =	stream.indirect.gather @!p3 [hbm4b:s5+s26], $0x20, s28, s26, $0xb8;
	[tilespmem:$0x1F0E0] =	vst v63  }
0x93: {  	_ = 	snop  }
0x94: {  	[tilespmem:s0], [sflag:$0x1] =	stream.indirect.gather @p0 [hbm4b:s6+s30], $0x20, s31, s30, $0xb8;
	[tilespmem:$0x1F0E0] =	vst v63  }
0x95: {  	_ =	swait.ge [sflag:s23], $0x3200  }
0x96: {  	[sflag:s23] =	ssyncset.done $0x0  }
0x97: {  	[sflag:s23] =	ssyncadd.s32 $0xFFFFCE00  }
0x98: {  	[spmem:s2] =	stream.indirect.scatter.add.f32 [tilespmem:s24], [sflag:$0x3], $0x20, s19, s21, $0xb8;
	[tilespmem:$0x1F0E0] =	vst v63  }
0x99: {  	_ =	swait.ge [sflag:s16], $0x3200  }
0x9a: {  	[sflag:s16] =	ssyncset.done $0x0  }
0x9b: {  	[sflag:s16] =	ssyncadd.s32 $0xFFFFCE00  }
0x9c: {  	_ =	swait.ge [sflag:s20], $0x3200  }
0x9d: {  	[sflag:s20] =	ssyncset.done $0x0  }
0x9e: {  	[sflag:s20] =	ssyncadd.s32 $0xFFFFCE00  }
0x9f: {  	[spmem:s2] =	stream.indirect.scatter.add.f32 [tilespmem:s22], [sflag:$0x3], $0x20, s17, s21, $0xb8;
	[tilespmem:$0x1F0E0] =	vst v63  }
0xa0: {  	_ =	swait.ge [sflag:s16], $0x3200  }
0xa1: {  	[sflag:s16] =	ssyncset.done $0x0  }
0xa2: {  	[sflag:s16] =	ssyncadd.s32 $0xFFFFCE00  }
0xa3: {  	[bflag:$0x0] =	sbarrier.arrive $0xFFFF  }
0xa4: {  	s0 =	rddreg [dreg:$0x1]  }
0xa5: {  	s4 =	rddreg [dreg:$0x9]  }
0xa6: {  	s7 =	rddreg [dreg:$0xa]  }
0xa7: {  	[hbm:s0], [sflag:s4] =	dma.local @!p2 [spmem:s7], $0x30D40  }
0xa8: {  	s0 =	simm.s32 @!p2 $0x3  }
0xa9: {  	_ =	swait.ge @!p2 [sflag:s0], $0x30D40  }
0xaa: {  	[sflag:s0] =	ssyncset.done @!p2 $0x0;
	s1 =	rddreg [dreg:$0x7]  }
0xab: {  	s8 =	rddreg [dreg:$0xb];
	[sflag:s0] =	ssyncadd.s32 @!p2 $0xFFFCF2C0;
	s0 =	simm.s32 @p1 $0x1C03  }
0xac: {  	[hbm:s1], [sflag:s0] =	dma.local @p1 [spmem:s8], $0x30D40  }
0xad: {  	s0 =	simm.s32 @p1 $0x3  }
0xae: {  	_ =	swait.ge @p1 [sflag:s0], $0x30D40  }
0xaf: {  	s25 =	sadd.s32 $0x1, s25;
	s31 =	rddreg [dreg:$0x8]  }
0xb0: {  	p4 =	sne.s32 s25, s31  }
.Ltmp1:
0xb1: {  	_ = 	snop;
	(pc) =	sbr.rel @p4 .LBB2_1-.Ltmp1, $3  }
0xb2: {  	_ =	sdelay $0x1  }
0xb3: {  	[sflag:s0] =	ssyncset.done @p1 $0x0  }
0xb4: {  	[sflag:s0] =	ssyncadd.s32 @p1 $0xFFFCF2C0  }
0xb5: {  	_ =	sfence.sel $0x180000  }
0xb6: {  	[bflag:$0x0] =	sbarrier.arrive $0xFFFF  }
0xb7: {  	_ =	strace $0x9000004D  }
0xb8: {  	s0 =	stileid.u32;
	[bflag:$0x2] =	sbarrier.arrive $0xFFFF  }
0xb9: {  	p0 =	sne.s32 s0, $0x0;
	s0 =	rddreg [dreg:$0x3]  }
0xba: {  	s0 =	sadd.s32 @!p0 $0x100000, s0  }
0xbb: {  	[sflag:s0] =	ssyncadd.tile.s32 @!p0 $0x1;
	_ =	shalt  }
.Lfunc_end2:
_tile_overlayer_lowered:
.L_overlay_start_2:
0xbc: {  	(tag) =	ssettag $0x2  }
0xbd: {  	s0 =	rddreg [dreg:$0x0];
	s2 =	stileid.u32  }
0xbe: {  	s1 =	rddreg [dreg:$0x1];
	p0 =	sne.s32 s2, $0x0  }
0xbf: {  	s3 =	rddreg [dreg:$0x2];
	[bflag:$0x3] =	sbarrier.arrive $0xFFFF;
	s2 =	simm.s32 @!p0 $0x1C03  }
0xc0: {  	[timem:s3], [sflag:s2] =	dma.local @!p0 [hbm:s0], s1  }
0xc1: {  	s0 =	simm.s32 @!p0 $0x3  }
0xc2: {  	_ =	swait.ge @!p0 [sflag:s0], s1  }
0xc3: {  	s1 =	ssub.s32 @!p0 $0x0, s1;
	[sflag:s0] =	ssyncset.done @!p0 $0x0  }
0xc4: {  	[sflag:s0] =	ssyncadd.s32 @!p0 s1  }
0xc5: {  	[bflag:$0x3] =	sbarrier.arrive $0xFFFF  }
0xc6: {  	_ =	shalt  }

// kernel: kernel.19.cloned.1.call-start
scs
__scs_entry_jumppad:
0x0: {  	(pc) =	sbr.rel $0x88, $3  }
0x1: {  	(tag) =	ssettag $0x0;
	lr =	simm.s32 $0x1  }
0x2: {  	[smem:$0x3F93] =	sst lr;
	_ =	strace $0xD0000000  }
0x3: {  	_ = 	snop  }
0x4: {  	_ = 	snop  }
0x5: {  	_ = 	snop  }
0x6: {  	_ = 	snop  }
0x7: {  	_ = 	snop  }
__scs_overlays_trampoline_lowered:
0x8: {  	[smem:$0x3FA2] =	sst s0  }
0x9: {  	[smem:$0x3FA3] =	sst s1  }
0xa: {  	[smem:$0x3FA4] =	sst s2  }
0xb: {  	[smem:$0x3FA5] =	sst s3  }
0xc: {  	[smem:$0x3FA6] =	sst s4  }
0xd: {  	[smem:$0x3FA7] =	sst s5  }
0xe: {  	[smem:$0x3FA8] =	sst s6  }
0xf: {  	[smem:$0x3FA9] =	sst s7  }
0x10: {  	[smem:$0x3FAA] =	sst s8  }
0x11: {  	[smem:$0x3FAB] =	sst s9;
	s0 =	simm.s32 @!p0 $0x0  }
0x12: {  	s1 =	sld [smem:$0x3F91];
	s0 =	simm.s32 @p0 $0x1  }
0x13: {  	[smem:$0x3FAC] =	sst s0;
	s0 =	simm.s32 @!p1 $0x0  }
0x14: {  	s2 =	sld [smem:$0x3F90];
	s0 =	simm.s32 @p1 $0x1  }
0x15: {  	[smem:$0x3FAD] =	sst s0;
	s0 =	simm.s32 @!p2 $0x0  }
0x16: {  	s3 =	sld [smem:$0x3FDB];
	s0 =	simm.s32 @p2 $0x1  }
0x17: {  	s4 =	simm.s32 $0x1BF5;
	[smem:$0x3FAF] =	sst s0  }
0x18: {  	s0 =	sld [smem:$0x3F92];
	_ =	swait.ge [sflag:s4], $0x0  }
0x19: {  	s7 =	sld [smem:$0x3F93]  }
0x1a: {  	s8 =	sadd.s32 $0xFFFFE003, lr  }
0x1b: {  	s9 =	sadd.s32 $0xFFFFFEF7, lr;
	s5 =	simm.s32 $0xFFFFFFFF;
	p2 =	slt.u32 s8, $0xFFFFF086  }
0x1c: {  	p1 =	slt.u32 s9, $0xF7A;
	s5 =	simm.s32 @!p2 $0x0  }
0x1d: {  	s5 =	simm.s32 @p1 $0x1;
	p0 =	seq.s32 s7, s2  }
0x1e: {  	s7 =	smul.u32 @!p0 $0xF7A, s2;
	p2 =	seq.s32 @!p0 s5, $0x0  }
0x1f: {  	s9 =	smul.u32 $0xF7A, s1;
	s8 =	simm.s32 @!p0 $0x1BF5;
	p2 =	por !p2, p0  }
0x20: {  	[sflag:s8] =	ssyncset.s32 @!p0 $0xFFFFF086;
	s6 =	sadd.s32 @!p0 s3, s7;
	s7 =	simm.s32 @!p0 $0x108  }
0x21: {  	s3 =	sadd.s32 s3, s9;
	s6 =	sadd.s32 @!p0 $0x88, s6;
	s7 =	simm.s32 @p2 $0x1082  }
0x22: {  	[simem:s7], [sflag:s8] =	dma.local @!p0 [hbm:s6], $0xF7A  }
0x23: {  	s9 =	sor.u32 $0xD0000000, s2;
	s6 =	simm.s32 $0x108;
	_ =	swait.ge @!p0 [sflag:s8], $0x0  }
0x24: {  	s3 =	sadd.s32 $0x88, s3;
	s6 =	simm.s32 @!p1 $0x1082;
	[sflag:s4] =	ssyncset.s32 $0xFFFFF086  }
0x25: {  	[simem:s6], [sflag:s4] =	dma.local [hbm:s3], $0xF7A  }
0x26: {  	[smem:$0x3F93] =	sst s1;
	(tag) =	ssettag s2;
	_ =	strace s9  }
0x27: {  	s1 =	sld [smem:$0x3FA3]  }
0x28: {  	s2 =	sld [smem:$0x3FA4]  }
0x29: {  	s4 =	sld [smem:$0x3FA6]  }
0x2a: {  	p0 =	seq.s32 s5, $0x0;
	s5 =	sld [smem:$0x3FA7]  }
0x2b: {  	s6 =	sld [smem:$0x3FA8]  }
0x2c: {  	s7 =	sld [smem:$0x3FA9]  }
0x2d: {  	s3 =	simm.s32 $0x108;
	s8 =	sld [smem:$0x3FAA]  }
0x2e: {  	s3 =	simm.s32 @!p0 $0x1082;
	s9 =	sld [smem:$0x3FAB]  }
0x2f: {  	lr =	sadd.s32 s0, s3;
	s0 =	sld [smem:$0x3FA2]  }
0x30: {  	s3 =	sld [smem:$0x3FA5]  }
0x31: {  	[smem:$0x3FAE] =	sst s10  }
0x32: {  	s10 =	sld [smem:$0x3FAC];
	_ =	sdelay $0x3  }
0x33: {  	p0 =	seq.s32 s10, $0x1;
	s10 =	sld [smem:$0x3FAE];
	_ =	sdelay $0x3  }
0x34: {  	[smem:$0x3FAE] =	sst s10  }
0x35: {  	s10 =	sld [smem:$0x3FAD];
	_ =	sdelay $0x3  }
0x36: {  	p1 =	seq.s32 s10, $0x1;
	s10 =	sld [smem:$0x3FAE];
	_ =	sdelay $0x3  }
0x37: {  	[smem:$0x3FAE] =	sst s10  }
0x38: {  	s10 =	sld [smem:$0x3FAF]  }
0x39: {  	_ = 	snop;
	(pc) =	sbr.ind lr, $3  }
0x3a: {  	_ = 	snop  }
0x3b: {  	_ = 	snop  }
0x3c: {  	p2 =	seq.s32 s10, $0x1;
	s10 =	sld [smem:$0x3FAE]  }
0x3d: {  	_ =	shalt  }
0x3e: {  	_ =	shalt  }
0x3f: {  	_ =	shalt  }
0x40: {  	_ =	shalt  }
0x41: {  	_ =	shalt  }
0x42: {  	_ =	shalt  }
0x43: {  	_ =	shalt  }
0x44: {  	_ =	shalt  }
0x45: {  	_ =	shalt  }
0x46: {  	_ =	shalt  }
0x47: {  	_ =	shalt  }
0x48: {  	_ =	shalt  }
0x49: {  	_ =	shalt  }
0x4a: {  	_ =	shalt  }
0x4b: {  	_ =	shalt  }
0x4c: {  	_ =	shalt  }
0x4d: {  	_ =	shalt  }
0x4e: {  	_ =	shalt  }
0x4f: {  	_ =	shalt  }
0x50: {  	_ =	shalt  }
0x51: {  	_ =	shalt  }
0x52: {  	_ =	shalt  }
0x53: {  	_ =	shalt  }
0x54: {  	_ =	shalt  }
0x55: {  	_ =	shalt  }
0x56: {  	_ =	shalt  }
0x57: {  	_ =	shalt  }
0x58: {  	_ =	shalt  }
0x59: {  	_ =	shalt  }
0x5a: {  	_ =	shalt  }
0x5b: {  	_ =	shalt  }
0x5c: {  	_ =	shalt  }
0x5d: {  	_ =	shalt  }
0x5e: {  	_ =	shalt  }
0x5f: {  	_ =	shalt  }
0x60: {  	_ =	shalt  }
0x61: {  	_ =	shalt  }
0x62: {  	_ =	shalt  }
0x63: {  	_ =	shalt  }
0x64: {  	_ =	shalt  }
0x65: {  	_ =	shalt  }
0x66: {  	_ =	shalt  }
0x67: {  	_ =	shalt  }
0x68: {  	_ =	shalt  }
0x69: {  	_ =	shalt  }
0x6a: {  	_ =	shalt  }
0x6b: {  	_ =	shalt  }
0x6c: {  	_ =	shalt  }
0x6d: {  	_ =	shalt  }
0x6e: {  	_ =	shalt  }
0x6f: {  	_ =	shalt  }
0x70: {  	_ =	shalt  }
0x71: {  	_ =	shalt  }
0x72: {  	_ =	shalt  }
0x73: {  	_ =	shalt  }
0x74: {  	_ =	shalt  }
0x75: {  	_ =	shalt  }
0x76: {  	_ =	shalt  }
0x77: {  	_ =	shalt  }
0x78: {  	_ =	shalt  }
0x79: {  	_ =	shalt  }
0x7a: {  	_ =	shalt  }
0x7b: {  	_ =	shalt  }
0x7c: {  	_ =	shalt  }
0x7d: {  	_ =	shalt  }
0x7e: {  	_ =	shalt  }
0x7f: {  	_ =	shalt  }
0x80: {  	_ =	shalt  }
0x81: {  	_ =	shalt  }
0x82: {  	_ =	shalt  }
0x83: {  	_ =	shalt  }
0x84: {  	_ =	shalt  }
0x85: {  	_ =	shalt  }
0x86: {  	_ =	shalt  }
0x87: {  	_ =	shalt  }
.Lfunc_end0:
.L_simem_size_0:
called_computation.3_lowered:
.L_overlay_start_0:
0x88: {  	s2 =	sld [smem:$0x3FD9]  }
0x89: {  	s3 =	sld [smem:$0x3FFE];
	_ =	sdelay $0x1  }
0x8a: {  	s1 =	srdreg.scid  }
0x8b: {  	s0 =	sand.u32 $0x1, s1  }
0x8c: {  	s17 =	sshll.u32 s0, $0xA;
	s2 =	sadd.s32 s3, s2  }
0x8d: {  	s2 =	sadd.s32 s2, s17  }
0x8e: {  	[smem:$0x3FBA] =	sst s2  }
0x8f: {  	_ = 	snop  }
0x90: {  	s2 =	sld [smem:$0x3FD0];
	(tm) =	ssettm $0x1  }
0x91: {  	s18 =	sld [smem:$0x3FFB];
	_ =	sdelay $0x3  }
0x92: {  	_ =	strace s18  }
0x93: {  	s3 =	sld [smem:$0x3FFC];
	_ =	sdelay $0x3  }
0x94: {  	_ =	strace s3  }
0x95: {  	s3 =	sld [smem:$0x3FFD];
	_ =	sdelay $0x3  }
0x96: {  	_ =	strace s3  }
0x97: {  	_ =	strace $0x8FFFFFFF  }
0x98: {  	s19 =	sld [smem:$0x3FDB];
	_ =	sdelay $0x1  }
0x99: {  	s4 =	simm.s32 $_scs_section_size  }
0x9a: {  	s5 =	simm.s32 $_size__tile_overlayer_lowered;
	s6 =	simm.s32 $_tile_overlayer_lowered  }
0x9b: {  	s22 =	simm.s32 $0x1BFF;
	s21 =	sshll.u32 s6, $0x1;
	s3 =	sadd.s32 s4, s19  }
0x9c: {  	s7 =	simm.s32 $0x0;
	s20 =	sshll.u32 s5, $0x1;
	s5 =	sadd.s32 s21, s3  }
0x9d: {  	[timem:s7], [sflag:s22] =	dma.local [hbm:s5], s20  }
0x9e: {  	_ =	swait.ge [sflag:s22], s20  }
0x9f: {  	s4 =	ssub.s32 $0x0, s20;
	[sflag:s22] =	ssyncset.done $0x0  }
0xa0: {  	[sflag:s22] =	ssyncadd.s32 s4;
	_ =	sdelay $0x1  }
0xa1: {  	s23 =	simm.s32 $0x1B8B  }
0xa2: {  	_ =	swait.ge [sflag:s23], $0x1  }
0xa3: {  	[sflag:s23] =	ssyncset.done $0x0  }
0xa4: {  	s25 =	simm.s32 $0x1B8E;
	s24 =	sld [smem:$0x3FFE];
	[sflag:s23] =	ssyncadd.s32 $0xFFFFFFFF  }
0xa5: {  	s26 =	simm.s32 $execute0_lowered;
	[smem:$0x3FD2] =	sst s25  }
0xa6: {  	s5 =	sshll.u32 s26, $0x1;
	_ =	strace $0x8000004F;
	[dreg:$0x1] =	wrdreg $0xFFFFFFFF  }
0xa7: {  	s28 =	simm.s32 $_size_execute0_lowered;
	s3 =	sadd.s32 s3, s5;
	[dreg:$0x0] =	wrdreg $0x0  }
0xa8: {  	s5 =	sshll.u32 s28, $0x1;
	[dreg:$0x2] =	wrdreg s3  }
0xa9: {  	[dreg:$0x3] =	wrdreg s5  }
0xaa: {  	[dreg:$0x4] =	wrdreg $0xC0  }
0xab: {  	_ =	task [dreg:s7], $0x5FFFF  }
0xac: {  	[dreg:$0x1] =	wrdreg $0xFFFFFFFF  }
0xad: {  	[dreg:$0x0] =	wrdreg $0x60  }
0xae: {  	[dreg:$0x2] =	wrdreg s24  }
0xaf: {  	[dreg:$0x3] =	wrdreg s2  }
0xb0: {  	[dreg:$0x4] =	wrdreg $0x9  }
0xb1: {  	_ =	task.clear_ibuf [dreg:s7], $0x5FFFF;
	_ =	strace $0x9000004F  }
0xb2: {  	s29 =	simm.s32 $0x9;
	_ =	strace $0x80000051  }
0xb3: {  	_ =	swait.ge [sflag:s29], $0x1  }
0xb4: {  	[sflag:s29] =	ssyncadd.s32 $0xFFFFFFFF  }
0xb5: {  	_ =	strace $0x90000051  }
0xb6: {  	_ =	sfence  }
0xb7: {  	s30 =	sld [smem:$0x0];
	_ =	sdelay $0x2  }
0xb8: {  	s31 =	sshll.u32 s1, $0xD;
	s1 =	sshrl.u32 s1, $0x2  }
0xb9: {  	s3 =	sand.u32 $0x4000, s31;
	s1 =	sadd.s32 s1, s30  }
0xba: {  	s0 =	sor.u32 s3, s0;
	s1 =	sshll.u32 s1, $0x11  }
0xbb: {  	s0 =	sor.u32 s1, s0  }
0xbc: {  	s0 =	sadd.s32 $0x8F2B, s0  }
0xbd: {  	[sflag:s0] =	ssyncadd.remote.s32 $0x1  }
0xbe: {  	_ =	sfence.sel $0xFFFF  }
0xbf: {  	[dreg:$0x0] =	wrdreg $0xFFFFFFFF;
	(pc) =	sbr.abs _section_cstart, $3  }
0xc0: {  	[dreg:$0x1] =	wrdreg $0xFFFFFFFF  }
0xc1: {  	_ =	task.clear_ibuf [dreg:s7], $0x2FFFF;
	_ =	strace $0x9FFFFFFF  }
0xc2: {  	(tm) =	ssettm $0x7FFFFFFF  }
0xc3: {  	_ =	shalt  }
tec
execute0_lowered:
.L_overlay_start_1:
0x0: {  	(tag) =	ssettag $0x1  }
0x1: {  	s0 =	rddreg [dreg:$0x0]  }
0x2: {  	s1 =	rddreg [dreg:$0x1];
	s2 =	srdreg.scid;
	s3 =	simm.s32 $0x0  }
0x3: {  	s17 =	stileid.u32;
	s28 =	simm.s32 $0x4;
	s29 =	simm.s32 $0x0  }
0x4: {  	s2 =	sand.u32 $0x1, s2;
	[smem:$0x7FF] =	sst s3;
	s12 =	smul.u32 $0x61A8, s17  }
0x5: {  	s6 =	sadd.s32 $0x36E00, s0;
	s13 =	sadd.s32 $0x98A00, s0;
	s26 =	smul.u32 $0x30D40, s17  }
0x6: {  	s14 =	sadd.s32 $0x6B3200, s0;
	s4 =	sshll.u32 s2, $0x4;
	s10 =	smul.u32 $0x61A80, s2  }
0x7: {  	_ =	strace $0x80000050;
	s16 =	smul.u32 $0x30D400, s2;
	s5 =	sor.u32 s17, s4  }
0x8: {  	s9 =	ssub.s32 $0x2, s2;
	s4 =	sadd.s32 $0x1E600, s0;
	s7 =	smul.u32 $0x61A8, s5  }
0x9: {  	s11 =	sshrl.u32 s9, $0x1;
	s17 =	simm.s32 $0x190;
	s8 =	smul.u32 $0x186A00, s5  }
0xa: {  	s5 =	sadd.s32 $0x5E00, s0;
	s18 =	ssub.s32 s9, s11;
	s12 =	sadd.s32 s12, s10  }
0xb: {  	s30 =	sadd.s32 s16, s14;
	s21 =	sadd.s32 $0xC8, s12;
	s11 =	smax.u32 s18, $0x1  }
0xc: {  	s0 =	sadd.s32 $0x190, s12;
	s31 =	sadd.s32 s26, s30;
	s18 =	simm.s32 $0xC8  }
0xd: {  	s7 =	sshrl.u32 s7, $0x3;
	s8 =	sshrl.u32 s8, $0x3;
	s23 =	sshrl.u32 s21, $0x3  }
0xe: {  	[dreg:$0x5] =	wrdreg s31;
	s21 =	simm.s32 $0x258;
	s19 =	sadd.s32 s4, s7  }
0xf: {  	s20 =	sadd.s32 $0x30700, s8;
	s7 =	sadd.s32 s5, s7;
	[dreg:$0x6] =	wrdreg s19  }
0x10: {  	s15 =	sshll.u32 s23, $0x6;
	s2 =	sadd.s32 s23, s5;
	[dreg:$0x7] =	wrdreg s7  }
0x11: {  	s22 =	sadd.s32 s13, s20;
	s10 =	sadd.s32 s14, s20;
	s24 =	sadd.s32 s15, s13  }
0x12: {  	s25 =	sadd.s32 s15, s14;
	s14 =	sadd.s32 s23, s4;
	s13 =	sadd.s32 s16, s13  }
0x13: {  	s16 =	simm.s32 $0x5;
	s19 =	simm.s32 $0x320;
	[dreg:$0x8] =	wrdreg s22  }
0x14: {  	s20 =	simm.s32 $0x6720;
	s23 =	simm.s32 $0x9920;
	[dreg:$0x3] =	wrdreg s24  }
0x15: {  	[dreg:$0x4] =	wrdreg s25;
	s15 =	sadd.s32 s26, s13;
	s22 =	simm.s32 $0x3520  }
0x16: {  	s24 =	simm.s32 $0x1;
	s25 =	simm.s32 $0x3;
	s26 =	simm.s32 $0x2  }
.LBB2_1:
0x17: {  	s7 =	rddreg [dreg:$0x6]  }
0x18: {  	[tilespmem:s3], [sflag:$0x5] =	stream.linear.gather [hbm4b:s7+s3], $0xC8, $0x38;
	[tilespmem:$0xCB20] =	vst v63  }
0x19: {  	_ =	swait.ge [sflag:s16], $0xC8  }
0x1a: {  	[sflag:s16] =	ssyncset.done $0x0  }
0x1b: {  	s12 =	rddreg [dreg:$0x7];
	[sflag:s16] =	ssyncadd.s32 $0xFFFFFF38  }
0x1c: {  	[tilespmem:s17], [sflag:$0x5] =	stream.linear.gather [hbm4b:s12+s3], $0xC8, $0x38;
	[tilespmem:$0xCB20] =	vst v63  }
0x1d: {  	_ =	swait.ge [sflag:s16], $0xC8  }
0x1e: {  	[sflag:s16] =	ssyncset.done $0x0  }
0x1f: {  	[sflag:s16] =	ssyncadd.s32 $0xFFFFFF38  }
0x20: {  	[tilespmem:s19], [sflag:$0x1] =	stream.indirect.gather [hbm4b:s1+s18], $0x40, s3, s18, $0xb8;
	[tilespmem:$0xCB20] =	vst v63  }
0x21: {  	_ = 	snop  }
0x22: {  	[tilespmem:s20], [sflag:$0x3] =	stream.indirect.gather [hbm4b:s6+s18], $0x40, s17, s18, $0xb8;
	[tilespmem:$0xCB20] =	vst v63  }
0x23: {  	_ = 	snop  }
0x24: {  	[tilespmem:s18], [sflag:$0x5] =	stream.linear.gather [hbm4b:s14+s3], $0xC8, $0x38;
	[tilespmem:$0xCB20] =	vst v63  }
0x25: {  	_ =	swait.ge [sflag:s16], $0xC8  }
0x26: {  	[sflag:s16] =	ssyncset.done $0x0  }
0x27: {  	[sflag:s16] =	ssyncadd.s32 $0xFFFFFF38  }
0x28: {  	[tilespmem:s21], [sflag:$0x5] =	stream.linear.gather [hbm4b:s2+s3], $0xC8, $0x38;
	[tilespmem:$0xCB20] =	vst v63  }
0x29: {  	_ =	swait.ge [sflag:s16], $0xC8  }
0x2a: {  	[sflag:s16] =	ssyncset.done $0x0  }
0x2b: {  	[sflag:s16] =	ssyncadd.s32 $0xFFFFFF38  }
0x2c: {  	[tilespmem:s22], [sflag:$0x2] =	stream.indirect.gather [hbm4b:s1+s18], $0x40, s18, s18, $0xb8;
	[tilespmem:$0xCB20] =	vst v63  }
0x2d: {  	_ = 	snop  }
0x2e: {  	[tilespmem:s23], [sflag:$0x4] =	stream.indirect.gather [hbm4b:s6+s18], $0x40, s21, s18, $0xb8;
	[tilespmem:$0xCB20] =	vst v63  }
0x2f: {  	_ =	swait.ge [sflag:s24], $0x3200  }
0x30: {  	[sflag:s24] =	ssyncset.done $0x0  }
0x31: {  	s13 =	sadd.s32 $0x0, s15;
	[sflag:s24] =	ssyncadd.s32 $0xFFFFCE00  }
0x32: {  	[hbm4b:s13+s3] =	stream.linear.scatter [tilespmem:s19], [sflag:$0x5], $0x3200, $0x38;
	[tilespmem:$0xCB20] =	vst v63  }
0x33: {  	_ =	swait.ge [sflag:s16], $0x3200  }
0x34: {  	[sflag:s16] =	ssyncset.done $0x0  }
0x35: {  	[sflag:s16] =	ssyncadd.s32 $0xFFFFCE00  }
0x36: {  	_ =	swait.ge [sflag:s25], $0x3200  }
0x37: {  	s8 =	rddreg [dreg:$0x5];
	[sflag:s25] =	ssyncset.done $0x0  }
0x38: {  	[sflag:s25] =	ssyncadd.s32 $0xFFFFCE00;
	s7 =	sadd.s32 $0x0, s8  }
0x39: {  	[hbm4b:s7+s3] =	stream.linear.scatter [tilespmem:s20], [sflag:$0x5], $0x3200, $0x38;
	[tilespmem:$0xCB20] =	vst v63  }
0x3a: {  	_ =	swait.ge [sflag:s16], $0x3200  }
0x3b: {  	s9 =	sshrl.u32 s0, $0x3;
	[sflag:s16] =	ssyncset.done $0x0  }
0x3c: {  	s12 =	sadd.s32 s4, s9;
	[sflag:s16] =	ssyncadd.s32 $0xFFFFCE00  }
0x3d: {  	[tilespmem:s3], [sflag:$0x5] =	stream.linear.gather [hbm4b:s12+s3], $0xC8, $0x38;
	[tilespmem:$0xCB20] =	vst v63  }
0x3e: {  	_ =	swait.ge [sflag:s16], $0xC8  }
0x3f: {  	[sflag:s16] =	ssyncset.done $0x0  }
0x40: {  	s7 =	sadd.s32 s5, s9;
	[sflag:s16] =	ssyncadd.s32 $0xFFFFFF38  }
0x41: {  	[tilespmem:s17], [sflag:$0x5] =	stream.linear.gather [hbm4b:s7+s3], $0xC8, $0x38;
	[tilespmem:$0xCB20] =	vst v63  }
0x42: {  	_ =	swait.ge [sflag:s16], $0xC8  }
0x43: {  	[sflag:s16] =	ssyncset.done $0x0  }
0x44: {  	[sflag:s16] =	ssyncadd.s32 $0xFFFFFF38  }
0x45: {  	[tilespmem:s19], [sflag:$0x1] =	stream.indirect.gather [hbm4b:s1+s18], $0x40, s3, s18, $0xb8;
	[tilespmem:$0xCB20] =	vst v63  }
0x46: {  	_ = 	snop  }
0x47: {  	[tilespmem:s20], [sflag:$0x3] =	stream.indirect.gather [hbm4b:s6+s18], $0x40, s17, s18, $0xb8;
	[tilespmem:$0xCB20] =	vst v63  }
0x48: {  	_ =	swait.ge [sflag:s26], $0x3200  }
0x49: {  	s12 =	rddreg [dreg:$0x3];
	[sflag:s26] =	ssyncset.done $0x0  }
0x4a: {  	[sflag:s26] =	ssyncadd.s32 $0xFFFFCE00;
	s7 =	sadd.s32 $0x0, s12  }
0x4b: {  	[hbm4b:s7+s3] =	stream.linear.scatter [tilespmem:s22], [sflag:$0x5], $0x3200, $0x38;
	[tilespmem:$0xCB20] =	vst v63  }
0x4c: {  	_ =	swait.ge [sflag:s16], $0x3200  }
0x4d: {  	[sflag:s16] =	ssyncset.done $0x0  }
0x4e: {  	[sflag:s16] =	ssyncadd.s32 $0xFFFFCE00  }
0x4f: {  	_ =	swait.ge [sflag:s28], $0x3200  }
0x50: {  	s13 =	rddreg [dreg:$0x4];
	[sflag:s28] =	ssyncset.done $0x0  }
0x51: {  	[sflag:s28] =	ssyncadd.s32 $0xFFFFCE00;
	s7 =	sadd.s32 $0x0, s13  }
0x52: {  	[hbm4b:s7+s3] =	stream.linear.scatter [tilespmem:s23], [sflag:$0x5], $0x3200, $0x38;
	[tilespmem:$0xCB20] =	vst v63  }
0x53: {  	s30 =	simm.s32 $0xC80;
	s31 =	sadd.s32 $0x32, s14;
	_ =	swait.ge [sflag:s16], $0x3200  }
0x54: {  	s12 =	smov.u32 s0;
	s13 =	smov.u32 s2;
	[sflag:s16] =	ssyncset.done $0x0  }
.LBB2_2:
0x55: {  	[sflag:s16] =	ssyncadd.s32 $0xFFFFCE00  }
0x56: {  	[tilespmem:s18], [sflag:$0x5] =	stream.linear.gather [hbm4b:s31+s3], $0xC8, $0x38;
	[tilespmem:$0xCB20] =	vst v63  }
0x57: {  	_ =	swait.ge [sflag:s16], $0xC8  }
0x58: {  	[sflag:s16] =	ssyncset.done $0x0  }
0x59: {  	s13 =	sadd.s32 $0x32, s13;
	[sflag:s16] =	ssyncadd.s32 $0xFFFFFF38  }
0x5a: {  	[tilespmem:s21], [sflag:$0x5] =	stream.linear.gather [hbm4b:s13+s3], $0xC8, $0x38;
	[tilespmem:$0xCB20] =	vst v63  }
0x5b: {  	_ =	swait.ge [sflag:s16], $0xC8  }
0x5c: {  	[sflag:s16] =	ssyncset.done $0x0  }
0x5d: {  	[sflag:s16] =	ssyncadd.s32 $0xFFFFFF38  }
0x5e: {  	[tilespmem:s22], [sflag:$0x2] =	stream.indirect.gather [hbm4b:s1+s18], $0x40, s18, s18, $0xb8;
	[tilespmem:$0xCB20] =	vst v63  }
0x5f: {  	_ = 	snop  }
0x60: {  	[tilespmem:s23], [sflag:$0x4] =	stream.indirect.gather [hbm4b:s6+s18], $0x40, s21, s18, $0xb8;
	[tilespmem:$0xCB20] =	vst v63  }
0x61: {  	_ =	swait.ge [sflag:s24], $0x3200  }
0x62: {  	s7 =	smov.u32 s30;
	[sflag:s24] =	ssyncset.done $0x0  }
0x63: {  	s8 =	sadd.s32 s7, s15;
	[sflag:s24] =	ssyncadd.s32 $0xFFFFCE00  }
0x64: {  	[hbm4b:s8+s3] =	stream.linear.scatter [tilespmem:s19], [sflag:$0x5], $0x3200, $0x38;
	[tilespmem:$0xCB20] =	vst v63  }
0x65: {  	_ =	swait.ge [sflag:s16], $0x3200  }
0x66: {  	[sflag:s16] =	ssyncset.done $0x0  }
0x67: {  	[sflag:s16] =	ssyncadd.s32 $0xFFFFCE00  }
0x68: {  	_ =	swait.ge [sflag:s25], $0x3200  }
0x69: {  	s9 =	rddreg [dreg:$0x5];
	[sflag:s25] =	ssyncset.done $0x0  }
0x6a: {  	[sflag:s25] =	ssyncadd.s32 $0xFFFFCE00;
	s8 =	sadd.s32 s7, s9  }
0x6b: {  	[hbm4b:s8+s3] =	stream.linear.scatter [tilespmem:s20], [sflag:$0x5], $0x3200, $0x38;
	[tilespmem:$0xCB20] =	vst v63  }
0x6c: {  	s12 =	sadd.s32 $0x190, s12;
	_ =	swait.ge [sflag:s16], $0x3200  }
0x6d: {  	s8 =	sshrl.u32 s12, $0x3;
	[sflag:s16] =	ssyncset.done $0x0  }
0x6e: {  	s9 =	sadd.s32 s4, s8;
	[sflag:s16] =	ssyncadd.s32 $0xFFFFCE00  }
0x6f: {  	[tilespmem:s3], [sflag:$0x5] =	stream.linear.gather [hbm4b:s9+s3], $0xC8, $0x38;
	[tilespmem:$0xCB20] =	vst v63  }
0x70: {  	_ =	swait.ge [sflag:s16], $0xC8  }
0x71: {  	[sflag:s16] =	ssyncset.done $0x0  }
0x72: {  	s8 =	sadd.s32 s5, s8;
	[sflag:s16] =	ssyncadd.s32 $0xFFFFFF38  }
0x73: {  	[tilespmem:s17], [sflag:$0x5] =	stream.linear.gather [hbm4b:s8+s3], $0xC8, $0x38;
	[tilespmem:$0xCB20] =	vst v63  }
0x74: {  	_ =	swait.ge [sflag:s16], $0xC8  }
0x75: {  	[sflag:s16] =	ssyncset.done $0x0  }
0x76: {  	[sflag:s16] =	ssyncadd.s32 $0xFFFFFF38  }
0x77: {  	[tilespmem:s19], [sflag:$0x1] =	stream.indirect.gather [hbm4b:s1+s18], $0x40, s3, s18, $0xb8;
	[tilespmem:$0xCB20] =	vst v63  }
0x78: {  	_ = 	snop  }
0x79: {  	[tilespmem:s20], [sflag:$0x3] =	stream.indirect.gather [hbm4b:s6+s18], $0x40, s17, s18, $0xb8;
	[tilespmem:$0xCB20] =	vst v63  }
0x7a: {  	_ =	swait.ge [sflag:s26], $0x3200  }
0x7b: {  	s9 =	rddreg [dreg:$0x3];
	[sflag:s26] =	ssyncset.done $0x0  }
0x7c: {  	[sflag:s26] =	ssyncadd.s32 $0xFFFFCE00;
	s8 =	sadd.s32 s7, s9  }
0x7d: {  	[hbm4b:s8+s3] =	stream.linear.scatter [tilespmem:s22], [sflag:$0x5], $0x3200, $0x38;
	[tilespmem:$0xCB20] =	vst v63  }
0x7e: {  	_ =	swait.ge [sflag:s16], $0x3200  }
0x7f: {  	[sflag:s16] =	ssyncset.done $0x0  }
0x80: {  	[sflag:s16] =	ssyncadd.s32 $0xFFFFCE00  }
0x81: {  	p0 =	sne.s32 s30, $0x2FA80;
	_ =	swait.ge [sflag:s28], $0x3200  }
.Ltmp0:
0x82: {  	s9 =	rddreg [dreg:$0x4];
	[sflag:s28] =	ssyncset.done $0x0;
	(pc) =	sbr.rel @p0 .LBB2_2-.Ltmp0, $4  }
0x83: {  	[sflag:s28] =	ssyncadd.s32 $0xFFFFCE00;
	s7 =	sadd.s32 s7, s9  }
0x84: {  	[hbm4b:s7+s3] =	stream.linear.scatter [tilespmem:s23], [sflag:$0x5], $0x3200, $0x38;
	[tilespmem:$0xCB20] =	vst v63  }
0x85: {  	_ =	swait.ge [sflag:s16], $0x3200  }
0x86: {  	s30 =	sadd.s32 $0xC80, s30;
	s31 =	sadd.s32 $0x32, s31;
	[sflag:s16] =	ssyncset.done $0x0  }
0x87: {  	[sflag:s16] =	ssyncadd.s32 $0xFFFFCE00  }
0x88: {  	_ =	swait.ge [sflag:s24], $0x3200  }
0x89: {  	[sflag:s24] =	ssyncset.done $0x0  }
0x8a: {  	s7 =	rddreg [dreg:$0x8];
	[sflag:s24] =	ssyncadd.s32 $0xFFFFCE00  }
0x8b: {  	[hbm4b:s7+s3] =	stream.linear.scatter [tilespmem:s19], [sflag:$0x5], $0x3200, $0x38;
	[tilespmem:$0xCB20] =	vst v63  }
0x8c: {  	_ =	swait.ge [sflag:s16], $0x3200  }
0x8d: {  	[sflag:s16] =	ssyncset.done $0x0  }
0x8e: {  	[sflag:s16] =	ssyncadd.s32 $0xFFFFCE00  }
0x8f: {  	s29 =	sadd.s32 $0x1, s29;
	_ =	swait.ge [sflag:s25], $0x3200  }
0x90: {  	p0 =	sne.s32 s29, s11;
	[sflag:s25] =	ssyncset.done $0x0  }
.Ltmp1:
0x91: {  	[sflag:s25] =	ssyncadd.s32 $0xFFFFCE00;
	(pc) =	sbr.rel @p0 .LBB2_1-.Ltmp1, $4  }
0x92: {  	[hbm4b:s10+s3] =	stream.linear.scatter [tilespmem:s20], [sflag:$0x5], $0x3200, $0x38;
	[tilespmem:$0xCB20] =	vst v63  }
0x93: {  	_ =	swait.ge [sflag:s16], $0x3200  }
0x94: {  	[sflag:s16] =	ssyncset.done $0x0  }
0x95: {  	[sflag:s16] =	ssyncadd.s32 $0xFFFFCE00  }
0x96: {  	_ =	sfence.sel $0x180000  }
0x97: {  	[bflag:$0x0] =	sbarrier.arrive $0xFFFF  }
0x98: {  	_ =	strace $0x90000050  }
0x99: {  	s0 =	stileid.u32;
	[bflag:$0x2] =	sbarrier.arrive $0xFFFF  }
0x9a: {  	p0 =	sne.s32 s0, $0x0;
	s0 =	rddreg [dreg:$0x2]  }
0x9b: {  	s0 =	sadd.s32 @!p0 $0x100000, s0  }
0x9c: {  	[sflag:s0] =	ssyncadd.tile.s32 @!p0 $0x1;
	_ =	shalt  }
.Lfunc_end2:
_tile_overlayer_lowered:
.L_overlay_start_2:
0x9d: {  	(tag) =	ssettag $0x2  }
0x9e: {  	s0 =	rddreg [dreg:$0x0];
	s2 =	stileid.u32  }
0x9f: {  	s1 =	rddreg [dreg:$0x1];
	p0 =	sne.s32 s2, $0x0  }
0xa0: {  	s3 =	rddreg [dreg:$0x2];
	[bflag:$0x3] =	sbarrier.arrive $0xFFFF;
	s2 =	simm.s32 @!p0 $0x1C05  }
0xa1: {  	[timem:s3], [sflag:s2] =	dma.local @!p0 [hbm:s0], s1  }
0xa2: {  	s0 =	simm.s32 @!p0 $0x5  }
0xa3: {  	_ =	swait.ge @!p0 [sflag:s0], s1  }
0xa4: {  	s1 =	ssub.s32 @!p0 $0x0, s1;
	[sflag:s0] =	ssyncset.done @!p0 $0x0  }
0xa5: {  	[sflag:s0] =	ssyncadd.s32 @!p0 s1  }
0xa6: {  	[bflag:$0x3] =	sbarrier.arrive $0xFFFF  }
0xa7: {  	_ =	shalt  }

</sc_bundles>
